<compile_context>
chip_gen: v7x
topology: tpu7x:2x2x1
jax: 0.10.2.dev20260603
libtpu: 0.0.44.dev20260713+nightly
codegen_flags: <defaults>
</compile_context>

<pallas_src>
import functools

import jax
import jax.numpy as jnp
from jax import lax
from jax.experimental import pallas as pl
from jax.experimental.pallas import tpu as pltpu
from jax.experimental.pallas import tpu_sc as plsc

N = 10000
D = 128
H = 8
C = 128
FF = 128

NC = 2
NS = 16
NW = NC * NS

NP = 10240
K1 = 128
K3 = 16
EALIGN = 2 * NW * K1

ROWS_PER_TILE = NP // NS


def _leaky_exp(t):
    return jnp.exp(jnp.maximum(t, 0.2 * t))



def _p0_body(x_ref, wg_ref, acat_ref, h_ref, acomb_ref):
    hb = jnp.dot(x_ref[...], wg_ref[...], preferred_element_type=jnp.float32)
    h_ref[...] = hb.astype(jnp.bfloat16)
    acomb_ref[...] = jnp.dot(hb, acat_ref[...],
                             preferred_element_type=jnp.float32)


def _p0(x_pad, w_gat, acat):
    bp = 512
    grid = (NP // bp,)
    return pl.pallas_call(
        _p0_body,
        grid=grid,
        in_specs=[
            pl.BlockSpec((bp, D), lambda i: (i, 0)),
            pl.BlockSpec((D, H * C), lambda i: (0, 0)),
            pl.BlockSpec((H * C, 128), lambda i: (0, 0)),
        ],
        out_specs=[
            pl.BlockSpec((bp, H * C), lambda i: (i, 0)),
            pl.BlockSpec((bp, 128), lambda i: (i, 0)),
        ],
        out_shape=[
            jax.ShapeDtypeStruct((NP, H * C), jnp.bfloat16),
            jax.ShapeDtypeStruct((NP, 128), jnp.float32),
        ],
    )(x_pad, w_gat, acat)



def _sc_mesh():
    return plsc.VectorSubcoreMesh(
        core_axis_name="c", subcore_axis_name="s", num_cores=NC, num_subcores=NS
    )


_SC_PARAMS = pltpu.CompilerParams(use_tc_tiling_on_sc=False,
                                  needs_layout_passes=False)


def _zero_rows(ref, ncols16):
    z = jnp.zeros((16,), jnp.float32)

    def body(r, _):
        for j in range(ncols16):
            ref[r, pl.ds(j * 16, 16)] = z
        return 0

    lax.fori_loop(0, ref.shape[0], body, 0)


def _p1_body(ep, src_hbm, dst_hbm, acomb_hbm, w_hbm, asum_hbm,
             idx_s0, idx_d0, idx_s1, idx_d1, idxx0, idxx1,
             srow0, drow0, srow1, drow1, wrow0, wrow1,
             stage, acc_sh, semg0, semg1, semi0, semi1,
             sems0, sems1, semw0, semw1):
    c = lax.axis_index("c")
    s = lax.axis_index("s")
    wid = s * NC + c
    idx_s = (idx_s0, idx_s1)
    idx_d = (idx_d0, idx_d1)
    idxx = (idxx0, idxx1)
    srow = (srow0, srow1)
    drow = (drow0, drow1)
    wrow = (wrow0, wrow1)
    semg = (semg0, semg1)
    semi = (semi0, semi1)
    sems = (sems0, sems1)
    semw = (semw0, semw1)

    _zero_rows(stage, 1)
    r0 = s * ROWS_PER_TILE
    for j in range(ROWS_PER_TILE // K1):
        pltpu.sync_copy(stage, acc_sh.at[pl.ds(r0 + j * K1, K1)])
    plsc.subcore_barrier()

    per_w = ep // K1 // NW
    base0 = wid * per_w
    last = per_w - 1

    def idx_issue(jj, b):
        bs = (base0 + jj) * K1
        pltpu.async_copy(src_hbm.at[pl.ds(bs, K1)], idx_s[b], semi[b])
        pltpu.async_copy(dst_hbm.at[pl.ds(bs, K1)], idx_d[b], semi[b])

    def idx_wait(b):
        pltpu.make_async_copy(
            src_hbm.at[pl.ds(0, K1)], idx_s[b], semi[b]).wait()
        pltpu.make_async_copy(
            dst_hbm.at[pl.ds(0, K1)], idx_d[b], semi[b]).wait()

    def g_issue(b):
        pltpu.async_copy(acomb_hbm.at[idx_s[b]], srow[b], semg[b])
        pltpu.async_copy(acomb_hbm.at[idx_d[b]], drow[b], semg[b])

    def g_wait(b):
        pltpu.make_async_copy(acomb_hbm.at[idx_s[b]], srow[b], semg[b]).wait()
        pltpu.make_async_copy(acomb_hbm.at[idx_d[b]], drow[b], semg[b]).wait()

    def s_wait(b):
        pltpu.make_async_copy(wrow[b], acc_sh.at[idxx[b]], sems[b]).wait()

    def w_wait(b):
        pltpu.make_async_copy(
            wrow[b], w_hbm.at[pl.ds(0, K1)], semw[b]).wait()

    pltpu.sync_copy(src_hbm.at[pl.ds(base0 * K1, K1)], idx_s0)
    pltpu.sync_copy(dst_hbm.at[pl.ds(base0 * K1, K1)], idx_d0)
    g_issue(0)
    idx_issue(jnp.minimum(1, last), 1)
    _zero_rows(wrow0, 1)
    _zero_rows(wrow1, 1)
    zi = jnp.zeros((16,), jnp.int32)
    for t in range(K1 // 16):
        idxx1[pl.ds(t * 16, 16)] = zi
    pltpu.async_copy(wrow1, acc_sh.at[idxx1], sems1, add=True)
    pltpu.async_copy(wrow0, w_hbm.at[pl.ds(base0 * K1, K1)], semw0)
    pltpu.async_copy(
        wrow1, w_hbm.at[pl.ds((base0 + jnp.minimum(1, last)) * K1, K1)],
        semw1)

    def pair(i, _):
        for b in (0, 1):
            j = 2 * i + b
            nb = 1 - b
            idx_wait(nb)
            g_issue(nb)
            g_wait(b)
            w_wait(b)

            def erow(e, _):
                wrow[b][e] = _leaky_exp(srow[b][e, pl.ds(0, 16)]
                                        + drow[b][e, pl.ds(16, 16)])
                return 0

            lax.fori_loop(0, K1, erow, 0)
            s_wait(nb)
            for t in range(K1 // 16):
                idxx[b][pl.ds(t * 16, 16)] = idx_d[b][pl.ds(t * 16, 16)]
            pltpu.async_copy(wrow[b], acc_sh.at[idxx[b]], sems[b], add=True)
            pltpu.async_copy(
                wrow[b], w_hbm.at[pl.ds((base0 + j) * K1, K1)], semw[b])
            idx_issue(jnp.minimum(j + 2, last), b)
        return 0

    lax.fori_loop(0, per_w // 2, pair, 0)
    g_wait(0)
    idx_wait(1)
    s_wait(1)
    w_wait(0)
    w_wait(1)
    plsc.subcore_barrier()

    for j in range(ROWS_PER_TILE // K1):
        pltpu.sync_copy(acc_sh.at[pl.ds(r0 + j * K1, K1)], stage)
        pltpu.sync_copy(stage, asum_hbm.at[c, pl.ds(r0 + j * K1, K1)])


def _p1(src, dst, acomb, ep):
    kfn = functools.partial(
        pl.kernel,
        out_type=[
            jax.ShapeDtypeStruct((ep, 16), jnp.float32),
            jax.ShapeDtypeStruct((NC, NP, 16), jnp.float32),
        ],
        mesh=_sc_mesh(),
        compiler_params=_SC_PARAMS,
        scratch_types=[
            pltpu.VMEM((K1,), jnp.int32),
            pltpu.VMEM((K1,), jnp.int32),
            pltpu.VMEM((K1,), jnp.int32),
            pltpu.VMEM((K1,), jnp.int32),
            pltpu.VMEM((K1,), jnp.int32),
            pltpu.VMEM((K1,), jnp.int32),
            pltpu.VMEM((K1, 128), jnp.float32),
            pltpu.VMEM((K1, 128), jnp.float32),
            pltpu.VMEM((K1, 128), jnp.float32),
            pltpu.VMEM((K1, 128), jnp.float32),
            pltpu.VMEM((K1, 16), jnp.float32),
            pltpu.VMEM((K1, 16), jnp.float32),
            pltpu.VMEM((K1, 16), jnp.float32),
            pltpu.VMEM_SHARED((NP, 16), jnp.float32),
            pltpu.SemaphoreType.DMA,
            pltpu.SemaphoreType.DMA,
            pltpu.SemaphoreType.DMA,
            pltpu.SemaphoreType.DMA,
            pltpu.SemaphoreType.DMA,
            pltpu.SemaphoreType.DMA,
            pltpu.SemaphoreType.DMA,
            pltpu.SemaphoreType.DMA,
        ],
    )(functools.partial(_p1_body, ep))
    return kfn(src, dst, acomb)



def _p2_body(asum_ref, rec_ref):
    a = asum_ref[0] + asum_ref[1]
    r = (1.0 / H) / (a + 1e-16)
    bp = r.shape[0]
    rec_ref[...] = jnp.concatenate(
        [r, jnp.zeros((bp, 112), jnp.float32)], axis=-1)


def _p2(asum):
    bp = 1024
    return pl.pallas_call(
        _p2_body,
        grid=(NP // bp,),
        in_specs=[pl.BlockSpec((NC, bp, 16), lambda i: (0, i, 0))],
        out_specs=pl.BlockSpec((bp, 128), lambda i: (i, 0)),
        out_shape=jax.ShapeDtypeStruct((NP, 128), jnp.float32),
    )(asum)



def _p3_body(ep, src_hbm, dst_hbm, w_hbm, rec_hbm, h_hbm, z_hbm, out_hbm,
             idx_s0, idx_d0, idx_s1, idx_d1, idxx0, idxx1,
             wrow0, wrow1, recrow0, recrow1, hrows0, hrows1,
             mbuf0, mbuf1, acc_sh, semg0, semg1, semi0, semi1,
             sems0, sems1):
    c = lax.axis_index("c")
    s = lax.axis_index("s")
    wid = s * NC + c
    idx_s = (idx_s0, idx_s1)
    idx_d = (idx_d0, idx_d1)
    idxx = (idxx0, idxx1)
    wrow = (wrow0, wrow1)
    recrow = (recrow0, recrow1)
    hrows = (hrows0, hrows1)
    mbuf = (mbuf0, mbuf1)
    semg = (semg0, semg1)
    semi = (semi0, semi1)
    sems = (sems0, sems1)

    r0 = s * ROWS_PER_TILE
    pltpu.sync_copy(z_hbm, acc_sh.at[pl.ds(r0, ROWS_PER_TILE)])
    plsc.subcore_barrier()

    per_w = ep // K3 // NW
    base0 = wid * per_w
    last = per_w - 1

    def idx_issue(jj, b):
        bs = (base0 + jj) * K3
        pltpu.async_copy(src_hbm.at[pl.ds(bs, K3)], idx_s[b], semi[b])
        pltpu.async_copy(dst_hbm.at[pl.ds(bs, K3)], idx_d[b], semi[b])

    def idx_wait(b):
        pltpu.make_async_copy(
            src_hbm.at[pl.ds(0, K3)], idx_s[b], semi[b]).wait()
        pltpu.make_async_copy(
            dst_hbm.at[pl.ds(0, K3)], idx_d[b], semi[b]).wait()

    def g_issue(jj, b):
        bs = (base0 + jj) * K3
        pltpu.async_copy(w_hbm.at[pl.ds(bs, K3)], wrow[b], semg[b])
        pltpu.async_copy(rec_hbm.at[idx_d[b]], recrow[b], semg[b])
        pltpu.async_copy(h_hbm.at[idx_s[b]], hrows[b], semg[b])

    def g_wait(b):
        pltpu.make_async_copy(
            w_hbm.at[pl.ds(0, K3)], wrow[b], semg[b]).wait()
        pltpu.make_async_copy(rec_hbm.at[idx_d[b]], recrow[b], semg[b]).wait()
        pltpu.make_async_copy(h_hbm.at[idx_s[b]], hrows[b], semg[b]).wait()

    def s_wait(b):
        pltpu.make_async_copy(mbuf[b], acc_sh.at[idxx[b]], sems[b]).wait()

    pltpu.sync_copy(src_hbm.at[pl.ds(base0 * K3, K3)], idx_s0)
    pltpu.sync_copy(dst_hbm.at[pl.ds(base0 * K3, K3)], idx_d0)
    g_issue(0, 0)
    idx_issue(jnp.minimum(1, last), 1)
    _zero_rows(mbuf1, C // 16)
    idxx1[...] = jnp.zeros((16,), jnp.int32)
    pltpu.async_copy(mbuf1, acc_sh.at[idxx1], sems1, add=True)

    def pair(i, _):
        for b in (0, 1):
            j = 2 * i + b
            nb = 1 - b
            idx_wait(nb)
            g_issue(jnp.minimum(j + 1, last), nb)
            g_wait(b)
            s_wait(nb)

            def emsg(e, _):
                cvec = wrow[b][e] * recrow[b][e, pl.ds(0, 16)]
                acc_ev = [None] * (C // 32)
                acc_od = [None] * (C // 32)
                for h in range(H):
                    sp = jnp.full((16,), cvec[h])
                    for g in range(C // 32):
                        v32 = hrows[b][e, pl.ds(h * C + g * 32, 32)]
                        ev, od = plsc.unpack(
                            v32, format=plsc.PackFormat.INTERLEAVED)
                        if h == 0:
                            acc_ev[g] = sp * ev
                            acc_od[g] = sp * od
                        else:
                            acc_ev[g] = acc_ev[g] + sp * ev
                            acc_od[g] = acc_od[g] + sp * od
                for g in range(C // 32):
                    mbuf[b][e, pl.ds(g * 32, 16)] = acc_ev[g]
                    mbuf[b][e, pl.ds(g * 32 + 16, 16)] = acc_od[g]
                return 0

            lax.fori_loop(0, K3, emsg, 0)
            idxx[b][...] = idx_d[b][...]
            pltpu.async_copy(mbuf[b], acc_sh.at[idxx[b]], sems[b], add=True)
            idx_issue(jnp.minimum(j + 2, last), b)
        return 0

    lax.fori_loop(0, per_w // 2, pair, 0)
    g_wait(0)
    idx_wait(1)
    s_wait(1)
    plsc.subcore_barrier()

    pltpu.sync_copy(acc_sh.at[pl.ds(r0, ROWS_PER_TILE)],
                    out_hbm.at[c, pl.ds(r0, ROWS_PER_TILE)])


def _p3(src, dst, w, rec, h, zeros, ep):
    kfn = functools.partial(
        pl.kernel,
        out_type=jax.ShapeDtypeStruct((NC, NP, C), jnp.float32),
        mesh=_sc_mesh(),
        compiler_params=_SC_PARAMS,
        scratch_types=[
            pltpu.VMEM((K3,), jnp.int32),
            pltpu.VMEM((K3,), jnp.int32),
            pltpu.VMEM((K3,), jnp.int32),
            pltpu.VMEM((K3,), jnp.int32),
            pltpu.VMEM((K3,), jnp.int32),
            pltpu.VMEM((K3,), jnp.int32),
            pltpu.VMEM((K3, 16), jnp.float32),
            pltpu.VMEM((K3, 16), jnp.float32),
            pltpu.VMEM((K3, 128), jnp.float32),
            pltpu.VMEM((K3, 128), jnp.float32),
            pltpu.VMEM((K3, H * C), jnp.bfloat16),
            pltpu.VMEM((K3, H * C), jnp.bfloat16),
            pltpu.VMEM((K3, C), jnp.float32),
            pltpu.VMEM((K3, C), jnp.float32),
            pltpu.VMEM_SHARED((NP, C), jnp.float32),
            pltpu.SemaphoreType.DMA,
            pltpu.SemaphoreType.DMA,
            pltpu.SemaphoreType.DMA,
            pltpu.SemaphoreType.DMA,
            pltpu.SemaphoreType.DMA,
            pltpu.SemaphoreType.DMA,
        ],
    )(functools.partial(_p3_body, ep))
    return kfn(src, dst, w, rec, h, zeros)



def _ln(x, g, b):
    mu = jnp.mean(x, axis=-1, keepdims=True)
    xc = x - mu
    var = jnp.mean(xc * xc, axis=-1, keepdims=True)
    return xc * jax.lax.rsqrt(var + 1e-5) * g + b


def _p4_body(x_ref, op_ref, pm_ref, bg_ref, w1_ref, b1_ref, w2_ref, b2_ref,
             g1_ref, be1_ref, g2_ref, be2_ref, y_ref):
    out = jnp.dot(op_ref[0] + op_ref[1], pm_ref[...],
                  preferred_element_type=jnp.float32) + bg_ref[...]
    x1 = _ln(out + x_ref[...], g1_ref[...], be1_ref[...])
    hmid = jnp.maximum(
        jnp.dot(x1, w1_ref[...], preferred_element_type=jnp.float32)
        + b1_ref[...], 0.0)
    f = jnp.dot(hmid, w2_ref[...], preferred_element_type=jnp.float32) \
        + b2_ref[...]
    y_ref[...] = _ln(f + x1, g2_ref[...], be2_ref[...])


def _p4(x, outp, pmat, b_gat, w1, b1, w2, b2, g1, be1, g2, be2):
    bp = 1000
    vec = lambda i: (0,)
    return pl.pallas_call(
        _p4_body,
        grid=(N // bp,),
        in_specs=[
            pl.BlockSpec((bp, C), lambda i: (i, 0)),
            pl.BlockSpec((NC, bp, C), lambda i: (0, i, 0)),
            pl.BlockSpec((C, C), lambda i: (0, 0)),
            pl.BlockSpec((C,), vec),
            pl.BlockSpec((C, FF), lambda i: (0, 0)),
            pl.BlockSpec((FF,), vec),
            pl.BlockSpec((FF, C), lambda i: (0, 0)),
            pl.BlockSpec((C,), vec),
            pl.BlockSpec((C,), vec),
            pl.BlockSpec((C,), vec),
            pl.BlockSpec((C,), vec),
            pl.BlockSpec((C,), vec),
        ],
        out_specs=pl.BlockSpec((bp, C), lambda i: (i, 0)),
        out_shape=jax.ShapeDtypeStruct((N, C), jnp.float32),
    )(x, outp, pmat, b_gat, w1, b1, w2, b2, g1, be1, g2, be2)



def kernel(x, edge_index, W_gat, att_src, att_dst, b_gat,
           W1, b1, W2, b2, g1, be1, g2, be2):
    loop = jnp.arange(N, dtype=jnp.int32)
    src = jnp.concatenate([edge_index[0].astype(jnp.int32), loop])
    dst = jnp.concatenate([edge_index[1].astype(jnp.int32), loop])
    e2 = src.shape[0]
    ep = -(-e2 // EALIGN) * EALIGN
    pad = ep - e2
    src = jnp.concatenate([src, jnp.full((pad,), N, jnp.int32)])
    dst = jnp.concatenate([dst, jnp.full((pad,), N, jnp.int32)])

    x_pad = jnp.pad(x, ((0, NP - N), (0, 0)))

    eye = jnp.eye(H, dtype=jnp.float32)
    a_s = (att_src[0][:, :, None] * eye[:, None, :]).reshape(H * C, H)
    a_d = (att_dst[0][:, :, None] * eye[:, None, :]).reshape(H * C, H)
    acat = jnp.concatenate(
        [a_s, a_s, a_d, a_d, jnp.zeros((H * C, 96), jnp.float32)], axis=1)

    col = jnp.arange(C)
    g32, r32 = col // 32, col % 32
    pidx = jnp.where(r32 % 2 == 0, g32 * 32 + r32 // 2,
                     g32 * 32 + 16 + r32 // 2)
    pmat = jnp.zeros((C, C), jnp.float32).at[pidx, col].set(1.0)

    zeros = jnp.zeros((ROWS_PER_TILE, C), jnp.float32)

    h, acomb = _p0(x_pad, W_gat, acat)
    w, asum = _p1(src, dst, acomb, ep)
    rec = _p2(asum)
    outp = _p3(src, dst, w, rec, h, zeros, ep)
    return _p4(x, outp, pmat, b_gat, W1, b1, W2, b2, g1, be1, g2, be2)

# --- scband reference (transcript-rebuilt; emitter-appended) ---
"""Pipeline reference for scband-gattransformer-encoder-layer-8203387535545 (READ-ONLY COPY).

The authoritative reference and input builder live on the scoring server;
editing this copy changes nothing except your own understanding.
"""

import jax, jax.numpy as jnp
import numpy as np

N = 10000
E = 320000
D = 128
H = 8
C = 128
FF = 128


def _layernorm(x, g, b, eps=1e-5):
    mu = x.mean(-1, keepdims=True)
    var = ((x - mu) ** 2).mean(-1, keepdims=True)
    return (x - mu) / jnp.sqrt(var + eps) * g + b


def setup_inputs(seed: int = 0) -> dict:
    key = jax.random.key(seed)
    ks = jax.random.split(key, 8)
    s = 0.05
    return {
        "x": jax.random.normal(ks[0], (N, D), dtype=jnp.float32),
        "edge_index": jax.random.randint(ks[1], (2, E), 0, N),
        "W_gat": jax.random.normal(ks[2], (D, H * C), dtype=jnp.float32) * s,
        "att_src": jax.random.normal(ks[3], (1, H, C), dtype=jnp.float32) * s,
        "att_dst": jax.random.normal(ks[4], (1, H, C), dtype=jnp.float32) * s,
        "b_gat": jnp.zeros((C,), jnp.float32),
        "W1": jax.random.normal(ks[5], (C, FF), dtype=jnp.float32) * s,
        "b1": jnp.zeros((FF,), jnp.float32),
        "W2": jax.random.normal(ks[6], (FF, C), dtype=jnp.float32) * s,
        "b2": jnp.zeros((C,), jnp.float32),
        "g1": jnp.ones((C,), jnp.float32),
        "be1": jnp.zeros((C,), jnp.float32),
        "g2": jnp.ones((C,), jnp.float32),
        "be2": jnp.zeros((C,), jnp.float32),
    }


def reference(x, edge_index, W_gat, att_src, att_dst, b_gat, W1, b1, W2, b2, g1, be1, g2, be2):
    n = x.shape[0]
    # GATConv with add_self_loops=True (PyG default)
    loop = jnp.arange(n, dtype=edge_index.dtype)
    src = jnp.concatenate([edge_index[0], loop])
    dst = jnp.concatenate([edge_index[1], loop])
    h = (x @ W_gat).reshape(n, H, C)
    a_src = (h * att_src).sum(-1)  # [N, H]
    a_dst = (h * att_dst).sum(-1)  # [N, H]
    alpha = jax.nn.leaky_relu(a_src[src] + a_dst[dst], 0.2)  # [E+N, H]
    amax = jax.lax.stop_gradient(jax.ops.segment_max(alpha, dst, num_segments=n))
    alpha = jnp.exp(alpha - amax[dst])
    asum = jax.ops.segment_sum(alpha, dst, num_segments=n)
    alpha = alpha / (asum[dst] + 1e-16)
    out = jax.ops.segment_sum(h[src] * alpha[:, :, None], dst, num_segments=n)  # [N, H, C]
    out = out.mean(axis=1) + b_gat  # concat=False -> mean over heads
    # dropout in eval mode == identity
    x1 = _layernorm(out + x, g1, be1)
    f = jnp.maximum(x1 @ W1 + b1, 0.0) @ W2 + b2
    return _layernorm(f + x1, g2, be2)

if __name__ == "__main__":
    import jax
    _d = setup_inputs()
    print(jax.jit(kernel)(*tuple(_d.values())))

</pallas_src>

<mosaic_0001>
#map = affine_map<(d0, d1) -> (0)>
#map1 = affine_map<(d0, d1) -> (0, 0)>
#map2 = affine_map<(d0, d1) -> (0, 0, 0)>
module attributes {stable_mosaic.version = 14 : i64} {
  func.func @_p1_body(%arg0: i32, %arg1: i32, %arg2: memref<335872xi32, #tpu.memory_space<hbm>>, %arg3: memref<335872xi32, #tpu.memory_space<hbm>>, %arg4: memref<10240x128xf32, #tpu.memory_space<hbm>>, %arg5: memref<335872x16xf32, #tpu.memory_space<hbm>>, %arg6: memref<2x10240x16xf32, #tpu.memory_space<hbm>>, %arg7: memref<128xi32, #tpu.memory_space<vmem>>, %arg8: memref<128xi32, #tpu.memory_space<vmem>>, %arg9: memref<128xi32, #tpu.memory_space<vmem>>, %arg10: memref<128xi32, #tpu.memory_space<vmem>>, %arg11: memref<128xi32, #tpu.memory_space<vmem>>, %arg12: memref<128xi32, #tpu.memory_space<vmem>>, %arg13: memref<128x128xf32, #tpu.memory_space<vmem>>, %arg14: memref<128x128xf32, #tpu.memory_space<vmem>>, %arg15: memref<128x128xf32, #tpu.memory_space<vmem>>, %arg16: memref<128x128xf32, #tpu.memory_space<vmem>>, %arg17: memref<128x16xf32, #tpu.memory_space<vmem>>, %arg18: memref<128x16xf32, #tpu.memory_space<vmem>>, %arg19: memref<128x16xf32, #tpu.memory_space<vmem>>, %arg20: memref<10240x16xf32, #tpu.memory_space<vmem_shared>>, %arg21: memref<!tpu.dma_semaphore, #tpu.memory_space<semaphore_mem>>, %arg22: memref<!tpu.dma_semaphore, #tpu.memory_space<semaphore_mem>>, %arg23: memref<!tpu.dma_semaphore, #tpu.memory_space<semaphore_mem>>, %arg24: memref<!tpu.dma_semaphore, #tpu.memory_space<semaphore_mem>>, %arg25: memref<!tpu.dma_semaphore, #tpu.memory_space<semaphore_mem>>, %arg26: memref<!tpu.dma_semaphore, #tpu.memory_space<semaphore_mem>>, %arg27: memref<!tpu.dma_semaphore, #tpu.memory_space<semaphore_mem>>, %arg28: memref<!tpu.dma_semaphore, #tpu.memory_space<semaphore_mem>>) attributes {dimension_semantics = [#tpu.dimension_semantics<core_parallel>, #tpu.dimension_semantics<subcore_parallel>], iteration_bounds = array<i64: 2, 16>, scalar_prefetch = 0 : i64, scratch_operands = 22 : i64, tpu.core_type = #tpu.core_type<sc_vector_subcore>, window_params = [{transform_indices = #map}, {transform_indices = #map}, {transform_indices = #map1}, {transform_indices = #map1}, {transform_indices = #map2}]} {
    %mul3A = arith.constant 2 : i32
    %mul3A_0 = arith.muli %arg1, %mul3A : i32
    %add3A = arith.addi %mul3A_0, %arg0 : i32
    %broadcast_in_dim3A = arith.constant 0.000000e+00 : f32
    %broadcast_in_dim3A_1 = vector.broadcast %broadcast_in_dim3A : f32 to vector<16xf32>
    %scan3A = arith.constant 0 : i32
    %scan3A_2 = arith.constant 0 : i32
    %scan3A_3 = arith.constant 128 : i32
    %scan3A_4 = arith.addi %scan3A_2, %scan3A_3 : i32
    %scan3A_5 = arith.constant 1 : i32
    %scan3A_6 = scf.for %scan3A_150 = %scan3A_2 to %scan3A_4 step %scan3A_5 iter_args(%scan3A_151 = %scan3A) -> (i32)  : i32 {
      %swap3A_152 = arith.index_cast %scan3A_150 : i32 to index
      %swap3A_153 = arith.constant 0 : index
      %swap3A_154 = tpu.vector_load %arg19[%swap3A_152, %swap3A_153] {strides = array<i32>} : memref<128x16xf32, #tpu.memory_space<vmem>>, vector<16xf32>,
      tpu.vector_store %arg19[%swap3A_152, %swap3A_153], %broadcast_in_dim3A_1 {strides = array<i32>} : memref<128x16xf32, #tpu.memory_space<vmem>>, vector<16xf32>,
      %scan3A_155 = arith.constant 0 : i32
      scf.yield %scan3A_155 : i32
    }
    %scan3A_7 = arith.constant 128 : i32
    %mul3A_8 = arith.constant 640 : i32
    %mul3A_9 = arith.muli %arg1, %mul3A_8 : i32
    %add3A_10 = arith.constant 0 : i32
    %add3A_11 = arith.addi %mul3A_9, %add3A_10 : i32
    "tpu.region"() ({
      %run_scoped3A = tpu.sem_alloc : memref<!tpu.dma_semaphore, #tpu.memory_space<semaphore_mem>>
      %dma_start3A_150 = arith.constant 0 : i32
      %dma_start3A_151 = tpu.memref_slice %arg20[%add3A_11, %dma_start3A_150] : memref<10240x16xf32, #tpu.memory_space<vmem_shared>> -> memref<128x16xf32, #tpu.memory_space<vmem_shared>>
      %dma_start3A_152 = arith.constant 0 : i32
      %dma_start3A_153 = tpu.memref_slice %arg20[%add3A_11, %dma_start3A_152] : memref<10240x16xf32, #tpu.memory_space<vmem_shared>> -> memref<128x16xf32, #tpu.memory_space<vmem_shared>>
      tpu.enqueue_dma source(%arg19 : memref<128x16xf32, #tpu.memory_space<vmem>>) target(%dma_start3A_153 : memref<128x16xf32, #tpu.memory_space<vmem_shared>>) target_semaphore(%run_scoped3A : memref<!tpu.dma_semaphore, #tpu.memory_space<semaphore_mem>>)
      %dma_wait3A_154 = arith.constant 0 : i32
      %dma_wait3A_155 = tpu.memref_slice %arg20[%add3A_11, %dma_wait3A_154] : memref<10240x16xf32, #tpu.memory_space<vmem_shared>> -> memref<128x16xf32, #tpu.memory_space<vmem_shared>>
      %dma_wait3A_156 = arith.constant 0 : i32
      %dma_wait3A_157 = tpu.memref_slice %arg20[%add3A_11, %dma_wait3A_156] : memref<10240x16xf32, #tpu.memory_space<vmem_shared>> -> memref<128x16xf32, #tpu.memory_space<vmem_shared>>
      tpu.wait_dma2 semaphore(%run_scoped3A : memref<!tpu.dma_semaphore, #tpu.memory_space<semaphore_mem>>) src(%arg19 : memref<128x16xf32, #tpu.memory_space<vmem>>) dst(%dma_wait3A_157 : memref<128x16xf32, #tpu.memory_space<vmem_shared>>)
      tpu.yield
    }) : () -> ()
    %add3A_12 = arith.constant 128 : i32
    %add3A_13 = arith.addi %mul3A_9, %add3A_12 : i32
    "tpu.region"() ({
      %run_scoped3A = tpu.sem_alloc : memref<!tpu.dma_semaphore, #tpu.memory_space<semaphore_mem>>
      %dma_start3A_150 = arith.constant 0 : i32
      %dma_start3A_151 = tpu.memref_slice %arg20[%add3A_13, %dma_start3A_150] : memref<10240x16xf32, #tpu.memory_space<vmem_shared>> -> memref<128x16xf32, #tpu.memory_space<vmem_shared>>
      %dma_start3A_152 = arith.constant 0 : i32
      %dma_start3A_153 = tpu.memref_slice %arg20[%add3A_13, %dma_start3A_152] : memref<10240x16xf32, #tpu.memory_space<vmem_shared>> -> memref<128x16xf32, #tpu.memory_space<vmem_shared>>
      tpu.enqueue_dma source(%arg19 : memref<128x16xf32, #tpu.memory_space<vmem>>) target(%dma_start3A_153 : memref<128x16xf32, #tpu.memory_space<vmem_shared>>) target_semaphore(%run_scoped3A : memref<!tpu.dma_semaphore, #tpu.memory_space<semaphore_mem>>)
      %dma_wait3A_154 = arith.constant 0 : i32
      %dma_wait3A_155 = tpu.memref_slice %arg20[%add3A_13, %dma_wait3A_154] : memref<10240x16xf32, #tpu.memory_space<vmem_shared>> -> memref<128x16xf32, #tpu.memory_space<vmem_shared>>
      %dma_wait3A_156 = arith.constant 0 : i32
      %dma_wait3A_157 = tpu.memref_slice %arg20[%add3A_13, %dma_wait3A_156] : memref<10240x16xf32, #tpu.memory_space<vmem_shared>> -> memref<128x16xf32, #tpu.memory_space<vmem_shared>>
      tpu.wait_dma2 semaphore(%run_scoped3A : memref<!tpu.dma_semaphore, #tpu.memory_space<semaphore_mem>>) src(%arg19 : memref<128x16xf32, #tpu.memory_space<vmem>>) dst(%dma_wait3A_157 : memref<128x16xf32, #tpu.memory_space<vmem_shared>>)
      tpu.yield
    }) : () -> ()
    %add3A_14 = arith.constant 256 : i32
    %add3A_15 = arith.addi %mul3A_9, %add3A_14 : i32
    "tpu.region"() ({
      %run_scoped3A = tpu.sem_alloc : memref<!tpu.dma_semaphore, #tpu.memory_space<semaphore_mem>>
      %dma_start3A_150 = arith.constant 0 : i32
      %dma_start3A_151 = tpu.memref_slice %arg20[%add3A_15, %dma_start3A_150] : memref<10240x16xf32, #tpu.memory_space<vmem_shared>> -> memref<128x16xf32, #tpu.memory_space<vmem_shared>>
      %dma_start3A_152 = arith.constant 0 : i32
      %dma_start3A_153 = tpu.memref_slice %arg20[%add3A_15, %dma_start3A_152] : memref<10240x16xf32, #tpu.memory_space<vmem_shared>> -> memref<128x16xf32, #tpu.memory_space<vmem_shared>>
      tpu.enqueue_dma source(%arg19 : memref<128x16xf32, #tpu.memory_space<vmem>>) target(%dma_start3A_153 : memref<128x16xf32, #tpu.memory_space<vmem_shared>>) target_semaphore(%run_scoped3A : memref<!tpu.dma_semaphore, #tpu.memory_space<semaphore_mem>>)
      %dma_wait3A_154 = arith.constant 0 : i32
      %dma_wait3A_155 = tpu.memref_slice %arg20[%add3A_15, %dma_wait3A_154] : memref<10240x16xf32, #tpu.memory_space<vmem_shared>> -> memref<128x16xf32, #tpu.memory_space<vmem_shared>>
      %dma_wait3A_156 = arith.constant 0 : i32
      %dma_wait3A_157 = tpu.memref_slice %arg20[%add3A_15, %dma_wait3A_156] : memref<10240x16xf32, #tpu.memory_space<vmem_shared>> -> memref<128x16xf32, #tpu.memory_space<vmem_shared>>
      tpu.wait_dma2 semaphore(%run_scoped3A : memref<!tpu.dma_semaphore, #tpu.memory_space<semaphore_mem>>) src(%arg19 : memref<128x16xf32, #tpu.memory_space<vmem>>) dst(%dma_wait3A_157 : memref<128x16xf32, #tpu.memory_space<vmem_shared>>)
      tpu.yield
    }) : () -> ()
    %add3A_16 = arith.constant 384 : i32
    %add3A_17 = arith.addi %mul3A_9, %add3A_16 : i32
    "tpu.region"() ({
      %run_scoped3A = tpu.sem_alloc : memref<!tpu.dma_semaphore, #tpu.memory_space<semaphore_mem>>
      %dma_start3A_150 = arith.constant 0 : i32
      %dma_start3A_151 = tpu.memref_slice %arg20[%add3A_17, %dma_start3A_150] : memref<10240x16xf32, #tpu.memory_space<vmem_shared>> -> memref<128x16xf32, #tpu.memory_space<vmem_shared>>
      %dma_start3A_152 = arith.constant 0 : i32
      %dma_start3A_153 = tpu.memref_slice %arg20[%add3A_17, %dma_start3A_152] : memref<10240x16xf32, #tpu.memory_space<vmem_shared>> -> memref<128x16xf32, #tpu.memory_space<vmem_shared>>
      tpu.enqueue_dma source(%arg19 : memref<128x16xf32, #tpu.memory_space<vmem>>) target(%dma_start3A_153 : memref<128x16xf32, #tpu.memory_space<vmem_shared>>) target_semaphore(%run_scoped3A : memref<!tpu.dma_semaphore, #tpu.memory_space<semaphore_mem>>)
      %dma_wait3A_154 = arith.constant 0 : i32
      %dma_wait3A_155 = tpu.memref_slice %arg20[%add3A_17, %dma_wait3A_154] : memref<10240x16xf32, #tpu.memory_space<vmem_shared>> -> memref<128x16xf32, #tpu.memory_space<vmem_shared>>
      %dma_wait3A_156 = arith.constant 0 : i32
      %dma_wait3A_157 = tpu.memref_slice %arg20[%add3A_17, %dma_wait3A_156] : memref<10240x16xf32, #tpu.memory_space<vmem_shared>> -> memref<128x16xf32, #tpu.memory_space<vmem_shared>>
      tpu.wait_dma2 semaphore(%run_scoped3A : memref<!tpu.dma_semaphore, #tpu.memory_space<semaphore_mem>>) src(%arg19 : memref<128x16xf32, #tpu.memory_space<vmem>>) dst(%dma_wait3A_157 : memref<128x16xf32, #tpu.memory_space<vmem_shared>>)
      tpu.yield
    }) : () -> ()
    %add3A_18 = arith.constant 512 : i32
    %add3A_19 = arith.addi %mul3A_9, %add3A_18 : i32
    "tpu.region"() ({
      %run_scoped3A = tpu.sem_alloc : memref<!tpu.dma_semaphore, #tpu.memory_space<semaphore_mem>>
      %dma_start3A_150 = arith.constant 0 : i32
      %dma_start3A_151 = tpu.memref_slice %arg20[%add3A_19, %dma_start3A_150] : memref<10240x16xf32, #tpu.memory_space<vmem_shared>> -> memref<128x16xf32, #tpu.memory_space<vmem_shared>>
      %dma_start3A_152 = arith.constant 0 : i32
      %dma_start3A_153 = tpu.memref_slice %arg20[%add3A_19, %dma_start3A_152] : memref<10240x16xf32, #tpu.memory_space<vmem_shared>> -> memref<128x16xf32, #tpu.memory_space<vmem_shared>>
      tpu.enqueue_dma source(%arg19 : memref<128x16xf32, #tpu.memory_space<vmem>>) target(%dma_start3A_153 : memref<128x16xf32, #tpu.memory_space<vmem_shared>>) target_semaphore(%run_scoped3A : memref<!tpu.dma_semaphore, #tpu.memory_space<semaphore_mem>>)
      %dma_wait3A_154 = arith.constant 0 : i32
      %dma_wait3A_155 = tpu.memref_slice %arg20[%add3A_19, %dma_wait3A_154] : memref<10240x16xf32, #tpu.memory_space<vmem_shared>> -> memref<128x16xf32, #tpu.memory_space<vmem_shared>>
      %dma_wait3A_156 = arith.constant 0 : i32
      %dma_wait3A_157 = tpu.memref_slice %arg20[%add3A_19, %dma_wait3A_156] : memref<10240x16xf32, #tpu.memory_space<vmem_shared>> -> memref<128x16xf32, #tpu.memory_space<vmem_shared>>
      tpu.wait_dma2 semaphore(%run_scoped3A : memref<!tpu.dma_semaphore, #tpu.memory_space<semaphore_mem>>) src(%arg19 : memref<128x16xf32, #tpu.memory_space<vmem>>) dst(%dma_wait3A_157 : memref<128x16xf32, #tpu.memory_space<vmem_shared>>)
      tpu.yield
    }) : () -> ()
    %barrier3A = arith.constant 0 : index
    tpu.barrier barrier_id(%barrier3A)
    %mul3A_20 = arith.constant 82 : i32
    %mul3A_21 = arith.muli %add3A, %mul3A_20 : i32
    %mul3A_22 = arith.constant 128 : i32
    %mul3A_23 = arith.muli %mul3A_21, %mul3A_22 : i32
    "tpu.region"() ({
      %run_scoped3A = tpu.sem_alloc : memref<!tpu.dma_semaphore, #tpu.memory_space<semaphore_mem>>
      %dma_start3A_150 = tpu.memref_slice %arg2[%mul3A_23] : memref<335872xi32, #tpu.memory_space<hbm>> -> memref<128xi32, #tpu.memory_space<hbm>>
      %dma_start3A_151 = tpu.memref_slice %arg2[%mul3A_23] : memref<335872xi32, #tpu.memory_space<hbm>> -> memref<128xi32, #tpu.memory_space<hbm>>
      tpu.enqueue_dma source(%dma_start3A_151 : memref<128xi32, #tpu.memory_space<hbm>>) target(%arg7 : memref<128xi32, #tpu.memory_space<vmem>>) target_semaphore(%run_scoped3A : memref<!tpu.dma_semaphore, #tpu.memory_space<semaphore_mem>>)
      %dma_wait3A_152 = tpu.memref_slice %arg2[%mul3A_23] : memref<335872xi32, #tpu.memory_space<hbm>> -> memref<128xi32, #tpu.memory_space<hbm>>
      %dma_wait3A_153 = tpu.memref_slice %arg2[%mul3A_23] : memref<335872xi32, #tpu.memory_space<hbm>> -> memref<128xi32, #tpu.memory_space<hbm>>
      tpu.wait_dma2 semaphore(%run_scoped3A : memref<!tpu.dma_semaphore, #tpu.memory_space<semaphore_mem>>) src(%dma_wait3A_153 : memref<128xi32, #tpu.memory_space<hbm>>) dst(%arg7 : memref<128xi32, #tpu.memory_space<vmem>>)
      tpu.yield
    }) : () -> ()
    %mul3A_24 = arith.constant 128 : i32
    %mul3A_25 = arith.muli %mul3A_21, %mul3A_24 : i32
    "tpu.region"() ({
      %run_scoped3A = tpu.sem_alloc : memref<!tpu.dma_semaphore, #tpu.memory_space<semaphore_mem>>
      %dma_start3A_150 = tpu.memref_slice %arg3[%mul3A_25] : memref<335872xi32, #tpu.memory_space<hbm>> -> memref<128xi32, #tpu.memory_space<hbm>>
      %dma_start3A_151 = tpu.memref_slice %arg3[%mul3A_25] : memref<335872xi32, #tpu.memory_space<hbm>> -> memref<128xi32, #tpu.memory_space<hbm>>
      tpu.enqueue_dma source(%dma_start3A_151 : memref<128xi32, #tpu.memory_space<hbm>>) target(%arg8 : memref<128xi32, #tpu.memory_space<vmem>>) target_semaphore(%run_scoped3A : memref<!tpu.dma_semaphore, #tpu.memory_space<semaphore_mem>>)
      %dma_wait3A_152 = tpu.memref_slice %arg3[%mul3A_25] : memref<335872xi32, #tpu.memory_space<hbm>> -> memref<128xi32, #tpu.memory_space<hbm>>
      %dma_wait3A_153 = tpu.memref_slice %arg3[%mul3A_25] : memref<335872xi32, #tpu.memory_space<hbm>> -> memref<128xi32, #tpu.memory_space<hbm>>
      tpu.wait_dma2 semaphore(%run_scoped3A : memref<!tpu.dma_semaphore, #tpu.memory_space<semaphore_mem>>) src(%dma_wait3A_153 : memref<128xi32, #tpu.memory_space<hbm>>) dst(%arg8 : memref<128xi32, #tpu.memory_space<vmem>>)
      tpu.yield
    }) : () -> ()
    %dma_start3A = arith.constant 0 : i32
    %dma_start3A_26 = arith.constant 0 : i32
    %dma_start3A_27 = tpu.memref_slice %arg4[%dma_start3A, %dma_start3A_26] : memref<10240x128xf32, #tpu.memory_space<hbm>> -> memref<10240x128xf32, #tpu.memory_space<hbm>>
    tpu.enqueue_indirect_dma source(%dma_start3A_27 : memref<10240x128xf32, #tpu.memory_space<hbm>>) target(%arg13 : memref<128x128xf32, #tpu.memory_space<vmem>>) offsets(%arg7 : memref<128xi32, #tpu.memory_space<vmem>>) semaphore(%arg21 : memref<!tpu.dma_semaphore, #tpu.memory_space<semaphore_mem>>)
    %dma_start3A_28 = arith.constant 0 : i32
    %dma_start3A_29 = arith.constant 0 : i32
    %dma_start3A_30 = tpu.memref_slice %arg4[%dma_start3A_28, %dma_start3A_29] : memref<10240x128xf32, #tpu.memory_space<hbm>> -> memref<10240x128xf32, #tpu.memory_space<hbm>>
    tpu.enqueue_indirect_dma source(%dma_start3A_30 : memref<10240x128xf32, #tpu.memory_space<hbm>>) target(%arg14 : memref<128x128xf32, #tpu.memory_space<vmem>>) offsets(%arg8 : memref<128xi32, #tpu.memory_space<vmem>>) semaphore(%arg21 : memref<!tpu.dma_semaphore, #tpu.memory_space<semaphore_mem>>)
    %min3A = arith.constant 1 : i32
    %min3A_31 = arith.constant 81 : i32
    %min3A_32 = arith.minsi %min3A, %min3A_31 : i32
    %add3A_33 = arith.addi %mul3A_21, %min3A_32 : i32
    %mul3A_34 = arith.constant 128 : i32
    %mul3A_35 = arith.muli %add3A_33, %mul3A_34 : i32
    %dma_start3A_36 = tpu.memref_slice %arg2[%mul3A_35] : memref<335872xi32, #tpu.memory_space<hbm>> -> memref<128xi32, #tpu.memory_space<hbm>>
    %dma_start3A_37 = tpu.memref_slice %arg2[%mul3A_35] : memref<335872xi32, #tpu.memory_space<hbm>> -> memref<128xi32, #tpu.memory_space<hbm>>
    tpu.enqueue_dma source(%dma_start3A_37 : memref<128xi32, #tpu.memory_space<hbm>>) target(%arg9 : memref<128xi32, #tpu.memory_space<vmem>>) target_semaphore(%arg24 : memref<!tpu.dma_semaphore, #tpu.memory_space<semaphore_mem>>)
    %dma_start3A_38 = tpu.memref_slice %arg3[%mul3A_35] : memref<335872xi32, #tpu.memory_space<hbm>> -> memref<128xi32, #tpu.memory_space<hbm>>
    %dma_start3A_39 = tpu.memref_slice %arg3[%mul3A_35] : memref<335872xi32, #tpu.memory_space<hbm>> -> memref<128xi32, #tpu.memory_space<hbm>>
    tpu.enqueue_dma source(%dma_start3A_39 : memref<128xi32, #tpu.memory_space<hbm>>) target(%arg10 : memref<128xi32, #tpu.memory_space<vmem>>) target_semaphore(%arg24 : memref<!tpu.dma_semaphore, #tpu.memory_space<semaphore_mem>>)
    %broadcast_in_dim3A_40 = arith.constant 0.000000e+00 : f32
    %broadcast_in_dim3A_41 = vector.broadcast %broadcast_in_dim3A_40 : f32 to vector<16xf32>
    %scan3A_42 = arith.constant 0 : i32
    %scan3A_43 = arith.constant 0 : i32
    %scan3A_44 = arith.constant 128 : i32
    %scan3A_45 = arith.addi %scan3A_43, %scan3A_44 : i32
    %scan3A_46 = arith.constant 1 : i32
    %scan3A_47 = scf.for %scan3A_150 = %scan3A_43 to %scan3A_45 step %scan3A_46 iter_args(%scan3A_151 = %scan3A_42) -> (i32)  : i32 {
      %swap3A_152 = arith.index_cast %scan3A_150 : i32 to index
      %swap3A_153 = arith.constant 0 : index
      %swap3A_154 = tpu.vector_load %arg17[%swap3A_152, %swap3A_153] {strides = array<i32>} : memref<128x16xf32, #tpu.memory_space<vmem>>, vector<16xf32>,
      tpu.vector_store %arg17[%swap3A_152, %swap3A_153], %broadcast_in_dim3A_41 {strides = array<i32>} : memref<128x16xf32, #tpu.memory_space<vmem>>, vector<16xf32>,
      %scan3A_155 = arith.constant 0 : i32
      scf.yield %scan3A_155 : i32
    }
    %scan3A_48 = arith.constant 128 : i32
    %broadcast_in_dim3A_49 = arith.constant 0.000000e+00 : f32
    %broadcast_in_dim3A_50 = vector.broadcast %broadcast_in_dim3A_49 : f32 to vector<16xf32>
    %scan3A_51 = arith.constant 0 : i32
    %scan3A_52 = arith.constant 0 : i32
    %scan3A_53 = arith.constant 128 : i32
    %scan3A_54 = arith.addi %scan3A_52, %scan3A_53 : i32
    %scan3A_55 = arith.constant 1 : i32
    %scan3A_56 = scf.for %scan3A_150 = %scan3A_52 to %scan3A_54 step %scan3A_55 iter_args(%scan3A_151 = %scan3A_51) -> (i32)  : i32 {
      %swap3A_152 = arith.index_cast %scan3A_150 : i32 to index
      %swap3A_153 = arith.constant 0 : index
      %swap3A_154 = tpu.vector_load %arg18[%swap3A_152, %swap3A_153] {strides = array<i32>} : memref<128x16xf32, #tpu.memory_space<vmem>>, vector<16xf32>,
      tpu.vector_store %arg18[%swap3A_152, %swap3A_153], %broadcast_in_dim3A_50 {strides = array<i32>} : memref<128x16xf32, #tpu.memory_space<vmem>>, vector<16xf32>,
      %scan3A_155 = arith.constant 0 : i32
      scf.yield %scan3A_155 : i32
    }
    %scan3A_57 = arith.constant 128 : i32
    %broadcast_in_dim3A_58 = arith.constant 0 : i32
    %broadcast_in_dim3A_59 = vector.broadcast %broadcast_in_dim3A_58 : i32 to vector<16xi32>
    %swap3A = arith.constant 0 : index
    %swap3A_60 = tpu.vector_load %arg12[%swap3A] {strides = array<i32>} : memref<128xi32, #tpu.memory_space<vmem>>, vector<16xi32>,
    tpu.vector_store %arg12[%swap3A], %broadcast_in_dim3A_59 {strides = array<i32>} : memref<128xi32, #tpu.memory_space<vmem>>, vector<16xi32>,
    %swap3A_61 = arith.constant 16 : index
    %swap3A_62 = tpu.vector_load %arg12[%swap3A_61] {strides = array<i32>} : memref<128xi32, #tpu.memory_space<vmem>>, vector<16xi32>,
    tpu.vector_store %arg12[%swap3A_61], %broadcast_in_dim3A_59 {strides = array<i32>} : memref<128xi32, #tpu.memory_space<vmem>>, vector<16xi32>,
    %swap3A_63 = arith.constant 32 : index
    %swap3A_64 = tpu.vector_load %arg12[%swap3A_63] {strides = array<i32>} : memref<128xi32, #tpu.memory_space<vmem>>, vector<16xi32>,
    tpu.vector_store %arg12[%swap3A_63], %broadcast_in_dim3A_59 {strides = array<i32>} : memref<128xi32, #tpu.memory_space<vmem>>, vector<16xi32>,
    %swap3A_65 = arith.constant 48 : index
    %swap3A_66 = tpu.vector_load %arg12[%swap3A_65] {strides = array<i32>} : memref<128xi32, #tpu.memory_space<vmem>>, vector<16xi32>,
    tpu.vector_store %arg12[%swap3A_65], %broadcast_in_dim3A_59 {strides = array<i32>} : memref<128xi32, #tpu.memory_space<vmem>>, vector<16xi32>,
    %swap3A_67 = arith.constant 64 : index
    %swap3A_68 = tpu.vector_load %arg12[%swap3A_67] {strides = array<i32>} : memref<128xi32, #tpu.memory_space<vmem>>, vector<16xi32>,
    tpu.vector_store %arg12[%swap3A_67], %broadcast_in_dim3A_59 {strides = array<i32>} : memref<128xi32, #tpu.memory_space<vmem>>, vector<16xi32>,
    %swap3A_69 = arith.constant 80 : index
    %swap3A_70 = tpu.vector_load %arg12[%swap3A_69] {strides = array<i32>} : memref<128xi32, #tpu.memory_space<vmem>>, vector<16xi32>,
    tpu.vector_store %arg12[%swap3A_69], %broadcast_in_dim3A_59 {strides = array<i32>} : memref<128xi32, #tpu.memory_space<vmem>>, vector<16xi32>,
    %swap3A_71 = arith.constant 96 : index
    %swap3A_72 = tpu.vector_load %arg12[%swap3A_71] {strides = array<i32>} : memref<128xi32, #tpu.memory_space<vmem>>, vector<16xi32>,
    tpu.vector_store %arg12[%swap3A_71], %broadcast_in_dim3A_59 {strides = array<i32>} : memref<128xi32, #tpu.memory_space<vmem>>, vector<16xi32>,
    %swap3A_73 = arith.constant 112 : index
    %swap3A_74 = tpu.vector_load %arg12[%swap3A_73] {strides = array<i32>} : memref<128xi32, #tpu.memory_space<vmem>>, vector<16xi32>,
    tpu.vector_store %arg12[%swap3A_73], %broadcast_in_dim3A_59 {strides = array<i32>} : memref<128xi32, #tpu.memory_space<vmem>>, vector<16xi32>,
    %dma_start3A_75 = arith.constant 0 : i32
    %dma_start3A_76 = arith.constant 0 : i32
    %dma_start3A_77 = tpu.memref_slice %arg20[%dma_start3A_75, %dma_start3A_76] : memref<10240x16xf32, #tpu.memory_space<vmem_shared>> -> memref<10240x16xf32, #tpu.memory_space<vmem_shared>>
    tpu.enqueue_indirect_dma source(%arg18 : memref<128x16xf32, #tpu.memory_space<vmem>>) target(%dma_start3A_77 : memref<10240x16xf32, #tpu.memory_space<vmem_shared>>) offsets(%arg12 : memref<128xi32, #tpu.memory_space<vmem>>) semaphore(%arg26 : memref<!tpu.dma_semaphore, #tpu.memory_space<semaphore_mem>>) {add = true}
    %mul3A_78 = arith.constant 128 : i32
    %mul3A_79 = arith.muli %mul3A_21, %mul3A_78 : i32
    %dma_start3A_80 = arith.constant 0 : i32
    %dma_start3A_81 = tpu.memref_slice %arg5[%mul3A_79, %dma_start3A_80] : memref<335872x16xf32, #tpu.memory_space<hbm>> -> memref<128x16xf32, #tpu.memory_space<hbm>>
    %dma_start3A_82 = arith.constant 0 : i32
    %dma_start3A_83 = tpu.memref_slice %arg5[%mul3A_79, %dma_start3A_82] : memref<335872x16xf32, #tpu.memory_space<hbm>> -> memref<128x16xf32, #tpu.memory_space<hbm>>
    tpu.enqueue_dma source(%arg17 : memref<128x16xf32, #tpu.memory_space<vmem>>) target(%dma_start3A_83 : memref<128x16xf32, #tpu.memory_space<hbm>>) target_semaphore(%arg27 : memref<!tpu.dma_semaphore, #tpu.memory_space<semaphore_mem>>)
    %min3A_84 = arith.constant 1 : i32
    %min3A_85 = arith.constant 81 : i32
    %min3A_86 = arith.minsi %min3A_84, %min3A_85 : i32
    %add3A_87 = arith.addi %mul3A_21, %min3A_86 : i32
    %mul3A_88 = arith.constant 128 : i32
    %mul3A_89 = arith.muli %add3A_87, %mul3A_88 : i32
    %dma_start3A_90 = arith.constant 0 : i32
    %dma_start3A_91 = tpu.memref_slice %arg5[%mul3A_89, %dma_start3A_90] : memref<335872x16xf32, #tpu.memory_space<hbm>> -> memref<128x16xf32, #tpu.memory_space<hbm>>
    %dma_start3A_92 = arith.constant 0 : i32
    %dma_start3A_93 = tpu.memref_slice %arg5[%mul3A_89, %dma_start3A_92] : memref<335872x16xf32, #tpu.memory_space<hbm>> -> memref<128x16xf32, #tpu.memory_space<hbm>>
    tpu.enqueue_dma source(%arg18 : memref<128x16xf32, #tpu.memory_space<vmem>>) target(%dma_start3A_93 : memref<128x16xf32, #tpu.memory_space<hbm>>) target_semaphore(%arg28 : memref<!tpu.dma_semaphore, #tpu.memory_space<semaphore_mem>>)
    %scan3A_94 = arith.constant 0 : i32
    %scan3A_95 = arith.constant 0 : i32
    %scan3A_96 = arith.constant 41 : i32
    %scan3A_97 = arith.addi %scan3A_95, %scan3A_96 : i32
    %scan3A_98 = arith.constant 1 : i32
    %scan3A_99 = scf.for %scan3A_150 = %scan3A_95 to %scan3A_97 step %scan3A_98 iter_args(%scan3A_151 = %scan3A_94) -> (i32)  : i32 {
      %mul3A_152 = arith.constant 2 : i32
      %mul3A_153 = arith.muli %mul3A_152, %scan3A_150 : i32
      %add3A_154 = arith.constant 0 : i32
      %add3A_155 = arith.addi %mul3A_153, %add3A_154 : i32
      %dma_wait3A_156 = arith.constant 0 : i32
      %dma_wait3A_157 = tpu.memref_slice %arg2[%dma_wait3A_156] : memref<335872xi32, #tpu.memory_space<hbm>> -> memref<128xi32, #tpu.memory_space<hbm>>
      %dma_wait3A_158 = arith.constant 0 : i32
      %dma_wait3A_159 = tpu.memref_slice %arg2[%dma_wait3A_158] : memref<335872xi32, #tpu.memory_space<hbm>> -> memref<128xi32, #tpu.memory_space<hbm>>
      tpu.wait_dma2 semaphore(%arg24 : memref<!tpu.dma_semaphore, #tpu.memory_space<semaphore_mem>>) src(%dma_wait3A_159 : memref<128xi32, #tpu.memory_space<hbm>>) dst(%arg9 : memref<128xi32, #tpu.memory_space<vmem>>)
      %dma_wait3A_160 = arith.constant 0 : i32
      %dma_wait3A_161 = tpu.memref_slice %arg3[%dma_wait3A_160] : memref<335872xi32, #tpu.memory_space<hbm>> -> memref<128xi32, #tpu.memory_space<hbm>>
      %dma_wait3A_162 = arith.constant 0 : i32
      %dma_wait3A_163 = tpu.memref_slice %arg3[%dma_wait3A_162] : memref<335872xi32, #tpu.memory_space<hbm>> -> memref<128xi32, #tpu.memory_space<hbm>>
      tpu.wait_dma2 semaphore(%arg24 : memref<!tpu.dma_semaphore, #tpu.memory_space<semaphore_mem>>) src(%dma_wait3A_163 : memref<128xi32, #tpu.memory_space<hbm>>) dst(%arg10 : memref<128xi32, #tpu.memory_space<vmem>>)
      %dma_start3A_164 = arith.constant 0 : i32
      %dma_start3A_165 = arith.constant 0 : i32
      %dma_start3A_166 = tpu.memref_slice %arg4[%dma_start3A_164, %dma_start3A_165] : memref<10240x128xf32, #tpu.memory_space<hbm>> -> memref<10240x128xf32, #tpu.memory_space<hbm>>
      tpu.enqueue_indirect_dma source(%dma_start3A_166 : memref<10240x128xf32, #tpu.memory_space<hbm>>) target(%arg15 : memref<128x128xf32, #tpu.memory_space<vmem>>) offsets(%arg9 : memref<128xi32, #tpu.memory_space<vmem>>) semaphore(%arg22 : memref<!tpu.dma_semaphore, #tpu.memory_space<semaphore_mem>>)
      %dma_start3A_167 = arith.constant 0 : i32
      %dma_start3A_168 = arith.constant 0 : i32
      %dma_start3A_169 = tpu.memref_slice %arg4[%dma_start3A_167, %dma_start3A_168] : memref<10240x128xf32, #tpu.memory_space<hbm>> -> memref<10240x128xf32, #tpu.memory_space<hbm>>
      tpu.enqueue_indirect_dma source(%dma_start3A_169 : memref<10240x128xf32, #tpu.memory_space<hbm>>) target(%arg16 : memref<128x128xf32, #tpu.memory_space<vmem>>) offsets(%arg10 : memref<128xi32, #tpu.memory_space<vmem>>) semaphore(%arg22 : memref<!tpu.dma_semaphore, #tpu.memory_space<semaphore_mem>>)
      %dma_wait3A_170 = arith.constant 0 : i32
      %dma_wait3A_171 = arith.constant 0 : i32
      %dma_wait3A_172 = tpu.memref_slice %arg4[%dma_wait3A_170, %dma_wait3A_171] : memref<10240x128xf32, #tpu.memory_space<hbm>> -> memref<10240x128xf32, #tpu.memory_space<hbm>>
      tpu.wait_indirect_dma semaphore(%arg21 : memref<!tpu.dma_semaphore, #tpu.memory_space<semaphore_mem>>) src(%dma_wait3A_172 : memref<10240x128xf32, #tpu.memory_space<hbm>>) dst(%arg13 : memref<128x128xf32, #tpu.memory_space<vmem>>)
      %dma_wait3A_173 = arith.constant 0 : i32
      %dma_wait3A_174 = arith.constant 0 : i32
      %dma_wait3A_175 = tpu.memref_slice %arg4[%dma_wait3A_173, %dma_wait3A_174] : memref<10240x128xf32, #tpu.memory_space<hbm>> -> memref<10240x128xf32, #tpu.memory_space<hbm>>
      tpu.wait_indirect_dma semaphore(%arg21 : memref<!tpu.dma_semaphore, #tpu.memory_space<semaphore_mem>>) src(%dma_wait3A_175 : memref<10240x128xf32, #tpu.memory_space<hbm>>) dst(%arg14 : memref<128x128xf32, #tpu.memory_space<vmem>>)
      %dma_wait3A_176 = arith.constant 0 : i32
      %dma_wait3A_177 = arith.constant 0 : i32
      %dma_wait3A_178 = tpu.memref_slice %arg5[%dma_wait3A_176, %dma_wait3A_177] : memref<335872x16xf32, #tpu.memory_space<hbm>> -> memref<128x16xf32, #tpu.memory_space<hbm>>
      %dma_wait3A_179 = arith.constant 0 : i32
      %dma_wait3A_180 = arith.constant 0 : i32
      %dma_wait3A_181 = tpu.memref_slice %arg5[%dma_wait3A_179, %dma_wait3A_180] : memref<335872x16xf32, #tpu.memory_space<hbm>> -> memref<128x16xf32, #tpu.memory_space<hbm>>
      tpu.wait_dma2 semaphore(%arg27 : memref<!tpu.dma_semaphore, #tpu.memory_space<semaphore_mem>>) src(%arg17 : memref<128x16xf32, #tpu.memory_space<vmem>>) dst(%dma_wait3A_181 : memref<128x16xf32, #tpu.memory_space<hbm>>)
      %scan3A_182 = arith.constant 0 : i32
      %scan3A_183 = arith.constant 0 : i32
      %scan3A_184 = arith.constant 128 : i32
      %scan3A_185 = arith.addi %scan3A_183, %scan3A_184 : i32
      %scan3A_186 = arith.constant 1 : i32
      %scan3A_187 = scf.for %scan3A_338 = %scan3A_183 to %scan3A_185 step %scan3A_186 iter_args(%scan3A_339 = %scan3A_182) -> (i32)  : i32 {
        %get3A_340 = arith.index_cast %scan3A_338 : i32 to index
        %get3A_341 = arith.constant 0 : index
        %get3A_342 = tpu.vector_load %arg13[%get3A_340, %get3A_341] {strides = array<i32>} : memref<128x128xf32, #tpu.memory_space<vmem>>, vector<16xf32>,
        %get3A_343 = arith.index_cast %scan3A_338 : i32 to index
        %get3A_344 = arith.constant 16 : index
        %get3A_345 = tpu.vector_load %arg14[%get3A_343, %get3A_344] {strides = array<i32>} : memref<128x128xf32, #tpu.memory_space<vmem>>, vector<16xf32>,
        %add3A_346 = arith.addf %get3A_342, %get3A_345 : vector<16xf32>
        %mul3A_347 = arith.constant 2.000000e-01 : f32
        %mul3A_348 = vector.broadcast %mul3A_347 : f32 to vector<16xf32>
        %mul3A_349 = arith.mulf %mul3A_348, %add3A_346 : vector<16xf32>
        %max3A = arith.maximumf %add3A_346, %mul3A_349 : vector<16xf32>
        %exp3A = math.exp %max3A : vector<16xf32>
        %swap3A_350 = arith.index_cast %scan3A_338 : i32 to index
        %swap3A_351 = arith.constant 0 : index
        %swap3A_352 = tpu.vector_load %arg17[%swap3A_350, %swap3A_351] {strides = array<i32>} : memref<128x16xf32, #tpu.memory_space<vmem>>, vector<16xf32>,
        tpu.vector_store %arg17[%swap3A_350, %swap3A_351], %exp3A {strides = array<i32>} : memref<128x16xf32, #tpu.memory_space<vmem>>, vector<16xf32>,
        %scan3A_353 = arith.constant 0 : i32
        scf.yield %scan3A_353 : i32
      }
      %scan3A_188 = arith.constant 128 : i32
      %dma_wait3A_189 = arith.constant 0 : i32
      %dma_wait3A_190 = arith.constant 0 : i32
      %dma_wait3A_191 = tpu.memref_slice %arg20[%dma_wait3A_189, %dma_wait3A_190] : memref<10240x16xf32, #tpu.memory_space<vmem_shared>> -> memref<10240x16xf32, #tpu.memory_space<vmem_shared>>
      tpu.wait_indirect_dma semaphore(%arg26 : memref<!tpu.dma_semaphore, #tpu.memory_space<semaphore_mem>>) src(%arg18 : memref<128x16xf32, #tpu.memory_space<vmem>>) dst(%dma_wait3A_191 : memref<10240x16xf32, #tpu.memory_space<vmem_shared>>)
      %get3A = arith.constant 0 : index
      %get3A_192 = tpu.vector_load %arg8[%get3A] {strides = array<i32>} : memref<128xi32, #tpu.memory_space<vmem>>, vector<16xi32>,
      %swap3A_193 = arith.constant 0 : index
      %swap3A_194 = tpu.vector_load %arg11[%swap3A_193] {strides = array<i32>} : memref<128xi32, #tpu.memory_space<vmem>>, vector<16xi32>,
      tpu.vector_store %arg11[%swap3A_193], %get3A_192 {strides = array<i32>} : memref<128xi32, #tpu.memory_space<vmem>>, vector<16xi32>,
      %get3A_195 = arith.constant 16 : index
      %get3A_196 = tpu.vector_load %arg8[%get3A_195] {strides = array<i32>} : memref<128xi32, #tpu.memory_space<vmem>>, vector<16xi32>,
      %swap3A_197 = arith.constant 16 : index
      %swap3A_198 = tpu.vector_load %arg11[%swap3A_197] {strides = array<i32>} : memref<128xi32, #tpu.memory_space<vmem>>, vector<16xi32>,
      tpu.vector_store %arg11[%swap3A_197], %get3A_196 {strides = array<i32>} : memref<128xi32, #tpu.memory_space<vmem>>, vector<16xi32>,
      %get3A_199 = arith.constant 32 : index
      %get3A_200 = tpu.vector_load %arg8[%get3A_199] {strides = array<i32>} : memref<128xi32, #tpu.memory_space<vmem>>, vector<16xi32>,
      %swap3A_201 = arith.constant 32 : index
      %swap3A_202 = tpu.vector_load %arg11[%swap3A_201] {strides = array<i32>} : memref<128xi32, #tpu.memory_space<vmem>>, vector<16xi32>,
      tpu.vector_store %arg11[%swap3A_201], %get3A_200 {strides = array<i32>} : memref<128xi32, #tpu.memory_space<vmem>>, vector<16xi32>,
      %get3A_203 = arith.constant 48 : index
      %get3A_204 = tpu.vector_load %arg8[%get3A_203] {strides = array<i32>} : memref<128xi32, #tpu.memory_space<vmem>>, vector<16xi32>,
      %swap3A_205 = arith.constant 48 : index
      %swap3A_206 = tpu.vector_load %arg11[%swap3A_205] {strides = array<i32>} : memref<128xi32, #tpu.memory_space<vmem>>, vector<16xi32>,
      tpu.vector_store %arg11[%swap3A_205], %get3A_204 {strides = array<i32>} : memref<128xi32, #tpu.memory_space<vmem>>, vector<16xi32>,
      %get3A_207 = arith.constant 64 : index
      %get3A_208 = tpu.vector_load %arg8[%get3A_207] {strides = array<i32>} : memref<128xi32, #tpu.memory_space<vmem>>, vector<16xi32>,
      %swap3A_209 = arith.constant 64 : index
      %swap3A_210 = tpu.vector_load %arg11[%swap3A_209] {strides = array<i32>} : memref<128xi32, #tpu.memory_space<vmem>>, vector<16xi32>,
      tpu.vector_store %arg11[%swap3A_209], %get3A_208 {strides = array<i32>} : memref<128xi32, #tpu.memory_space<vmem>>, vector<16xi32>,
      %get3A_211 = arith.constant 80 : index
      %get3A_212 = tpu.vector_load %arg8[%get3A_211] {strides = array<i32>} : memref<128xi32, #tpu.memory_space<vmem>>, vector<16xi32>,
      %swap3A_213 = arith.constant 80 : index
      %swap3A_214 = tpu.vector_load %arg11[%swap3A_213] {strides = array<i32>} : memref<128xi32, #tpu.memory_space<vmem>>, vector<16xi32>,
      tpu.vector_store %arg11[%swap3A_213], %get3A_212 {strides = array<i32>} : memref<128xi32, #tpu.memory_space<vmem>>, vector<16xi32>,
      %get3A_215 = arith.constant 96 : index
      %get3A_216 = tpu.vector_load %arg8[%get3A_215] {strides = array<i32>} : memref<128xi32, #tpu.memory_space<vmem>>, vector<16xi32>,
      %swap3A_217 = arith.constant 96 : index
      %swap3A_218 = tpu.vector_load %arg11[%swap3A_217] {strides = array<i32>} : memref<128xi32, #tpu.memory_space<vmem>>, vector<16xi32>,
      tpu.vector_store %arg11[%swap3A_217], %get3A_216 {strides = array<i32>} : memref<128xi32, #tpu.memory_space<vmem>>, vector<16xi32>,
      %get3A_219 = arith.constant 112 : index
      %get3A_220 = tpu.vector_load %arg8[%get3A_219] {strides = array<i32>} : memref<128xi32, #tpu.memory_space<vmem>>, vector<16xi32>,
      %swap3A_221 = arith.constant 112 : index
      %swap3A_222 = tpu.vector_load %arg11[%swap3A_221] {strides = array<i32>} : memref<128xi32, #tpu.memory_space<vmem>>, vector<16xi32>,
      tpu.vector_store %arg11[%swap3A_221], %get3A_220 {strides = array<i32>} : memref<128xi32, #tpu.memory_space<vmem>>, vector<16xi32>,
      %dma_start3A_223 = arith.constant 0 : i32
      %dma_start3A_224 = arith.constant 0 : i32
      %dma_start3A_225 = tpu.memref_slice %arg20[%dma_start3A_223, %dma_start3A_224] : memref<10240x16xf32, #tpu.memory_space<vmem_shared>> -> memref<10240x16xf32, #tpu.memory_space<vmem_shared>>
      tpu.enqueue_indirect_dma source(%arg17 : memref<128x16xf32, #tpu.memory_space<vmem>>) target(%dma_start3A_225 : memref<10240x16xf32, #tpu.memory_space<vmem_shared>>) offsets(%arg11 : memref<128xi32, #tpu.memory_space<vmem>>) semaphore(%arg25 : memref<!tpu.dma_semaphore, #tpu.memory_space<semaphore_mem>>) {add = true}
      %add3A_226 = arith.addi %mul3A_21, %add3A_155 : i32
      %mul3A_227 = arith.constant 128 : i32
      %mul3A_228 = arith.muli %add3A_226, %mul3A_227 : i32
      %dma_start3A_229 = arith.constant 0 : i32
      %dma_start3A_230 = tpu.memref_slice %arg5[%mul3A_228, %dma_start3A_229] : memref<335872x16xf32, #tpu.memory_space<hbm>> -> memref<128x16xf32, #tpu.memory_space<hbm>>
      %dma_start3A_231 = arith.constant 0 : i32
      %dma_start3A_232 = tpu.memref_slice %arg5[%mul3A_228, %dma_start3A_231] : memref<335872x16xf32, #tpu.memory_space<hbm>> -> memref<128x16xf32, #tpu.memory_space<hbm>>
      tpu.enqueue_dma source(%arg17 : memref<128x16xf32, #tpu.memory_space<vmem>>) target(%dma_start3A_232 : memref<128x16xf32, #tpu.memory_space<hbm>>) target_semaphore(%arg27 : memref<!tpu.dma_semaphore, #tpu.memory_space<semaphore_mem>>)
      %add3A_233 = arith.constant 2 : i32
      %add3A_234 = arith.addi %add3A_155, %add3A_233 : i32
      %min3A_235 = arith.constant 81 : i32
      %min3A_236 = arith.minsi %add3A_234, %min3A_235 : i32
      %add3A_237 = arith.addi %mul3A_21, %min3A_236 : i32
      %mul3A_238 = arith.constant 128 : i32
      %mul3A_239 = arith.muli %add3A_237, %mul3A_238 : i32
      %dma_start3A_240 = tpu.memref_slice %arg2[%mul3A_239] : memref<335872xi32, #tpu.memory_space<hbm>> -> memref<128xi32, #tpu.memory_space<hbm>>
      %dma_start3A_241 = tpu.memref_slice %arg2[%mul3A_239] : memref<335872xi32, #tpu.memory_space<hbm>> -> memref<128xi32, #tpu.memory_space<hbm>>
      tpu.enqueue_dma source(%dma_start3A_241 : memref<128xi32, #tpu.memory_space<hbm>>) target(%arg7 : memref<128xi32, #tpu.memory_space<vmem>>) target_semaphore(%arg23 : memref<!tpu.dma_semaphore, #tpu.memory_space<semaphore_mem>>)
      %dma_start3A_242 = tpu.memref_slice %arg3[%mul3A_239] : memref<335872xi32, #tpu.memory_space<hbm>> -> memref<128xi32, #tpu.memory_space<hbm>>
      %dma_start3A_243 = tpu.memref_slice %arg3[%mul3A_239] : memref<335872xi32, #tpu.memory_space<hbm>> -> memref<128xi32, #tpu.memory_space<hbm>>
      tpu.enqueue_dma source(%dma_start3A_243 : memref<128xi32, #tpu.memory_space<hbm>>) target(%arg8 : memref<128xi32, #tpu.memory_space<vmem>>) target_semaphore(%arg23 : memref<!tpu.dma_semaphore, #tpu.memory_space<semaphore_mem>>)
      %mul3A_244 = arith.constant 2 : i32
      %mul3A_245 = arith.muli %mul3A_244, %scan3A_150 : i32
      %add3A_246 = arith.constant 1 : i32
      %add3A_247 = arith.addi %mul3A_245, %add3A_246 : i32
      %dma_wait3A_248 = arith.constant 0 : i32
      %dma_wait3A_249 = tpu.memref_slice %arg2[%dma_wait3A_248] : memref<335872xi32, #tpu.memory_space<hbm>> -> memref<128xi32, #tpu.memory_space<hbm>>
      %dma_wait3A_250 = arith.constant 0 : i32
      %dma_wait3A_251 = tpu.memref_slice %arg2[%dma_wait3A_250] : memref<335872xi32, #tpu.memory_space<hbm>> -> memref<128xi32, #tpu.memory_space<hbm>>
      tpu.wait_dma2 semaphore(%arg23 : memref<!tpu.dma_semaphore, #tpu.memory_space<semaphore_mem>>) src(%dma_wait3A_251 : memref<128xi32, #tpu.memory_space<hbm>>) dst(%arg7 : memref<128xi32, #tpu.memory_space<vmem>>)
      %dma_wait3A_252 = arith.constant 0 : i32
      %dma_wait3A_253 = tpu.memref_slice %arg3[%dma_wait3A_252] : memref<335872xi32, #tpu.memory_space<hbm>> -> memref<128xi32, #tpu.memory_space<hbm>>
      %dma_wait3A_254 = arith.constant 0 : i32
      %dma_wait3A_255 = tpu.memref_slice %arg3[%dma_wait3A_254] : memref<335872xi32, #tpu.memory_space<hbm>> -> memref<128xi32, #tpu.memory_space<hbm>>
      tpu.wait_dma2 semaphore(%arg23 : memref<!tpu.dma_semaphore, #tpu.memory_space<semaphore_mem>>) src(%dma_wait3A_255 : memref<128xi32, #tpu.memory_space<hbm>>) dst(%arg8 : memref<128xi32, #tpu.memory_space<vmem>>)
      %dma_start3A_256 = arith.constant 0 : i32
      %dma_start3A_257 = arith.constant 0 : i32
      %dma_start3A_258 = tpu.memref_slice %arg4[%dma_start3A_256, %dma_start3A_257] : memref<10240x128xf32, #tpu.memory_space<hbm>> -> memref<10240x128xf32, #tpu.memory_space<hbm>>
      tpu.enqueue_indirect_dma source(%dma_start3A_258 : memref<10240x128xf32, #tpu.memory_space<hbm>>) target(%arg13 : memref<128x128xf32, #tpu.memory_space<vmem>>) offsets(%arg7 : memref<128xi32, #tpu.memory_space<vmem>>) semaphore(%arg21 : memref<!tpu.dma_semaphore, #tpu.memory_space<semaphore_mem>>)
      %dma_start3A_259 = arith.constant 0 : i32
      %dma_start3A_260 = arith.constant 0 : i32
      %dma_start3A_261 = tpu.memref_slice %arg4[%dma_start3A_259, %dma_start3A_260] : memref<10240x128xf32, #tpu.memory_space<hbm>> -> memref<10240x128xf32, #tpu.memory_space<hbm>>
      tpu.enqueue_indirect_dma source(%dma_start3A_261 : memref<10240x128xf32, #tpu.memory_space<hbm>>) target(%arg14 : memref<128x128xf32, #tpu.memory_space<vmem>>) offsets(%arg8 : memref<128xi32, #tpu.memory_space<vmem>>) semaphore(%arg21 : memref<!tpu.dma_semaphore, #tpu.memory_space<semaphore_mem>>)
      %dma_wait3A_262 = arith.constant 0 : i32
      %dma_wait3A_263 = arith.constant 0 : i32
      %dma_wait3A_264 = tpu.memref_slice %arg4[%dma_wait3A_262, %dma_wait3A_263] : memref<10240x128xf32, #tpu.memory_space<hbm>> -> memref<10240x128xf32, #tpu.memory_space<hbm>>
      tpu.wait_indirect_dma semaphore(%arg22 : memref<!tpu.dma_semaphore, #tpu.memory_space<semaphore_mem>>) src(%dma_wait3A_264 : memref<10240x128xf32, #tpu.memory_space<hbm>>) dst(%arg15 : memref<128x128xf32, #tpu.memory_space<vmem>>)
      %dma_wait3A_265 = arith.constant 0 : i32
      %dma_wait3A_266 = arith.constant 0 : i32
      %dma_wait3A_267 = tpu.memref_slice %arg4[%dma_wait3A_265, %dma_wait3A_266] : memref<10240x128xf32, #tpu.memory_space<hbm>> -> memref<10240x128xf32, #tpu.memory_space<hbm>>
      tpu.wait_indirect_dma semaphore(%arg22 : memref<!tpu.dma_semaphore, #tpu.memory_space<semaphore_mem>>) src(%dma_wait3A_267 : memref<10240x128xf32, #tpu.memory_space<hbm>>) dst(%arg16 : memref<128x128xf32, #tpu.memory_space<vmem>>)
      %dma_wait3A_268 = arith.constant 0 : i32
      %dma_wait3A_269 = arith.constant 0 : i32
      %dma_wait3A_270 = tpu.memref_slice %arg5[%dma_wait3A_268, %dma_wait3A_269] : memref<335872x16xf32, #tpu.memory_space<hbm>> -> memref<128x16xf32, #tpu.memory_space<hbm>>
      %dma_wait3A_271 = arith.constant 0 : i32
      %dma_wait3A_272 = arith.constant 0 : i32
      %dma_wait3A_273 = tpu.memref_slice %arg5[%dma_wait3A_271, %dma_wait3A_272] : memref<335872x16xf32, #tpu.memory_space<hbm>> -> memref<128x16xf32, #tpu.memory_space<hbm>>
      tpu.wait_dma2 semaphore(%arg28 : memref<!tpu.dma_semaphore, #tpu.memory_space<semaphore_mem>>) src(%arg18 : memref<128x16xf32, #tpu.memory_space<vmem>>) dst(%dma_wait3A_273 : memref<128x16xf32, #tpu.memory_space<hbm>>)
      %scan3A_274 = arith.constant 0 : i32
      %scan3A_275 = arith.constant 0 : i32
      %scan3A_276 = arith.constant 128 : i32
      %scan3A_277 = arith.addi %scan3A_275, %scan3A_276 : i32
      %scan3A_278 = arith.constant 1 : i32
      %scan3A_279 = scf.for %scan3A_338 = %scan3A_275 to %scan3A_277 step %scan3A_278 iter_args(%scan3A_339 = %scan3A_274) -> (i32)  : i32 {
        %get3A_340 = arith.index_cast %scan3A_338 : i32 to index
        %get3A_341 = arith.constant 0 : index
        %get3A_342 = tpu.vector_load %arg15[%get3A_340, %get3A_341] {strides = array<i32>} : memref<128x128xf32, #tpu.memory_space<vmem>>, vector<16xf32>,
        %get3A_343 = arith.index_cast %scan3A_338 : i32 to index
        %get3A_344 = arith.constant 16 : index
        %get3A_345 = tpu.vector_load %arg16[%get3A_343, %get3A_344] {strides = array<i32>} : memref<128x128xf32, #tpu.memory_space<vmem>>, vector<16xf32>,
        %add3A_346 = arith.addf %get3A_342, %get3A_345 : vector<16xf32>
        %mul3A_347 = arith.constant 2.000000e-01 : f32
        %mul3A_348 = vector.broadcast %mul3A_347 : f32 to vector<16xf32>
        %mul3A_349 = arith.mulf %mul3A_348, %add3A_346 : vector<16xf32>
        %max3A = arith.maximumf %add3A_346, %mul3A_349 : vector<16xf32>
        %exp3A = math.exp %max3A : vector<16xf32>
        %swap3A_350 = arith.index_cast %scan3A_338 : i32 to index
        %swap3A_351 = arith.constant 0 : index
        %swap3A_352 = tpu.vector_load %arg18[%swap3A_350, %swap3A_351] {strides = array<i32>} : memref<128x16xf32, #tpu.memory_space<vmem>>, vector<16xf32>,
        tpu.vector_store %arg18[%swap3A_350, %swap3A_351], %exp3A {strides = array<i32>} : memref<128x16xf32, #tpu.memory_space<vmem>>, vector<16xf32>,
        %scan3A_353 = arith.constant 0 : i32
        scf.yield %scan3A_353 : i32
      }
      %scan3A_280 = arith.constant 128 : i32
      %dma_wait3A_281 = arith.constant 0 : i32
      %dma_wait3A_282 = arith.constant 0 : i32
      %dma_wait3A_283 = tpu.memref_slice %arg20[%dma_wait3A_281, %dma_wait3A_282] : memref<10240x16xf32, #tpu.memory_space<vmem_shared>> -> memref<10240x16xf32, #tpu.memory_space<vmem_shared>>
      tpu.wait_indirect_dma semaphore(%arg25 : memref<!tpu.dma_semaphore, #tpu.memory_space<semaphore_mem>>) src(%arg17 : memref<128x16xf32, #tpu.memory_space<vmem>>) dst(%dma_wait3A_283 : memref<10240x16xf32, #tpu.memory_space<vmem_shared>>)
      %get3A_284 = arith.constant 0 : index
      %get3A_285 = tpu.vector_load %arg10[%get3A_284] {strides = array<i32>} : memref<128xi32, #tpu.memory_space<vmem>>, vector<16xi32>,
      %swap3A_286 = arith.constant 0 : index
      %swap3A_287 = tpu.vector_load %arg12[%swap3A_286] {strides = array<i32>} : memref<128xi32, #tpu.memory_space<vmem>>, vector<16xi32>,
      tpu.vector_store %arg12[%swap3A_286], %get3A_285 {strides = array<i32>} : memref<128xi32, #tpu.memory_space<vmem>>, vector<16xi32>,
      %get3A_288 = arith.constant 16 : index
      %get3A_289 = tpu.vector_load %arg10[%get3A_288] {strides = array<i32>} : memref<128xi32, #tpu.memory_space<vmem>>, vector<16xi32>,
      %swap3A_290 = arith.constant 16 : index
      %swap3A_291 = tpu.vector_load %arg12[%swap3A_290] {strides = array<i32>} : memref<128xi32, #tpu.memory_space<vmem>>, vector<16xi32>,
      tpu.vector_store %arg12[%swap3A_290], %get3A_289 {strides = array<i32>} : memref<128xi32, #tpu.memory_space<vmem>>, vector<16xi32>,
      %get3A_292 = arith.constant 32 : index
      %get3A_293 = tpu.vector_load %arg10[%get3A_292] {strides = array<i32>} : memref<128xi32, #tpu.memory_space<vmem>>, vector<16xi32>,
      %swap3A_294 = arith.constant 32 : index
      %swap3A_295 = tpu.vector_load %arg12[%swap3A_294] {strides = array<i32>} : memref<128xi32, #tpu.memory_space<vmem>>, vector<16xi32>,
      tpu.vector_store %arg12[%swap3A_294], %get3A_293 {strides = array<i32>} : memref<128xi32, #tpu.memory_space<vmem>>, vector<16xi32>,
      %get3A_296 = arith.constant 48 : index
      %get3A_297 = tpu.vector_load %arg10[%get3A_296] {strides = array<i32>} : memref<128xi32, #tpu.memory_space<vmem>>, vector<16xi32>,
      %swap3A_298 = arith.constant 48 : index
      %swap3A_299 = tpu.vector_load %arg12[%swap3A_298] {strides = array<i32>} : memref<128xi32, #tpu.memory_space<vmem>>, vector<16xi32>,
      tpu.vector_store %arg12[%swap3A_298], %get3A_297 {strides = array<i32>} : memref<128xi32, #tpu.memory_space<vmem>>, vector<16xi32>,
      %get3A_300 = arith.constant 64 : index
      %get3A_301 = tpu.vector_load %arg10[%get3A_300] {strides = array<i32>} : memref<128xi32, #tpu.memory_space<vmem>>, vector<16xi32>,
      %swap3A_302 = arith.constant 64 : index
      %swap3A_303 = tpu.vector_load %arg12[%swap3A_302] {strides = array<i32>} : memref<128xi32, #tpu.memory_space<vmem>>, vector<16xi32>,
      tpu.vector_store %arg12[%swap3A_302], %get3A_301 {strides = array<i32>} : memref<128xi32, #tpu.memory_space<vmem>>, vector<16xi32>,
      %get3A_304 = arith.constant 80 : index
      %get3A_305 = tpu.vector_load %arg10[%get3A_304] {strides = array<i32>} : memref<128xi32, #tpu.memory_space<vmem>>, vector<16xi32>,
      %swap3A_306 = arith.constant 80 : index
      %swap3A_307 = tpu.vector_load %arg12[%swap3A_306] {strides = array<i32>} : memref<128xi32, #tpu.memory_space<vmem>>, vector<16xi32>,
      tpu.vector_store %arg12[%swap3A_306], %get3A_305 {strides = array<i32>} : memref<128xi32, #tpu.memory_space<vmem>>, vector<16xi32>,
      %get3A_308 = arith.constant 96 : index
      %get3A_309 = tpu.vector_load %arg10[%get3A_308] {strides = array<i32>} : memref<128xi32, #tpu.memory_space<vmem>>, vector<16xi32>,
      %swap3A_310 = arith.constant 96 : index
      %swap3A_311 = tpu.vector_load %arg12[%swap3A_310] {strides = array<i32>} : memref<128xi32, #tpu.memory_space<vmem>>, vector<16xi32>,
      tpu.vector_store %arg12[%swap3A_310], %get3A_309 {strides = array<i32>} : memref<128xi32, #tpu.memory_space<vmem>>, vector<16xi32>,
      %get3A_312 = arith.constant 112 : index
      %get3A_313 = tpu.vector_load %arg10[%get3A_312] {strides = array<i32>} : memref<128xi32, #tpu.memory_space<vmem>>, vector<16xi32>,
      %swap3A_314 = arith.constant 112 : index
      %swap3A_315 = tpu.vector_load %arg12[%swap3A_314] {strides = array<i32>} : memref<128xi32, #tpu.memory_space<vmem>>, vector<16xi32>,
      tpu.vector_store %arg12[%swap3A_314], %get3A_313 {strides = array<i32>} : memref<128xi32, #tpu.memory_space<vmem>>, vector<16xi32>,
      %dma_start3A_316 = arith.constant 0 : i32
      %dma_start3A_317 = arith.constant 0 : i32
      %dma_start3A_318 = tpu.memref_slice %arg20[%dma_start3A_316, %dma_start3A_317] : memref<10240x16xf32, #tpu.memory_space<vmem_shared>> -> memref<10240x16xf32, #tpu.memory_space<vmem_shared>>
      tpu.enqueue_indirect_dma source(%arg18 : memref<128x16xf32, #tpu.memory_space<vmem>>) target(%dma_start3A_318 : memref<10240x16xf32, #tpu.memory_space<vmem_shared>>) offsets(%arg12 : memref<128xi32, #tpu.memory_space<vmem>>) semaphore(%arg26 : memref<!tpu.dma_semaphore, #tpu.memory_space<semaphore_mem>>) {add = true}
      %add3A_319 = arith.addi %mul3A_21, %add3A_247 : i32
      %mul3A_320 = arith.constant 128 : i32
      %mul3A_321 = arith.muli %add3A_319, %mul3A_320 : i32
      %dma_start3A_322 = arith.constant 0 : i32
      %dma_start3A_323 = tpu.memref_slice %arg5[%mul3A_321, %dma_start3A_322] : memref<335872x16xf32, #tpu.memory_space<hbm>> -> memref<128x16xf32, #tpu.memory_space<hbm>>
      %dma_start3A_324 = arith.constant 0 : i32
      %dma_start3A_325 = tpu.memref_slice %arg5[%mul3A_321, %dma_start3A_324] : memref<335872x16xf32, #tpu.memory_space<hbm>> -> memref<128x16xf32, #tpu.memory_space<hbm>>
      tpu.enqueue_dma source(%arg18 : memref<128x16xf32, #tpu.memory_space<vmem>>) target(%dma_start3A_325 : memref<128x16xf32, #tpu.memory_space<hbm>>) target_semaphore(%arg28 : memref<!tpu.dma_semaphore, #tpu.memory_space<semaphore_mem>>)
      %add3A_326 = arith.constant 2 : i32
      %add3A_327 = arith.addi %add3A_247, %add3A_326 : i32
      %min3A_328 = arith.constant 81 : i32
      %min3A_329 = arith.minsi %add3A_327, %min3A_328 : i32
      %add3A_330 = arith.addi %mul3A_21, %min3A_329 : i32
      %mul3A_331 = arith.constant 128 : i32
      %mul3A_332 = arith.muli %add3A_330, %mul3A_331 : i32
      %dma_start3A_333 = tpu.memref_slice %arg2[%mul3A_332] : memref<335872xi32, #tpu.memory_space<hbm>> -> memref<128xi32, #tpu.memory_space<hbm>>
      %dma_start3A_334 = tpu.memref_slice %arg2[%mul3A_332] : memref<335872xi32, #tpu.memory_space<hbm>> -> memref<128xi32, #tpu.memory_space<hbm>>
      tpu.enqueue_dma source(%dma_start3A_334 : memref<128xi32, #tpu.memory_space<hbm>>) target(%arg9 : memref<128xi32, #tpu.memory_space<vmem>>) target_semaphore(%arg24 : memref<!tpu.dma_semaphore, #tpu.memory_space<semaphore_mem>>)
      %dma_start3A_335 = tpu.memref_slice %arg3[%mul3A_332] : memref<335872xi32, #tpu.memory_space<hbm>> -> memref<128xi32, #tpu.memory_space<hbm>>
      %dma_start3A_336 = tpu.memref_slice %arg3[%mul3A_332] : memref<335872xi32, #tpu.memory_space<hbm>> -> memref<128xi32, #tpu.memory_space<hbm>>
      tpu.enqueue_dma source(%dma_start3A_336 : memref<128xi32, #tpu.memory_space<hbm>>) target(%arg10 : memref<128xi32, #tpu.memory_space<vmem>>) target_semaphore(%arg24 : memref<!tpu.dma_semaphore, #tpu.memory_space<semaphore_mem>>)
      %scan3A_337 = arith.constant 0 : i32
      scf.yield %scan3A_337 : i32
    }
    %scan3A_100 = arith.constant 41 : i32
    %dma_wait3A = arith.constant 0 : i32
    %dma_wait3A_101 = arith.constant 0 : i32
    %dma_wait3A_102 = tpu.memref_slice %arg4[%dma_wait3A, %dma_wait3A_101] : memref<10240x128xf32, #tpu.memory_space<hbm>> -> memref<10240x128xf32, #tpu.memory_space<hbm>>
    tpu.wait_indirect_dma semaphore(%arg21 : memref<!tpu.dma_semaphore, #tpu.memory_space<semaphore_mem>>) src(%dma_wait3A_102 : memref<10240x128xf32, #tpu.memory_space<hbm>>) dst(%arg13 : memref<128x128xf32, #tpu.memory_space<vmem>>)
    %dma_wait3A_103 = arith.constant 0 : i32
    %dma_wait3A_104 = arith.constant 0 : i32
    %dma_wait3A_105 = tpu.memref_slice %arg4[%dma_wait3A_103, %dma_wait3A_104] : memref<10240x128xf32, #tpu.memory_space<hbm>> -> memref<10240x128xf32, #tpu.memory_space<hbm>>
    tpu.wait_indirect_dma semaphore(%arg21 : memref<!tpu.dma_semaphore, #tpu.memory_space<semaphore_mem>>) src(%dma_wait3A_105 : memref<10240x128xf32, #tpu.memory_space<hbm>>) dst(%arg14 : memref<128x128xf32, #tpu.memory_space<vmem>>)
    %dma_wait3A_106 = arith.constant 0 : i32
    %dma_wait3A_107 = tpu.memref_slice %arg2[%dma_wait3A_106] : memref<335872xi32, #tpu.memory_space<hbm>> -> memref<128xi32, #tpu.memory_space<hbm>>
    %dma_wait3A_108 = arith.constant 0 : i32
    %dma_wait3A_109 = tpu.memref_slice %arg2[%dma_wait3A_108] : memref<335872xi32, #tpu.memory_space<hbm>> -> memref<128xi32, #tpu.memory_space<hbm>>
    tpu.wait_dma2 semaphore(%arg24 : memref<!tpu.dma_semaphore, #tpu.memory_space<semaphore_mem>>) src(%dma_wait3A_109 : memref<128xi32, #tpu.memory_space<hbm>>) dst(%arg9 : memref<128xi32, #tpu.memory_space<vmem>>)
    %dma_wait3A_110 = arith.constant 0 : i32
    %dma_wait3A_111 = tpu.memref_slice %arg3[%dma_wait3A_110] : memref<335872xi32, #tpu.memory_space<hbm>> -> memref<128xi32, #tpu.memory_space<hbm>>
    %dma_wait3A_112 = arith.constant 0 : i32
    %dma_wait3A_113 = tpu.memref_slice %arg3[%dma_wait3A_112] : memref<335872xi32, #tpu.memory_space<hbm>> -> memref<128xi32, #tpu.memory_space<hbm>>
    tpu.wait_dma2 semaphore(%arg24 : memref<!tpu.dma_semaphore, #tpu.memory_space<semaphore_mem>>) src(%dma_wait3A_113 : memref<128xi32, #tpu.memory_space<hbm>>) dst(%arg10 : memref<128xi32, #tpu.memory_space<vmem>>)
    %dma_wait3A_114 = arith.constant 0 : i32
    %dma_wait3A_115 = arith.constant 0 : i32
    %dma_wait3A_116 = tpu.memref_slice %arg20[%dma_wait3A_114, %dma_wait3A_115] : memref<10240x16xf32, #tpu.memory_space<vmem_shared>> -> memref<10240x16xf32, #tpu.memory_space<vmem_shared>>
    tpu.wait_indirect_dma semaphore(%arg26 : memref<!tpu.dma_semaphore, #tpu.memory_space<semaphore_mem>>) src(%arg18 : memref<128x16xf32, #tpu.memory_space<vmem>>) dst(%dma_wait3A_116 : memref<10240x16xf32, #tpu.memory_space<vmem_shared>>)
    %dma_wait3A_117 = arith.constant 0 : i32
    %dma_wait3A_118 = arith.constant 0 : i32
    %dma_wait3A_119 = tpu.memref_slice %arg5[%dma_wait3A_117, %dma_wait3A_118] : memref<335872x16xf32, #tpu.memory_space<hbm>> -> memref<128x16xf32, #tpu.memory_space<hbm>>
    %dma_wait3A_120 = arith.constant 0 : i32
    %dma_wait3A_121 = arith.constant 0 : i32
    %dma_wait3A_122 = tpu.memref_slice %arg5[%dma_wait3A_120, %dma_wait3A_121] : memref<335872x16xf32, #tpu.memory_space<hbm>> -> memref<128x16xf32, #tpu.memory_space<hbm>>
    tpu.wait_dma2 semaphore(%arg27 : memref<!tpu.dma_semaphore, #tpu.memory_space<semaphore_mem>>) src(%arg17 : memref<128x16xf32, #tpu.memory_space<vmem>>) dst(%dma_wait3A_122 : memref<128x16xf32, #tpu.memory_space<hbm>>)
    %dma_wait3A_123 = arith.constant 0 : i32
    %dma_wait3A_124 = arith.constant 0 : i32
    %dma_wait3A_125 = tpu.memref_slice %arg5[%dma_wait3A_123, %dma_wait3A_124] : memref<335872x16xf32, #tpu.memory_space<hbm>> -> memref<128x16xf32, #tpu.memory_space<hbm>>
    %dma_wait3A_126 = arith.constant 0 : i32
    %dma_wait3A_127 = arith.constant 0 : i32
    %dma_wait3A_128 = tpu.memref_slice %arg5[%dma_wait3A_126, %dma_wait3A_127] : memref<335872x16xf32, #tpu.memory_space<hbm>> -> memref<128x16xf32, #tpu.memory_space<hbm>>
    tpu.wait_dma2 semaphore(%arg28 : memref<!tpu.dma_semaphore, #tpu.memory_space<semaphore_mem>>) src(%arg18 : memref<128x16xf32, #tpu.memory_space<vmem>>) dst(%dma_wait3A_128 : memref<128x16xf32, #tpu.memory_space<hbm>>)
    %barrier3A_129 = arith.constant 0 : index
    tpu.barrier barrier_id(%barrier3A_129)
    %add3A_130 = arith.constant 0 : i32
    %add3A_131 = arith.addi %mul3A_9, %add3A_130 : i32
    "tpu.region"() ({
      %run_scoped3A = tpu.sem_alloc : memref<!tpu.dma_semaphore, #tpu.memory_space<semaphore_mem>>
      %dma_start3A_150 = arith.constant 0 : i32
      %dma_start3A_151 = tpu.memref_slice %arg20[%add3A_131, %dma_start3A_150] : memref<10240x16xf32, #tpu.memory_space<vmem_shared>> -> memref<128x16xf32, #tpu.memory_space<vmem_shared>>
      %dma_start3A_152 = arith.constant 0 : i32
      %dma_start3A_153 = tpu.memref_slice %arg20[%add3A_131, %dma_start3A_152] : memref<10240x16xf32, #tpu.memory_space<vmem_shared>> -> memref<128x16xf32, #tpu.memory_space<vmem_shared>>
      tpu.enqueue_dma source(%dma_start3A_153 : memref<128x16xf32, #tpu.memory_space<vmem_shared>>) target(%arg19 : memref<128x16xf32, #tpu.memory_space<vmem>>) target_semaphore(%run_scoped3A : memref<!tpu.dma_semaphore, #tpu.memory_space<semaphore_mem>>)
      %dma_wait3A_154 = arith.constant 0 : i32
      %dma_wait3A_155 = tpu.memref_slice %arg20[%add3A_131, %dma_wait3A_154] : memref<10240x16xf32, #tpu.memory_space<vmem_shared>> -> memref<128x16xf32, #tpu.memory_space<vmem_shared>>
      %dma_wait3A_156 = arith.constant 0 : i32
      %dma_wait3A_157 = tpu.memref_slice %arg20[%add3A_131, %dma_wait3A_156] : memref<10240x16xf32, #tpu.memory_space<vmem_shared>> -> memref<128x16xf32, #tpu.memory_space<vmem_shared>>
      tpu.wait_dma2 semaphore(%run_scoped3A : memref<!tpu.dma_semaphore, #tpu.memory_space<semaphore_mem>>) src(%dma_wait3A_157 : memref<128x16xf32, #tpu.memory_space<vmem_shared>>) dst(%arg19 : memref<128x16xf32, #tpu.memory_space<vmem>>)
      tpu.yield
    }) : () -> ()
    %add3A_132 = arith.constant 0 : i32
    %add3A_133 = arith.addi %mul3A_9, %add3A_132 : i32
    "tpu.region"() ({
      %run_scoped3A = tpu.sem_alloc : memref<!tpu.dma_semaphore, #tpu.memory_space<semaphore_mem>>
      %dma_start3A_150 = arith.constant 0 : i32
      %dma_start3A_151 = tpu.memref_slice %arg6[%arg0, %add3A_133, %dma_start3A_150] : memref<2x10240x16xf32, #tpu.memory_space<hbm>> -> memref<1x128x16xf32, #tpu.memory_space<hbm>>
      %dma_start3A_152 = tpu.memref_squeeze %dma_start3A_151 : memref<1x128x16xf32, #tpu.memory_space<hbm>> -> memref<128x16xf32, #tpu.memory_space<hbm>>
      %dma_start3A_153 = arith.constant 0 : i32
      %dma_start3A_154 = tpu.memref_slice %arg6[%arg0, %add3A_133, %dma_start3A_153] : memref<2x10240x16xf32, #tpu.memory_space<hbm>> -> memref<1x128x16xf32, #tpu.memory_space<hbm>>
      %dma_start3A_155 = tpu.memref_squeeze %dma_start3A_154 : memref<1x128x16xf32, #tpu.memory_space<hbm>> -> memref<128x16xf32, #tpu.memory_space<hbm>>
      tpu.enqueue_dma source(%arg19 : memref<128x16xf32, #tpu.memory_space<vmem>>) target(%dma_start3A_155 : memref<128x16xf32, #tpu.memory_space<hbm>>) target_semaphore(%run_scoped3A : memref<!tpu.dma_semaphore, #tpu.memory_space<semaphore_mem>>)
      %dma_wait3A_156 = arith.constant 0 : i32
      %dma_wait3A_157 = tpu.memref_slice %arg6[%arg0, %add3A_133, %dma_wait3A_156] : memref<2x10240x16xf32, #tpu.memory_space<hbm>> -> memref<1x128x16xf32, #tpu.memory_space<hbm>>
      %dma_wait3A_158 = tpu.memref_squeeze %dma_wait3A_157 : memref<1x128x16xf32, #tpu.memory_space<hbm>> -> memref<128x16xf32, #tpu.memory_space<hbm>>
      %dma_wait3A_159 = arith.constant 0 : i32
      %dma_wait3A_160 = tpu.memref_slice %arg6[%arg0, %add3A_133, %dma_wait3A_159] : memref<2x10240x16xf32, #tpu.memory_space<hbm>> -> memref<1x128x16xf32, #tpu.memory_space<hbm>>
      %dma_wait3A_161 = tpu.memref_squeeze %dma_wait3A_160 : memref<1x128x16xf32, #tpu.memory_space<hbm>> -> memref<128x16xf32, #tpu.memory_space<hbm>>
      tpu.wait_dma2 semaphore(%run_scoped3A : memref<!tpu.dma_semaphore, #tpu.memory_space<semaphore_mem>>) src(%arg19 : memref<128x16xf32, #tpu.memory_space<vmem>>) dst(%dma_wait3A_161 : memref<128x16xf32, #tpu.memory_space<hbm>>)
      tpu.yield
    }) : () -> ()
    %add3A_134 = arith.constant 128 : i32
    %add3A_135 = arith.addi %mul3A_9, %add3A_134 : i32
    "tpu.region"() ({
      %run_scoped3A = tpu.sem_alloc : memref<!tpu.dma_semaphore, #tpu.memory_space<semaphore_mem>>
      %dma_start3A_150 = arith.constant 0 : i32
      %dma_start3A_151 = tpu.memref_slice %arg20[%add3A_135, %dma_start3A_150] : memref<10240x16xf32, #tpu.memory_space<vmem_shared>> -> memref<128x16xf32, #tpu.memory_space<vmem_shared>>
      %dma_start3A_152 = arith.constant 0 : i32
      %dma_start3A_153 = tpu.memref_slice %arg20[%add3A_135, %dma_start3A_152] : memref<10240x16xf32, #tpu.memory_space<vmem_shared>> -> memref<128x16xf32, #tpu.memory_space<vmem_shared>>
      tpu.enqueue_dma source(%dma_start3A_153 : memref<128x16xf32, #tpu.memory_space<vmem_shared>>) target(%arg19 : memref<128x16xf32, #tpu.memory_space<vmem>>) target_semaphore(%run_scoped3A : memref<!tpu.dma_semaphore, #tpu.memory_space<semaphore_mem>>)
      %dma_wait3A_154 = arith.constant 0 : i32
      %dma_wait3A_155 = tpu.memref_slice %arg20[%add3A_135, %dma_wait3A_154] : memref<10240x16xf32, #tpu.memory_space<vmem_shared>> -> memref<128x16xf32, #tpu.memory_space<vmem_shared>>
      %dma_wait3A_156 = arith.constant 0 : i32
      %dma_wait3A_157 = tpu.memref_slice %arg20[%add3A_135, %dma_wait3A_156] : memref<10240x16xf32, #tpu.memory_space<vmem_shared>> -> memref<128x16xf32, #tpu.memory_space<vmem_shared>>
      tpu.wait_dma2 semaphore(%run_scoped3A : memref<!tpu.dma_semaphore, #tpu.memory_space<semaphore_mem>>) src(%dma_wait3A_157 : memref<128x16xf32, #tpu.memory_space<vmem_shared>>) dst(%arg19 : memref<128x16xf32, #tpu.memory_space<vmem>>)
      tpu.yield
    }) : () -> ()
    %add3A_136 = arith.constant 128 : i32
    %add3A_137 = arith.addi %mul3A_9, %add3A_136 : i32
    "tpu.region"() ({
      %run_scoped3A = tpu.sem_alloc : memref<!tpu.dma_semaphore, #tpu.memory_space<semaphore_mem>>
      %dma_start3A_150 = arith.constant 0 : i32
      %dma_start3A_151 = tpu.memref_slice %arg6[%arg0, %add3A_137, %dma_start3A_150] : memref<2x10240x16xf32, #tpu.memory_space<hbm>> -> memref<1x128x16xf32, #tpu.memory_space<hbm>>
      %dma_start3A_152 = tpu.memref_squeeze %dma_start3A_151 : memref<1x128x16xf32, #tpu.memory_space<hbm>> -> memref<128x16xf32, #tpu.memory_space<hbm>>
      %dma_start3A_153 = arith.constant 0 : i32
      %dma_start3A_154 = tpu.memref_slice %arg6[%arg0, %add3A_137, %dma_start3A_153] : memref<2x10240x16xf32, #tpu.memory_space<hbm>> -> memref<1x128x16xf32, #tpu.memory_space<hbm>>
      %dma_start3A_155 = tpu.memref_squeeze %dma_start3A_154 : memref<1x128x16xf32, #tpu.memory_space<hbm>> -> memref<128x16xf32, #tpu.memory_space<hbm>>
      tpu.enqueue_dma source(%arg19 : memref<128x16xf32, #tpu.memory_space<vmem>>) target(%dma_start3A_155 : memref<128x16xf32, #tpu.memory_space<hbm>>) target_semaphore(%run_scoped3A : memref<!tpu.dma_semaphore, #tpu.memory_space<semaphore_mem>>)
      %dma_wait3A_156 = arith.constant 0 : i32
      %dma_wait3A_157 = tpu.memref_slice %arg6[%arg0, %add3A_137, %dma_wait3A_156] : memref<2x10240x16xf32, #tpu.memory_space<hbm>> -> memref<1x128x16xf32, #tpu.memory_space<hbm>>
      %dma_wait3A_158 = tpu.memref_squeeze %dma_wait3A_157 : memref<1x128x16xf32, #tpu.memory_space<hbm>> -> memref<128x16xf32, #tpu.memory_space<hbm>>
      %dma_wait3A_159 = arith.constant 0 : i32
      %dma_wait3A_160 = tpu.memref_slice %arg6[%arg0, %add3A_137, %dma_wait3A_159] : memref<2x10240x16xf32, #tpu.memory_space<hbm>> -> memref<1x128x16xf32, #tpu.memory_space<hbm>>
      %dma_wait3A_161 = tpu.memref_squeeze %dma_wait3A_160 : memref<1x128x16xf32, #tpu.memory_space<hbm>> -> memref<128x16xf32, #tpu.memory_space<hbm>>
      tpu.wait_dma2 semaphore(%run_scoped3A : memref<!tpu.dma_semaphore, #tpu.memory_space<semaphore_mem>>) src(%arg19 : memref<128x16xf32, #tpu.memory_space<vmem>>) dst(%dma_wait3A_161 : memref<128x16xf32, #tpu.memory_space<hbm>>)
      tpu.yield
    }) : () -> ()
    %add3A_138 = arith.constant 256 : i32
    %add3A_139 = arith.addi %mul3A_9, %add3A_138 : i32
    "tpu.region"() ({
      %run_scoped3A = tpu.sem_alloc : memref<!tpu.dma_semaphore, #tpu.memory_space<semaphore_mem>>
      %dma_start3A_150 = arith.constant 0 : i32
      %dma_start3A_151 = tpu.memref_slice %arg20[%add3A_139, %dma_start3A_150] : memref<10240x16xf32, #tpu.memory_space<vmem_shared>> -> memref<128x16xf32, #tpu.memory_space<vmem_shared>>
      %dma_start3A_152 = arith.constant 0 : i32
      %dma_start3A_153 = tpu.memref_slice %arg20[%add3A_139, %dma_start3A_152] : memref<10240x16xf32, #tpu.memory_space<vmem_shared>> -> memref<128x16xf32, #tpu.memory_space<vmem_shared>>
      tpu.enqueue_dma source(%dma_start3A_153 : memref<128x16xf32, #tpu.memory_space<vmem_shared>>) target(%arg19 : memref<128x16xf32, #tpu.memory_space<vmem>>) target_semaphore(%run_scoped3A : memref<!tpu.dma_semaphore, #tpu.memory_space<semaphore_mem>>)
      %dma_wait3A_154 = arith.constant 0 : i32
      %dma_wait3A_155 = tpu.memref_slice %arg20[%add3A_139, %dma_wait3A_154] : memref<10240x16xf32, #tpu.memory_space<vmem_shared>> -> memref<128x16xf32, #tpu.memory_space<vmem_shared>>
      %dma_wait3A_156 = arith.constant 0 : i32
      %dma_wait3A_157 = tpu.memref_slice %arg20[%add3A_139, %dma_wait3A_156] : memref<10240x16xf32, #tpu.memory_space<vmem_shared>> -> memref<128x16xf32, #tpu.memory_space<vmem_shared>>
      tpu.wait_dma2 semaphore(%run_scoped3A : memref<!tpu.dma_semaphore, #tpu.memory_space<semaphore_mem>>) src(%dma_wait3A_157 : memref<128x16xf32, #tpu.memory_space<vmem_shared>>) dst(%arg19 : memref<128x16xf32, #tpu.memory_space<vmem>>)
      tpu.yield
    }) : () -> ()
    %add3A_140 = arith.constant 256 : i32
    %add3A_141 = arith.addi %mul3A_9, %add3A_140 : i32
    "tpu.region"() ({
      %run_scoped3A = tpu.sem_alloc : memref<!tpu.dma_semaphore, #tpu.memory_space<semaphore_mem>>
      %dma_start3A_150 = arith.constant 0 : i32
      %dma_start3A_151 = tpu.memref_slice %arg6[%arg0, %add3A_141, %dma_start3A_150] : memref<2x10240x16xf32, #tpu.memory_space<hbm>> -> memref<1x128x16xf32, #tpu.memory_space<hbm>>
      %dma_start3A_152 = tpu.memref_squeeze %dma_start3A_151 : memref<1x128x16xf32, #tpu.memory_space<hbm>> -> memref<128x16xf32, #tpu.memory_space<hbm>>
      %dma_start3A_153 = arith.constant 0 : i32
      %dma_start3A_154 = tpu.memref_slice %arg6[%arg0, %add3A_141, %dma_start3A_153] : memref<2x10240x16xf32, #tpu.memory_space<hbm>> -> memref<1x128x16xf32, #tpu.memory_space<hbm>>
      %dma_start3A_155 = tpu.memref_squeeze %dma_start3A_154 : memref<1x128x16xf32, #tpu.memory_space<hbm>> -> memref<128x16xf32, #tpu.memory_space<hbm>>
      tpu.enqueue_dma source(%arg19 : memref<128x16xf32, #tpu.memory_space<vmem>>) target(%dma_start3A_155 : memref<128x16xf32, #tpu.memory_space<hbm>>) target_semaphore(%run_scoped3A : memref<!tpu.dma_semaphore, #tpu.memory_space<semaphore_mem>>)
      %dma_wait3A_156 = arith.constant 0 : i32
      %dma_wait3A_157 = tpu.memref_slice %arg6[%arg0, %add3A_141, %dma_wait3A_156] : memref<2x10240x16xf32, #tpu.memory_space<hbm>> -> memref<1x128x16xf32, #tpu.memory_space<hbm>>
      %dma_wait3A_158 = tpu.memref_squeeze %dma_wait3A_157 : memref<1x128x16xf32, #tpu.memory_space<hbm>> -> memref<128x16xf32, #tpu.memory_space<hbm>>
      %dma_wait3A_159 = arith.constant 0 : i32
      %dma_wait3A_160 = tpu.memref_slice %arg6[%arg0, %add3A_141, %dma_wait3A_159] : memref<2x10240x16xf32, #tpu.memory_space<hbm>> -> memref<1x128x16xf32, #tpu.memory_space<hbm>>
      %dma_wait3A_161 = tpu.memref_squeeze %dma_wait3A_160 : memref<1x128x16xf32, #tpu.memory_space<hbm>> -> memref<128x16xf32, #tpu.memory_space<hbm>>
      tpu.wait_dma2 semaphore(%run_scoped3A : memref<!tpu.dma_semaphore, #tpu.memory_space<semaphore_mem>>) src(%arg19 : memref<128x16xf32, #tpu.memory_space<vmem>>) dst(%dma_wait3A_161 : memref<128x16xf32, #tpu.memory_space<hbm>>)
      tpu.yield
    }) : () -> ()
    %add3A_142 = arith.constant 384 : i32
    %add3A_143 = arith.addi %mul3A_9, %add3A_142 : i32
    "tpu.region"() ({
      %run_scoped3A = tpu.sem_alloc : memref<!tpu.dma_semaphore, #tpu.memory_space<semaphore_mem>>
      %dma_start3A_150 = arith.constant 0 : i32
      %dma_start3A_151 = tpu.memref_slice %arg20[%add3A_143, %dma_start3A_150] : memref<10240x16xf32, #tpu.memory_space<vmem_shared>> -> memref<128x16xf32, #tpu.memory_space<vmem_shared>>
      %dma_start3A_152 = arith.constant 0 : i32
      %dma_start3A_153 = tpu.memref_slice %arg20[%add3A_143, %dma_start3A_152] : memref<10240x16xf32, #tpu.memory_space<vmem_shared>> -> memref<128x16xf32, #tpu.memory_space<vmem_shared>>
      tpu.enqueue_dma source(%dma_start3A_153 : memref<128x16xf32, #tpu.memory_space<vmem_shared>>) target(%arg19 : memref<128x16xf32, #tpu.memory_space<vmem>>) target_semaphore(%run_scoped3A : memref<!tpu.dma_semaphore, #tpu.memory_space<semaphore_mem>>)
      %dma_wait3A_154 = arith.constant 0 : i32
      %dma_wait3A_155 = tpu.memref_slice %arg20[%add3A_143, %dma_wait3A_154] : memref<10240x16xf32, #tpu.memory_space<vmem_shared>> -> memref<128x16xf32, #tpu.memory_space<vmem_shared>>
      %dma_wait3A_156 = arith.constant 0 : i32
      %dma_wait3A_157 = tpu.memref_slice %arg20[%add3A_143, %dma_wait3A_156] : memref<10240x16xf32, #tpu.memory_space<vmem_shared>> -> memref<128x16xf32, #tpu.memory_space<vmem_shared>>
      tpu.wait_dma2 semaphore(%run_scoped3A : memref<!tpu.dma_semaphore, #tpu.memory_space<semaphore_mem>>) src(%dma_wait3A_157 : memref<128x16xf32, #tpu.memory_space<vmem_shared>>) dst(%arg19 : memref<128x16xf32, #tpu.memory_space<vmem>>)
      tpu.yield
    }) : () -> ()
    %add3A_144 = arith.constant 384 : i32
    %add3A_145 = arith.addi %mul3A_9, %add3A_144 : i32
    "tpu.region"() ({
      %run_scoped3A = tpu.sem_alloc : memref<!tpu.dma_semaphore, #tpu.memory_space<semaphore_mem>>
      %dma_start3A_150 = arith.constant 0 : i32
      %dma_start3A_151 = tpu.memref_slice %arg6[%arg0, %add3A_145, %dma_start3A_150] : memref<2x10240x16xf32, #tpu.memory_space<hbm>> -> memref<1x128x16xf32, #tpu.memory_space<hbm>>
      %dma_start3A_152 = tpu.memref_squeeze %dma_start3A_151 : memref<1x128x16xf32, #tpu.memory_space<hbm>> -> memref<128x16xf32, #tpu.memory_space<hbm>>
      %dma_start3A_153 = arith.constant 0 : i32
      %dma_start3A_154 = tpu.memref_slice %arg6[%arg0, %add3A_145, %dma_start3A_153] : memref<2x10240x16xf32, #tpu.memory_space<hbm>> -> memref<1x128x16xf32, #tpu.memory_space<hbm>>
      %dma_start3A_155 = tpu.memref_squeeze %dma_start3A_154 : memref<1x128x16xf32, #tpu.memory_space<hbm>> -> memref<128x16xf32, #tpu.memory_space<hbm>>
      tpu.enqueue_dma source(%arg19 : memref<128x16xf32, #tpu.memory_space<vmem>>) target(%dma_start3A_155 : memref<128x16xf32, #tpu.memory_space<hbm>>) target_semaphore(%run_scoped3A : memref<!tpu.dma_semaphore, #tpu.memory_space<semaphore_mem>>)
      %dma_wait3A_156 = arith.constant 0 : i32
      %dma_wait3A_157 = tpu.memref_slice %arg6[%arg0, %add3A_145, %dma_wait3A_156] : memref<2x10240x16xf32, #tpu.memory_space<hbm>> -> memref<1x128x16xf32, #tpu.memory_space<hbm>>
      %dma_wait3A_158 = tpu.memref_squeeze %dma_wait3A_157 : memref<1x128x16xf32, #tpu.memory_space<hbm>> -> memref<128x16xf32, #tpu.memory_space<hbm>>
      %dma_wait3A_159 = arith.constant 0 : i32
      %dma_wait3A_160 = tpu.memref_slice %arg6[%arg0, %add3A_145, %dma_wait3A_159] : memref<2x10240x16xf32, #tpu.memory_space<hbm>> -> memref<1x128x16xf32, #tpu.memory_space<hbm>>
      %dma_wait3A_161 = tpu.memref_squeeze %dma_wait3A_160 : memref<1x128x16xf32, #tpu.memory_space<hbm>> -> memref<128x16xf32, #tpu.memory_space<hbm>>
      tpu.wait_dma2 semaphore(%run_scoped3A : memref<!tpu.dma_semaphore, #tpu.memory_space<semaphore_mem>>) src(%arg19 : memref<128x16xf32, #tpu.memory_space<vmem>>) dst(%dma_wait3A_161 : memref<128x16xf32, #tpu.memory_space<hbm>>)
      tpu.yield
    }) : () -> ()
    %add3A_146 = arith.constant 512 : i32
    %add3A_147 = arith.addi %mul3A_9, %add3A_146 : i32
    "tpu.region"() ({
      %run_scoped3A = tpu.sem_alloc : memref<!tpu.dma_semaphore, #tpu.memory_space<semaphore_mem>>
      %dma_start3A_150 = arith.constant 0 : i32
      %dma_start3A_151 = tpu.memref_slice %arg20[%add3A_147, %dma_start3A_150] : memref<10240x16xf32, #tpu.memory_space<vmem_shared>> -> memref<128x16xf32, #tpu.memory_space<vmem_shared>>
      %dma_start3A_152 = arith.constant 0 : i32
      %dma_start3A_153 = tpu.memref_slice %arg20[%add3A_147, %dma_start3A_152] : memref<10240x16xf32, #tpu.memory_space<vmem_shared>> -> memref<128x16xf32, #tpu.memory_space<vmem_shared>>
      tpu.enqueue_dma source(%dma_start3A_153 : memref<128x16xf32, #tpu.memory_space<vmem_shared>>) target(%arg19 : memref<128x16xf32, #tpu.memory_space<vmem>>) target_semaphore(%run_scoped3A : memref<!tpu.dma_semaphore, #tpu.memory_space<semaphore_mem>>)
      %dma_wait3A_154 = arith.constant 0 : i32
      %dma_wait3A_155 = tpu.memref_slice %arg20[%add3A_147, %dma_wait3A_154] : memref<10240x16xf32, #tpu.memory_space<vmem_shared>> -> memref<128x16xf32, #tpu.memory_space<vmem_shared>>
      %dma_wait3A_156 = arith.constant 0 : i32
      %dma_wait3A_157 = tpu.memref_slice %arg20[%add3A_147, %dma_wait3A_156] : memref<10240x16xf32, #tpu.memory_space<vmem_shared>> -> memref<128x16xf32, #tpu.memory_space<vmem_shared>>
      tpu.wait_dma2 semaphore(%run_scoped3A : memref<!tpu.dma_semaphore, #tpu.memory_space<semaphore_mem>>) src(%dma_wait3A_157 : memref<128x16xf32, #tpu.memory_space<vmem_shared>>) dst(%arg19 : memref<128x16xf32, #tpu.memory_space<vmem>>)
      tpu.yield
    }) : () -> ()
    %add3A_148 = arith.constant 512 : i32
    %add3A_149 = arith.addi %mul3A_9, %add3A_148 : i32
    "tpu.region"() ({
      %run_scoped3A = tpu.sem_alloc : memref<!tpu.dma_semaphore, #tpu.memory_space<semaphore_mem>>
      %dma_start3A_150 = arith.constant 0 : i32
      %dma_start3A_151 = tpu.memref_slice %arg6[%arg0, %add3A_149, %dma_start3A_150] : memref<2x10240x16xf32, #tpu.memory_space<hbm>> -> memref<1x128x16xf32, #tpu.memory_space<hbm>>
      %dma_start3A_152 = tpu.memref_squeeze %dma_start3A_151 : memref<1x128x16xf32, #tpu.memory_space<hbm>> -> memref<128x16xf32, #tpu.memory_space<hbm>>
      %dma_start3A_153 = arith.constant 0 : i32
      %dma_start3A_154 = tpu.memref_slice %arg6[%arg0, %add3A_149, %dma_start3A_153] : memref<2x10240x16xf32, #tpu.memory_space<hbm>> -> memref<1x128x16xf32, #tpu.memory_space<hbm>>
      %dma_start3A_155 = tpu.memref_squeeze %dma_start3A_154 : memref<1x128x16xf32, #tpu.memory_space<hbm>> -> memref<128x16xf32, #tpu.memory_space<hbm>>
      tpu.enqueue_dma source(%arg19 : memref<128x16xf32, #tpu.memory_space<vmem>>) target(%dma_start3A_155 : memref<128x16xf32, #tpu.memory_space<hbm>>) target_semaphore(%run_scoped3A : memref<!tpu.dma_semaphore, #tpu.memory_space<semaphore_mem>>)
      %dma_wait3A_156 = arith.constant 0 : i32
      %dma_wait3A_157 = tpu.memref_slice %arg6[%arg0, %add3A_149, %dma_wait3A_156] : memref<2x10240x16xf32, #tpu.memory_space<hbm>> -> memref<1x128x16xf32, #tpu.memory_space<hbm>>
      %dma_wait3A_158 = tpu.memref_squeeze %dma_wait3A_157 : memref<1x128x16xf32, #tpu.memory_space<hbm>> -> memref<128x16xf32, #tpu.memory_space<hbm>>
      %dma_wait3A_159 = arith.constant 0 : i32
      %dma_wait3A_160 = tpu.memref_slice %arg6[%arg0, %add3A_149, %dma_wait3A_159] : memref<2x10240x16xf32, #tpu.memory_space<hbm>> -> memref<1x128x16xf32, #tpu.memory_space<hbm>>
      %dma_wait3A_161 = tpu.memref_squeeze %dma_wait3A_160 : memref<1x128x16xf32, #tpu.memory_space<hbm>> -> memref<128x16xf32, #tpu.memory_space<hbm>>
      tpu.wait_dma2 semaphore(%run_scoped3A : memref<!tpu.dma_semaphore, #tpu.memory_space<semaphore_mem>>) src(%arg19 : memref<128x16xf32, #tpu.memory_space<vmem>>) dst(%dma_wait3A_161 : memref<128x16xf32, #tpu.memory_space<hbm>>)
      tpu.yield
    }) : () -> ()
    return
  }
}

#map = affine_map<(d0, d1) -> (0)>
#map1 = affine_map<(d0, d1) -> (0, 0)>
#map2 = affine_map<(d0, d1) -> (0, 0, 0)>
module attributes {stable_mosaic.version = 14 : i64} {
  func.func @_p3_body(%arg0: i32, %arg1: i32, %arg2: memref<335872xi32, #tpu.memory_space<hbm>>, %arg3: memref<335872xi32, #tpu.memory_space<hbm>>, %arg4: memref<335872x16xf32, #tpu.memory_space<hbm>>, %arg5: memref<10240x128xf32, #tpu.memory_space<hbm>>, %arg6: memref<10240x1024xbf16, #tpu.memory_space<hbm>>, %arg7: memref<640x128xf32, #tpu.memory_space<hbm>>, %arg8: memref<2x10240x128xf32, #tpu.memory_space<hbm>>, %arg9: memref<16xi32, #tpu.memory_space<vmem>>, %arg10: memref<16xi32, #tpu.memory_space<vmem>>, %arg11: memref<16xi32, #tpu.memory_space<vmem>>, %arg12: memref<16xi32, #tpu.memory_space<vmem>>, %arg13: memref<16xi32, #tpu.memory_space<vmem>>, %arg14: memref<16xi32, #tpu.memory_space<vmem>>, %arg15: memref<16x16xf32, #tpu.memory_space<vmem>>, %arg16: memref<16x16xf32, #tpu.memory_space<vmem>>, %arg17: memref<16x128xf32, #tpu.memory_space<vmem>>, %arg18: memref<16x128xf32, #tpu.memory_space<vmem>>, %arg19: memref<16x1024xbf16, #tpu.memory_space<vmem>>, %arg20: memref<16x1024xbf16, #tpu.memory_space<vmem>>, %arg21: memref<16x128xf32, #tpu.memory_space<vmem>>, %arg22: memref<16x128xf32, #tpu.memory_space<vmem>>, %arg23: memref<10240x128xf32, #tpu.memory_space<vmem_shared>>, %arg24: memref<!tpu.dma_semaphore, #tpu.memory_space<semaphore_mem>>, %arg25: memref<!tpu.dma_semaphore, #tpu.memory_space<semaphore_mem>>, %arg26: memref<!tpu.dma_semaphore, #tpu.memory_space<semaphore_mem>>, %arg27: memref<!tpu.dma_semaphore, #tpu.memory_space<semaphore_mem>>, %arg28: memref<!tpu.dma_semaphore, #tpu.memory_space<semaphore_mem>>, %arg29: memref<!tpu.dma_semaphore, #tpu.memory_space<semaphore_mem>>) attributes {dimension_semantics = [#tpu.dimension_semantics<core_parallel>, #tpu.dimension_semantics<subcore_parallel>], iteration_bounds = array<i64: 2, 16>, scalar_prefetch = 0 : i64, scratch_operands = 21 : i64, tpu.core_type = #tpu.core_type<sc_vector_subcore>, window_params = [{transform_indices = #map}, {transform_indices = #map}, {transform_indices = #map1}, {transform_indices = #map1}, {transform_indices = #map1}, {transform_indices = #map1}, {transform_indices = #map2}]} {
    %mul3A = arith.constant 2 : i32
    %mul3A_0 = arith.muli %arg1, %mul3A : i32
    %add3A = arith.addi %mul3A_0, %arg0 : i32
    %mul3A_1 = arith.constant 640 : i32
    %mul3A_2 = arith.muli %arg1, %mul3A_1 : i32
    "tpu.region"() ({
      %run_scoped3A = tpu.sem_alloc : memref<!tpu.dma_semaphore, #tpu.memory_space<semaphore_mem>>
      %dma_start3A_74 = arith.constant 0 : i32
      %dma_start3A_75 = tpu.memref_slice %arg23[%mul3A_2, %dma_start3A_74] : memref<10240x128xf32, #tpu.memory_space<vmem_shared>> -> memref<640x128xf32, #tpu.memory_space<vmem_shared>>
      tpu.enqueue_dma source(%arg7 : memref<640x128xf32, #tpu.memory_space<hbm>>) target(%dma_start3A_75 : memref<640x128xf32, #tpu.memory_space<vmem_shared>>) target_semaphore(%run_scoped3A : memref<!tpu.dma_semaphore, #tpu.memory_space<semaphore_mem>>)
      %dma_wait3A_76 = arith.constant 0 : i32
      %dma_wait3A_77 = tpu.memref_slice %arg23[%mul3A_2, %dma_wait3A_76] : memref<10240x128xf32, #tpu.memory_space<vmem_shared>> -> memref<640x128xf32, #tpu.memory_space<vmem_shared>>
      tpu.wait_dma2 semaphore(%run_scoped3A : memref<!tpu.dma_semaphore, #tpu.memory_space<semaphore_mem>>) src(%arg7 : memref<640x128xf32, #tpu.memory_space<hbm>>) dst(%dma_wait3A_77 : memref<640x128xf32, #tpu.memory_space<vmem_shared>>)
      tpu.yield
    }) : () -> ()
    %barrier3A = arith.constant 0 : index
    tpu.barrier barrier_id(%barrier3A)
    %mul3A_3 = arith.constant 656 : i32
    %mul3A_4 = arith.muli %add3A, %mul3A_3 : i32
    %mul3A_5 = arith.constant 16 : i32
    %mul3A_6 = arith.muli %mul3A_4, %mul3A_5 : i32
    "tpu.region"() ({
      %run_scoped3A = tpu.sem_alloc : memref<!tpu.dma_semaphore, #tpu.memory_space<semaphore_mem>>
      %dma_start3A_74 = tpu.memref_slice %arg2[%mul3A_6] : memref<335872xi32, #tpu.memory_space<hbm>> -> memref<16xi32, #tpu.memory_space<hbm>>
      %dma_start3A_75 = tpu.memref_slice %arg2[%mul3A_6] : memref<335872xi32, #tpu.memory_space<hbm>> -> memref<16xi32, #tpu.memory_space<hbm>>
      tpu.enqueue_dma source(%dma_start3A_75 : memref<16xi32, #tpu.memory_space<hbm>>) target(%arg9 : memref<16xi32, #tpu.memory_space<vmem>>) target_semaphore(%run_scoped3A : memref<!tpu.dma_semaphore, #tpu.memory_space<semaphore_mem>>)
      %dma_wait3A_76 = tpu.memref_slice %arg2[%mul3A_6] : memref<335872xi32, #tpu.memory_space<hbm>> -> memref<16xi32, #tpu.memory_space<hbm>>
      %dma_wait3A_77 = tpu.memref_slice %arg2[%mul3A_6] : memref<335872xi32, #tpu.memory_space<hbm>> -> memref<16xi32, #tpu.memory_space<hbm>>
      tpu.wait_dma2 semaphore(%run_scoped3A : memref<!tpu.dma_semaphore, #tpu.memory_space<semaphore_mem>>) src(%dma_wait3A_77 : memref<16xi32, #tpu.memory_space<hbm>>) dst(%arg9 : memref<16xi32, #tpu.memory_space<vmem>>)
      tpu.yield
    }) : () -> ()
    %mul3A_7 = arith.constant 16 : i32
    %mul3A_8 = arith.muli %mul3A_4, %mul3A_7 : i32
    "tpu.region"() ({
      %run_scoped3A = tpu.sem_alloc : memref<!tpu.dma_semaphore, #tpu.memory_space<semaphore_mem>>
      %dma_start3A_74 = tpu.memref_slice %arg3[%mul3A_8] : memref<335872xi32, #tpu.memory_space<hbm>> -> memref<16xi32, #tpu.memory_space<hbm>>
      %dma_start3A_75 = tpu.memref_slice %arg3[%mul3A_8] : memref<335872xi32, #tpu.memory_space<hbm>> -> memref<16xi32, #tpu.memory_space<hbm>>
      tpu.enqueue_dma source(%dma_start3A_75 : memref<16xi32, #tpu.memory_space<hbm>>) target(%arg10 : memref<16xi32, #tpu.memory_space<vmem>>) target_semaphore(%run_scoped3A : memref<!tpu.dma_semaphore, #tpu.memory_space<semaphore_mem>>)
      %dma_wait3A_76 = tpu.memref_slice %arg3[%mul3A_8] : memref<335872xi32, #tpu.memory_space<hbm>> -> memref<16xi32, #tpu.memory_space<hbm>>
      %dma_wait3A_77 = tpu.memref_slice %arg3[%mul3A_8] : memref<335872xi32, #tpu.memory_space<hbm>> -> memref<16xi32, #tpu.memory_space<hbm>>
      tpu.wait_dma2 semaphore(%run_scoped3A : memref<!tpu.dma_semaphore, #tpu.memory_space<semaphore_mem>>) src(%dma_wait3A_77 : memref<16xi32, #tpu.memory_space<hbm>>) dst(%arg10 : memref<16xi32, #tpu.memory_space<vmem>>)
      tpu.yield
    }) : () -> ()
    %add3A_9 = arith.constant 0 : i32
    %add3A_10 = arith.addi %mul3A_4, %add3A_9 : i32
    %mul3A_11 = arith.constant 16 : i32
    %mul3A_12 = arith.muli %add3A_10, %mul3A_11 : i32
    %dma_start3A = arith.constant 0 : i32
    %dma_start3A_13 = tpu.memref_slice %arg4[%mul3A_12, %dma_start3A] : memref<335872x16xf32, #tpu.memory_space<hbm>> -> memref<16x16xf32, #tpu.memory_space<hbm>>
    %dma_start3A_14 = arith.constant 0 : i32
    %dma_start3A_15 = tpu.memref_slice %arg4[%mul3A_12, %dma_start3A_14] : memref<335872x16xf32, #tpu.memory_space<hbm>> -> memref<16x16xf32, #tpu.memory_space<hbm>>
    tpu.enqueue_dma source(%dma_start3A_15 : memref<16x16xf32, #tpu.memory_space<hbm>>) target(%arg15 : memref<16x16xf32, #tpu.memory_space<vmem>>) target_semaphore(%arg24 : memref<!tpu.dma_semaphore, #tpu.memory_space<semaphore_mem>>)
    %dma_start3A_16 = arith.constant 0 : i32
    %dma_start3A_17 = arith.constant 0 : i32
    %dma_start3A_18 = tpu.memref_slice %arg5[%dma_start3A_16, %dma_start3A_17] : memref<10240x128xf32, #tpu.memory_space<hbm>> -> memref<10240x128xf32, #tpu.memory_space<hbm>>
    tpu.enqueue_indirect_dma source(%dma_start3A_18 : memref<10240x128xf32, #tpu.memory_space<hbm>>) target(%arg17 : memref<16x128xf32, #tpu.memory_space<vmem>>) offsets(%arg10 : memref<16xi32, #tpu.memory_space<vmem>>) semaphore(%arg24 : memref<!tpu.dma_semaphore, #tpu.memory_space<semaphore_mem>>)
    %dma_start3A_19 = arith.constant 0 : i32
    %dma_start3A_20 = arith.constant 0 : i32
    %dma_start3A_21 = tpu.memref_slice %arg6[%dma_start3A_19, %dma_start3A_20] : memref<10240x1024xbf16, #tpu.memory_space<hbm>> -> memref<10240x1024xbf16, #tpu.memory_space<hbm>>
    tpu.enqueue_indirect_dma source(%dma_start3A_21 : memref<10240x1024xbf16, #tpu.memory_space<hbm>>) target(%arg19 : memref<16x1024xbf16, #tpu.memory_space<vmem>>) offsets(%arg9 : memref<16xi32, #tpu.memory_space<vmem>>) semaphore(%arg24 : memref<!tpu.dma_semaphore, #tpu.memory_space<semaphore_mem>>)
    %min3A = arith.constant 1 : i32
    %min3A_22 = arith.constant 655 : i32
    %min3A_23 = arith.minsi %min3A, %min3A_22 : i32
    %add3A_24 = arith.addi %mul3A_4, %min3A_23 : i32
    %mul3A_25 = arith.constant 16 : i32
    %mul3A_26 = arith.muli %add3A_24, %mul3A_25 : i32
    %dma_start3A_27 = tpu.memref_slice %arg2[%mul3A_26] : memref<335872xi32, #tpu.memory_space<hbm>> -> memref<16xi32, #tpu.memory_space<hbm>>
    %dma_start3A_28 = tpu.memref_slice %arg2[%mul3A_26] : memref<335872xi32, #tpu.memory_space<hbm>> -> memref<16xi32, #tpu.memory_space<hbm>>
    tpu.enqueue_dma source(%dma_start3A_28 : memref<16xi32, #tpu.memory_space<hbm>>) target(%arg11 : memref<16xi32, #tpu.memory_space<vmem>>) target_semaphore(%arg27 : memref<!tpu.dma_semaphore, #tpu.memory_space<semaphore_mem>>)
    %dma_start3A_29 = tpu.memref_slice %arg3[%mul3A_26] : memref<335872xi32, #tpu.memory_space<hbm>> -> memref<16xi32, #tpu.memory_space<hbm>>
    %dma_start3A_30 = tpu.memref_slice %arg3[%mul3A_26] : memref<335872xi32, #tpu.memory_space<hbm>> -> memref<16xi32, #tpu.memory_space<hbm>>
    tpu.enqueue_dma source(%dma_start3A_30 : memref<16xi32, #tpu.memory_space<hbm>>) target(%arg12 : memref<16xi32, #tpu.memory_space<vmem>>) target_semaphore(%arg27 : memref<!tpu.dma_semaphore, #tpu.memory_space<semaphore_mem>>)
    %broadcast_in_dim3A = arith.constant 0.000000e+00 : f32
    %broadcast_in_dim3A_31 = vector.broadcast %broadcast_in_dim3A : f32 to vector<16xf32>
    %scan3A = arith.constant 0 : i32
    %scan3A_32 = arith.constant 0 : i32
    %scan3A_33 = arith.constant 16 : i32
    %scan3A_34 = arith.addi %scan3A_32, %scan3A_33 : i32
    %scan3A_35 = arith.constant 1 : i32
    %scan3A_36 = scf.for %scan3A_74 = %scan3A_32 to %scan3A_34 step %scan3A_35 iter_args(%scan3A_75 = %scan3A) -> (i32)  : i32 {
      %swap3A_76 = arith.index_cast %scan3A_74 : i32 to index
      %swap3A_77 = arith.constant 0 : index
      %swap3A_78 = tpu.vector_load %arg22[%swap3A_76, %swap3A_77] {strides = array<i32>} : memref<16x128xf32, #tpu.memory_space<vmem>>, vector<16xf32>,
      tpu.vector_store %arg22[%swap3A_76, %swap3A_77], %broadcast_in_dim3A_31 {strides = array<i32>} : memref<16x128xf32, #tpu.memory_space<vmem>>, vector<16xf32>,
      %swap3A_79 = arith.index_cast %scan3A_74 : i32 to index
      %swap3A_80 = arith.constant 16 : index
      %swap3A_81 = tpu.vector_load %arg22[%swap3A_79, %swap3A_80] {strides = array<i32>} : memref<16x128xf32, #tpu.memory_space<vmem>>, vector<16xf32>,
      tpu.vector_store %arg22[%swap3A_79, %swap3A_80], %broadcast_in_dim3A_31 {strides = array<i32>} : memref<16x128xf32, #tpu.memory_space<vmem>>, vector<16xf32>,
      %swap3A_82 = arith.index_cast %scan3A_74 : i32 to index
      %swap3A_83 = arith.constant 32 : index
      %swap3A_84 = tpu.vector_load %arg22[%swap3A_82, %swap3A_83] {strides = array<i32>} : memref<16x128xf32, #tpu.memory_space<vmem>>, vector<16xf32>,
      tpu.vector_store %arg22[%swap3A_82, %swap3A_83], %broadcast_in_dim3A_31 {strides = array<i32>} : memref<16x128xf32, #tpu.memory_space<vmem>>, vector<16xf32>,
      %swap3A_85 = arith.index_cast %scan3A_74 : i32 to index
      %swap3A_86 = arith.constant 48 : index
      %swap3A_87 = tpu.vector_load %arg22[%swap3A_85, %swap3A_86] {strides = array<i32>} : memref<16x128xf32, #tpu.memory_space<vmem>>, vector<16xf32>,
      tpu.vector_store %arg22[%swap3A_85, %swap3A_86], %broadcast_in_dim3A_31 {strides = array<i32>} : memref<16x128xf32, #tpu.memory_space<vmem>>, vector<16xf32>,
      %swap3A_88 = arith.index_cast %scan3A_74 : i32 to index
      %swap3A_89 = arith.constant 64 : index
      %swap3A_90 = tpu.vector_load %arg22[%swap3A_88, %swap3A_89] {strides = array<i32>} : memref<16x128xf32, #tpu.memory_space<vmem>>, vector<16xf32>,
      tpu.vector_store %arg22[%swap3A_88, %swap3A_89], %broadcast_in_dim3A_31 {strides = array<i32>} : memref<16x128xf32, #tpu.memory_space<vmem>>, vector<16xf32>,
      %swap3A_91 = arith.index_cast %scan3A_74 : i32 to index
      %swap3A_92 = arith.constant 80 : index
      %swap3A_93 = tpu.vector_load %arg22[%swap3A_91, %swap3A_92] {strides = array<i32>} : memref<16x128xf32, #tpu.memory_space<vmem>>, vector<16xf32>,
      tpu.vector_store %arg22[%swap3A_91, %swap3A_92], %broadcast_in_dim3A_31 {strides = array<i32>} : memref<16x128xf32, #tpu.memory_space<vmem>>, vector<16xf32>,
      %swap3A_94 = arith.index_cast %scan3A_74 : i32 to index
      %swap3A_95 = arith.constant 96 : index
      %swap3A_96 = tpu.vector_load %arg22[%swap3A_94, %swap3A_95] {strides = array<i32>} : memref<16x128xf32, #tpu.memory_space<vmem>>, vector<16xf32>,
      tpu.vector_store %arg22[%swap3A_94, %swap3A_95], %broadcast_in_dim3A_31 {strides = array<i32>} : memref<16x128xf32, #tpu.memory_space<vmem>>, vector<16xf32>,
      %swap3A_97 = arith.index_cast %scan3A_74 : i32 to index
      %swap3A_98 = arith.constant 112 : index
      %swap3A_99 = tpu.vector_load %arg22[%swap3A_97, %swap3A_98] {strides = array<i32>} : memref<16x128xf32, #tpu.memory_space<vmem>>, vector<16xf32>,
      tpu.vector_store %arg22[%swap3A_97, %swap3A_98], %broadcast_in_dim3A_31 {strides = array<i32>} : memref<16x128xf32, #tpu.memory_space<vmem>>, vector<16xf32>,
      %scan3A_100 = arith.constant 0 : i32
      scf.yield %scan3A_100 : i32
    }
    %scan3A_37 = arith.constant 16 : i32
    %broadcast_in_dim3A_38 = arith.constant 0 : i32
    %broadcast_in_dim3A_39 = vector.broadcast %broadcast_in_dim3A_38 : i32 to vector<16xi32>
    %swap3A = arith.constant 0 : index
    %swap3A_40 = tpu.vector_load %arg14[%swap3A] {strides = array<i32>} : memref<16xi32, #tpu.memory_space<vmem>>, vector<16xi32>,
    tpu.vector_store %arg14[%swap3A], %broadcast_in_dim3A_39 {strides = array<i32>} : memref<16xi32, #tpu.memory_space<vmem>>, vector<16xi32>,
    %dma_start3A_41 = arith.constant 0 : i32
    %dma_start3A_42 = arith.constant 0 : i32
    %dma_start3A_43 = tpu.memref_slice %arg23[%dma_start3A_41, %dma_start3A_42] : memref<10240x128xf32, #tpu.memory_space<vmem_shared>> -> memref<10240x128xf32, #tpu.memory_space<vmem_shared>>
    tpu.enqueue_indirect_dma source(%arg22 : memref<16x128xf32, #tpu.memory_space<vmem>>) target(%dma_start3A_43 : memref<10240x128xf32, #tpu.memory_space<vmem_shared>>) offsets(%arg14 : memref<16xi32, #tpu.memory_space<vmem>>) semaphore(%arg29 : memref<!tpu.dma_semaphore, #tpu.memory_space<semaphore_mem>>) {add = true}
    %scan3A_44 = arith.constant 0 : i32
    %scan3A_45 = arith.constant 0 : i32
    %scan3A_46 = arith.constant 328 : i32
    %scan3A_47 = arith.addi %scan3A_45, %scan3A_46 : i32
    %scan3A_48 = arith.constant 1 : i32
    %scan3A_49 = scf.for %scan3A_74 = %scan3A_45 to %scan3A_47 step %scan3A_48 iter_args(%scan3A_75 = %scan3A_44) -> (i32)  : i32 {
      %mul3A_76 = arith.constant 2 : i32
      %mul3A_77 = arith.muli %mul3A_76, %scan3A_74 : i32
      %add3A_78 = arith.constant 0 : i32
      %add3A_79 = arith.addi %mul3A_77, %add3A_78 : i32
      %dma_wait3A_80 = arith.constant 0 : i32
      %dma_wait3A_81 = tpu.memref_slice %arg2[%dma_wait3A_80] : memref<335872xi32, #tpu.memory_space<hbm>> -> memref<16xi32, #tpu.memory_space<hbm>>
      %dma_wait3A_82 = arith.constant 0 : i32
      %dma_wait3A_83 = tpu.memref_slice %arg2[%dma_wait3A_82] : memref<335872xi32, #tpu.memory_space<hbm>> -> memref<16xi32, #tpu.memory_space<hbm>>
      tpu.wait_dma2 semaphore(%arg27 : memref<!tpu.dma_semaphore, #tpu.memory_space<semaphore_mem>>) src(%dma_wait3A_83 : memref<16xi32, #tpu.memory_space<hbm>>) dst(%arg11 : memref<16xi32, #tpu.memory_space<vmem>>)
      %dma_wait3A_84 = arith.constant 0 : i32
      %dma_wait3A_85 = tpu.memref_slice %arg3[%dma_wait3A_84] : memref<335872xi32, #tpu.memory_space<hbm>> -> memref<16xi32, #tpu.memory_space<hbm>>
      %dma_wait3A_86 = arith.constant 0 : i32
      %dma_wait3A_87 = tpu.memref_slice %arg3[%dma_wait3A_86] : memref<335872xi32, #tpu.memory_space<hbm>> -> memref<16xi32, #tpu.memory_space<hbm>>
      tpu.wait_dma2 semaphore(%arg27 : memref<!tpu.dma_semaphore, #tpu.memory_space<semaphore_mem>>) src(%dma_wait3A_87 : memref<16xi32, #tpu.memory_space<hbm>>) dst(%arg12 : memref<16xi32, #tpu.memory_space<vmem>>)
      %add3A_88 = arith.constant 1 : i32
      %add3A_89 = arith.addi %add3A_79, %add3A_88 : i32
      %min3A_90 = arith.constant 655 : i32
      %min3A_91 = arith.minsi %add3A_89, %min3A_90 : i32
      %add3A_92 = arith.addi %mul3A_4, %min3A_91 : i32
      %mul3A_93 = arith.constant 16 : i32
      %mul3A_94 = arith.muli %add3A_92, %mul3A_93 : i32
      %dma_start3A_95 = arith.constant 0 : i32
      %dma_start3A_96 = tpu.memref_slice %arg4[%mul3A_94, %dma_start3A_95] : memref<335872x16xf32, #tpu.memory_space<hbm>> -> memref<16x16xf32, #tpu.memory_space<hbm>>
      %dma_start3A_97 = arith.constant 0 : i32
      %dma_start3A_98 = tpu.memref_slice %arg4[%mul3A_94, %dma_start3A_97] : memref<335872x16xf32, #tpu.memory_space<hbm>> -> memref<16x16xf32, #tpu.memory_space<hbm>>
      tpu.enqueue_dma source(%dma_start3A_98 : memref<16x16xf32, #tpu.memory_space<hbm>>) target(%arg16 : memref<16x16xf32, #tpu.memory_space<vmem>>) target_semaphore(%arg25 : memref<!tpu.dma_semaphore, #tpu.memory_space<semaphore_mem>>)
      %dma_start3A_99 = arith.constant 0 : i32
      %dma_start3A_100 = arith.constant 0 : i32
      %dma_start3A_101 = tpu.memref_slice %arg5[%dma_start3A_99, %dma_start3A_100] : memref<10240x128xf32, #tpu.memory_space<hbm>> -> memref<10240x128xf32, #tpu.memory_space<hbm>>
      tpu.enqueue_indirect_dma source(%dma_start3A_101 : memref<10240x128xf32, #tpu.memory_space<hbm>>) target(%arg18 : memref<16x128xf32, #tpu.memory_space<vmem>>) offsets(%arg12 : memref<16xi32, #tpu.memory_space<vmem>>) semaphore(%arg25 : memref<!tpu.dma_semaphore, #tpu.memory_space<semaphore_mem>>)
      %dma_start3A_102 = arith.constant 0 : i32
      %dma_start3A_103 = arith.constant 0 : i32
      %dma_start3A_104 = tpu.memref_slice %arg6[%dma_start3A_102, %dma_start3A_103] : memref<10240x1024xbf16, #tpu.memory_space<hbm>> -> memref<10240x1024xbf16, #tpu.memory_space<hbm>>
      tpu.enqueue_indirect_dma source(%dma_start3A_104 : memref<10240x1024xbf16, #tpu.memory_space<hbm>>) target(%arg20 : memref<16x1024xbf16, #tpu.memory_space<vmem>>) offsets(%arg11 : memref<16xi32, #tpu.memory_space<vmem>>) semaphore(%arg25 : memref<!tpu.dma_semaphore, #tpu.memory_space<semaphore_mem>>)
      %dma_wait3A_105 = arith.constant 0 : i32
      %dma_wait3A_106 = arith.constant 0 : i32
      %dma_wait3A_107 = tpu.memref_slice %arg4[%dma_wait3A_105, %dma_wait3A_106] : memref<335872x16xf32, #tpu.memory_space<hbm>> -> memref<16x16xf32, #tpu.memory_space<hbm>>
      %dma_wait3A_108 = arith.constant 0 : i32
      %dma_wait3A_109 = arith.constant 0 : i32
      %dma_wait3A_110 = tpu.memref_slice %arg4[%dma_wait3A_108, %dma_wait3A_109] : memref<335872x16xf32, #tpu.memory_space<hbm>> -> memref<16x16xf32, #tpu.memory_space<hbm>>
      tpu.wait_dma2 semaphore(%arg24 : memref<!tpu.dma_semaphore, #tpu.memory_space<semaphore_mem>>) src(%dma_wait3A_110 : memref<16x16xf32, #tpu.memory_space<hbm>>) dst(%arg15 : memref<16x16xf32, #tpu.memory_space<vmem>>)
      %dma_wait3A_111 = arith.constant 0 : i32
      %dma_wait3A_112 = arith.constant 0 : i32
      %dma_wait3A_113 = tpu.memref_slice %arg5[%dma_wait3A_111, %dma_wait3A_112] : memref<10240x128xf32, #tpu.memory_space<hbm>> -> memref<10240x128xf32, #tpu.memory_space<hbm>>
      tpu.wait_indirect_dma semaphore(%arg24 : memref<!tpu.dma_semaphore, #tpu.memory_space<semaphore_mem>>) src(%dma_wait3A_113 : memref<10240x128xf32, #tpu.memory_space<hbm>>) dst(%arg17 : memref<16x128xf32, #tpu.memory_space<vmem>>)
      %dma_wait3A_114 = arith.constant 0 : i32
      %dma_wait3A_115 = arith.constant 0 : i32
      %dma_wait3A_116 = tpu.memref_slice %arg6[%dma_wait3A_114, %dma_wait3A_115] : memref<10240x1024xbf16, #tpu.memory_space<hbm>> -> memref<10240x1024xbf16, #tpu.memory_space<hbm>>
      tpu.wait_indirect_dma semaphore(%arg24 : memref<!tpu.dma_semaphore, #tpu.memory_space<semaphore_mem>>) src(%dma_wait3A_116 : memref<10240x1024xbf16, #tpu.memory_space<hbm>>) dst(%arg19 : memref<16x1024xbf16, #tpu.memory_space<vmem>>)
      %dma_wait3A_117 = arith.constant 0 : i32
      %dma_wait3A_118 = arith.constant 0 : i32
      %dma_wait3A_119 = tpu.memref_slice %arg23[%dma_wait3A_117, %dma_wait3A_118] : memref<10240x128xf32, #tpu.memory_space<vmem_shared>> -> memref<10240x128xf32, #tpu.memory_space<vmem_shared>>
      tpu.wait_indirect_dma semaphore(%arg29 : memref<!tpu.dma_semaphore, #tpu.memory_space<semaphore_mem>>) src(%arg22 : memref<16x128xf32, #tpu.memory_space<vmem>>) dst(%dma_wait3A_119 : memref<10240x128xf32, #tpu.memory_space<vmem_shared>>)
      %scan3A_120 = arith.constant 0 : i32
      %scan3A_121 = arith.constant 0 : i32
      %scan3A_122 = arith.constant 16 : i32
      %scan3A_123 = arith.addi %scan3A_121, %scan3A_122 : i32
      %scan3A_124 = arith.constant 1 : i32
      %scan3A_125 = scf.for %scan3A_214 = %scan3A_121 to %scan3A_123 step %scan3A_124 iter_args(%scan3A_215 = %scan3A_120) -> (i32)  : i32 {
        %get3A_216 = arith.index_cast %scan3A_214 : i32 to index
        %get3A_217 = arith.constant 0 : index
        %get3A_218 = tpu.vector_load %arg15[%get3A_216, %get3A_217] {strides = array<i32>} : memref<16x16xf32, #tpu.memory_space<vmem>>, vector<16xf32>,
        %get3A_219 = arith.index_cast %scan3A_214 : i32 to index
        %get3A_220 = arith.constant 0 : index
        %get3A_221 = tpu.vector_load %arg17[%get3A_219, %get3A_220] {strides = array<i32>} : memref<16x128xf32, #tpu.memory_space<vmem>>, vector<16xf32>,
        %mul3A_222 = arith.mulf %get3A_218, %get3A_221 : vector<16xf32>
        %slice3A = vector.extract_strided_slice %mul3A_222 {offsets = [0], sizes = [1], strides = [1]} : vector<16xf32> to vector<1xf32>
        %squeeze3A = vector.extract %slice3A[0] : f32 from vector<1xf32>
        %broadcast_in_dim3A_223 = vector.broadcast %squeeze3A : f32 to vector<16xf32>
        %get3A_224 = arith.index_cast %scan3A_214 : i32 to index
        %get3A_225 = arith.constant 0 : index
        %get3A_226 = tpu.vector_load %arg19[%get3A_224, %get3A_225] {strides = array<i32>} : memref<16x1024xbf16, #tpu.memory_space<vmem>>, vector<32xbf16>,
        %unpack3A = tpu.unpack_subelements %get3A_226, 0 {pack_format = #tpu.pack_format<interleaved>} : vector<32xbf16> -> vector<16xf32>
        %unpack3A_227 = tpu.unpack_subelements %get3A_226, 1 {pack_format = #tpu.pack_format<interleaved>} : vector<32xbf16> -> vector<16xf32>
        %mul3A_228 = arith.mulf %broadcast_in_dim3A_223, %unpack3A : vector<16xf32>
        %mul3A_229 = arith.mulf %broadcast_in_dim3A_223, %unpack3A_227 : vector<16xf32>
        %get3A_230 = arith.index_cast %scan3A_214 : i32 to index
        %get3A_231 = arith.constant 32 : index
        %get3A_232 = tpu.vector_load %arg19[%get3A_230, %get3A_231] {strides = array<i32>} : memref<16x1024xbf16, #tpu.memory_space<vmem>>, vector<32xbf16>,
        %unpack3A_233 = tpu.unpack_subelements %get3A_232, 0 {pack_format = #tpu.pack_format<interleaved>} : vector<32xbf16> -> vector<16xf32>
        %unpack3A_234 = tpu.unpack_subelements %get3A_232, 1 {pack_format = #tpu.pack_format<interleaved>} : vector<32xbf16> -> vector<16xf32>
        %mul3A_235 = arith.mulf %broadcast_in_dim3A_223, %unpack3A_233 : vector<16xf32>
        %mul3A_236 = arith.mulf %broadcast_in_dim3A_223, %unpack3A_234 : vector<16xf32>
        %get3A_237 = arith.index_cast %scan3A_214 : i32 to index
        %get3A_238 = arith.constant 64 : index
        %get3A_239 = tpu.vector_load %arg19[%get3A_237, %get3A_238] {strides = array<i32>} : memref<16x1024xbf16, #tpu.memory_space<vmem>>, vector<32xbf16>,
        %unpack3A_240 = tpu.unpack_subelements %get3A_239, 0 {pack_format = #tpu.pack_format<interleaved>} : vector<32xbf16> -> vector<16xf32>
        %unpack3A_241 = tpu.unpack_subelements %get3A_239, 1 {pack_format = #tpu.pack_format<interleaved>} : vector<32xbf16> -> vector<16xf32>
        %mul3A_242 = arith.mulf %broadcast_in_dim3A_223, %unpack3A_240 : vector<16xf32>
        %mul3A_243 = arith.mulf %broadcast_in_dim3A_223, %unpack3A_241 : vector<16xf32>
        %get3A_244 = arith.index_cast %scan3A_214 : i32 to index
        %get3A_245 = arith.constant 96 : index
        %get3A_246 = tpu.vector_load %arg19[%get3A_244, %get3A_245] {strides = array<i32>} : memref<16x1024xbf16, #tpu.memory_space<vmem>>, vector<32xbf16>,
        %unpack3A_247 = tpu.unpack_subelements %get3A_246, 0 {pack_format = #tpu.pack_format<interleaved>} : vector<32xbf16> -> vector<16xf32>
        %unpack3A_248 = tpu.unpack_subelements %get3A_246, 1 {pack_format = #tpu.pack_format<interleaved>} : vector<32xbf16> -> vector<16xf32>
        %mul3A_249 = arith.mulf %broadcast_in_dim3A_223, %unpack3A_247 : vector<16xf32>
        %mul3A_250 = arith.mulf %broadcast_in_dim3A_223, %unpack3A_248 : vector<16xf32>
        %slice3A_251 = vector.extract_strided_slice %mul3A_222 {offsets = [1], sizes = [1], strides = [1]} : vector<16xf32> to vector<1xf32>
        %squeeze3A_252 = vector.extract %slice3A_251[0] : f32 from vector<1xf32>
        %broadcast_in_dim3A_253 = vector.broadcast %squeeze3A_252 : f32 to vector<16xf32>
        %get3A_254 = arith.index_cast %scan3A_214 : i32 to index
        %get3A_255 = arith.constant 128 : index
        %get3A_256 = tpu.vector_load %arg19[%get3A_254, %get3A_255] {strides = array<i32>} : memref<16x1024xbf16, #tpu.memory_space<vmem>>, vector<32xbf16>,
        %unpack3A_257 = tpu.unpack_subelements %get3A_256, 0 {pack_format = #tpu.pack_format<interleaved>} : vector<32xbf16> -> vector<16xf32>
        %unpack3A_258 = tpu.unpack_subelements %get3A_256, 1 {pack_format = #tpu.pack_format<interleaved>} : vector<32xbf16> -> vector<16xf32>
        %mul3A_259 = arith.mulf %broadcast_in_dim3A_253, %unpack3A_257 : vector<16xf32>
        %add3A_260 = arith.addf %mul3A_228, %mul3A_259 : vector<16xf32>
        %mul3A_261 = arith.mulf %broadcast_in_dim3A_253, %unpack3A_258 : vector<16xf32>
        %add3A_262 = arith.addf %mul3A_229, %mul3A_261 : vector<16xf32>
        %get3A_263 = arith.index_cast %scan3A_214 : i32 to index
        %get3A_264 = arith.constant 160 : index
        %get3A_265 = tpu.vector_load %arg19[%get3A_263, %get3A_264] {strides = array<i32>} : memref<16x1024xbf16, #tpu.memory_space<vmem>>, vector<32xbf16>,
        %unpack3A_266 = tpu.unpack_subelements %get3A_265, 0 {pack_format = #tpu.pack_format<interleaved>} : vector<32xbf16> -> vector<16xf32>
        %unpack3A_267 = tpu.unpack_subelements %get3A_265, 1 {pack_format = #tpu.pack_format<interleaved>} : vector<32xbf16> -> vector<16xf32>
        %mul3A_268 = arith.mulf %broadcast_in_dim3A_253, %unpack3A_266 : vector<16xf32>
        %add3A_269 = arith.addf %mul3A_235, %mul3A_268 : vector<16xf32>
        %mul3A_270 = arith.mulf %broadcast_in_dim3A_253, %unpack3A_267 : vector<16xf32>
        %add3A_271 = arith.addf %mul3A_236, %mul3A_270 : vector<16xf32>
        %get3A_272 = arith.index_cast %scan3A_214 : i32 to index
        %get3A_273 = arith.constant 192 : index
        %get3A_274 = tpu.vector_load %arg19[%get3A_272, %get3A_273] {strides = array<i32>} : memref<16x1024xbf16, #tpu.memory_space<vmem>>, vector<32xbf16>,
        %unpack3A_275 = tpu.unpack_subelements %get3A_274, 0 {pack_format = #tpu.pack_format<interleaved>} : vector<32xbf16> -> vector<16xf32>
        %unpack3A_276 = tpu.unpack_subelements %get3A_274, 1 {pack_format = #tpu.pack_format<interleaved>} : vector<32xbf16> -> vector<16xf32>
        %mul3A_277 = arith.mulf %broadcast_in_dim3A_253, %unpack3A_275 : vector<16xf32>
        %add3A_278 = arith.addf %mul3A_242, %mul3A_277 : vector<16xf32>
        %mul3A_279 = arith.mulf %broadcast_in_dim3A_253, %unpack3A_276 : vector<16xf32>
        %add3A_280 = arith.addf %mul3A_243, %mul3A_279 : vector<16xf32>
        %get3A_281 = arith.index_cast %scan3A_214 : i32 to index
        %get3A_282 = arith.constant 224 : index
        %get3A_283 = tpu.vector_load %arg19[%get3A_281, %get3A_282] {strides = array<i32>} : memref<16x1024xbf16, #tpu.memory_space<vmem>>, vector<32xbf16>,
        %unpack3A_284 = tpu.unpack_subelements %get3A_283, 0 {pack_format = #tpu.pack_format<interleaved>} : vector<32xbf16> -> vector<16xf32>
        %unpack3A_285 = tpu.unpack_subelements %get3A_283, 1 {pack_format = #tpu.pack_format<interleaved>} : vector<32xbf16> -> vector<16xf32>
        %mul3A_286 = arith.mulf %broadcast_in_dim3A_253, %unpack3A_284 : vector<16xf32>
        %add3A_287 = arith.addf %mul3A_249, %mul3A_286 : vector<16xf32>
        %mul3A_288 = arith.mulf %broadcast_in_dim3A_253, %unpack3A_285 : vector<16xf32>
        %add3A_289 = arith.addf %mul3A_250, %mul3A_288 : vector<16xf32>
        %slice3A_290 = vector.extract_strided_slice %mul3A_222 {offsets = [2], sizes = [1], strides = [1]} : vector<16xf32> to vector<1xf32>
        %squeeze3A_291 = vector.extract %slice3A_290[0] : f32 from vector<1xf32>
        %broadcast_in_dim3A_292 = vector.broadcast %squeeze3A_291 : f32 to vector<16xf32>
        %get3A_293 = arith.index_cast %scan3A_214 : i32 to index
        %get3A_294 = arith.constant 256 : index
        %get3A_295 = tpu.vector_load %arg19[%get3A_293, %get3A_294] {strides = array<i32>} : memref<16x1024xbf16, #tpu.memory_space<vmem>>, vector<32xbf16>,
        %unpack3A_296 = tpu.unpack_subelements %get3A_295, 0 {pack_format = #tpu.pack_format<interleaved>} : vector<32xbf16> -> vector<16xf32>
        %unpack3A_297 = tpu.unpack_subelements %get3A_295, 1 {pack_format = #tpu.pack_format<interleaved>} : vector<32xbf16> -> vector<16xf32>
        %mul3A_298 = arith.mulf %broadcast_in_dim3A_292, %unpack3A_296 : vector<16xf32>
        %add3A_299 = arith.addf %add3A_260, %mul3A_298 : vector<16xf32>
        %mul3A_300 = arith.mulf %broadcast_in_dim3A_292, %unpack3A_297 : vector<16xf32>
        %add3A_301 = arith.addf %add3A_262, %mul3A_300 : vector<16xf32>
        %get3A_302 = arith.index_cast %scan3A_214 : i32 to index
        %get3A_303 = arith.constant 288 : index
        %get3A_304 = tpu.vector_load %arg19[%get3A_302, %get3A_303] {strides = array<i32>} : memref<16x1024xbf16, #tpu.memory_space<vmem>>, vector<32xbf16>,
        %unpack3A_305 = tpu.unpack_subelements %get3A_304, 0 {pack_format = #tpu.pack_format<interleaved>} : vector<32xbf16> -> vector<16xf32>
        %unpack3A_306 = tpu.unpack_subelements %get3A_304, 1 {pack_format = #tpu.pack_format<interleaved>} : vector<32xbf16> -> vector<16xf32>
        %mul3A_307 = arith.mulf %broadcast_in_dim3A_292, %unpack3A_305 : vector<16xf32>
        %add3A_308 = arith.addf %add3A_269, %mul3A_307 : vector<16xf32>
        %mul3A_309 = arith.mulf %broadcast_in_dim3A_292, %unpack3A_306 : vector<16xf32>
        %add3A_310 = arith.addf %add3A_271, %mul3A_309 : vector<16xf32>
        %get3A_311 = arith.index_cast %scan3A_214 : i32 to index
        %get3A_312 = arith.constant 320 : index
        %get3A_313 = tpu.vector_load %arg19[%get3A_311, %get3A_312] {strides = array<i32>} : memref<16x1024xbf16, #tpu.memory_space<vmem>>, vector<32xbf16>,
        %unpack3A_314 = tpu.unpack_subelements %get3A_313, 0 {pack_format = #tpu.pack_format<interleaved>} : vector<32xbf16> -> vector<16xf32>
        %unpack3A_315 = tpu.unpack_subelements %get3A_313, 1 {pack_format = #tpu.pack_format<interleaved>} : vector<32xbf16> -> vector<16xf32>
        %mul3A_316 = arith.mulf %broadcast_in_dim3A_292, %unpack3A_314 : vector<16xf32>
        %add3A_317 = arith.addf %add3A_278, %mul3A_316 : vector<16xf32>
        %mul3A_318 = arith.mulf %broadcast_in_dim3A_292, %unpack3A_315 : vector<16xf32>
        %add3A_319 = arith.addf %add3A_280, %mul3A_318 : vector<16xf32>
        %get3A_320 = arith.index_cast %scan3A_214 : i32 to index
        %get3A_321 = arith.constant 352 : index
        %get3A_322 = tpu.vector_load %arg19[%get3A_320, %get3A_321] {strides = array<i32>} : memref<16x1024xbf16, #tpu.memory_space<vmem>>, vector<32xbf16>,
        %unpack3A_323 = tpu.unpack_subelements %get3A_322, 0 {pack_format = #tpu.pack_format<interleaved>} : vector<32xbf16> -> vector<16xf32>
        %unpack3A_324 = tpu.unpack_subelements %get3A_322, 1 {pack_format = #tpu.pack_format<interleaved>} : vector<32xbf16> -> vector<16xf32>
        %mul3A_325 = arith.mulf %broadcast_in_dim3A_292, %unpack3A_323 : vector<16xf32>
        %add3A_326 = arith.addf %add3A_287, %mul3A_325 : vector<16xf32>
        %mul3A_327 = arith.mulf %broadcast_in_dim3A_292, %unpack3A_324 : vector<16xf32>
        %add3A_328 = arith.addf %add3A_289, %mul3A_327 : vector<16xf32>
        %slice3A_329 = vector.extract_strided_slice %mul3A_222 {offsets = [3], sizes = [1], strides = [1]} : vector<16xf32> to vector<1xf32>
        %squeeze3A_330 = vector.extract %slice3A_329[0] : f32 from vector<1xf32>
        %broadcast_in_dim3A_331 = vector.broadcast %squeeze3A_330 : f32 to vector<16xf32>
        %get3A_332 = arith.index_cast %scan3A_214 : i32 to index
        %get3A_333 = arith.constant 384 : index
        %get3A_334 = tpu.vector_load %arg19[%get3A_332, %get3A_333] {strides = array<i32>} : memref<16x1024xbf16, #tpu.memory_space<vmem>>, vector<32xbf16>,
        %unpack3A_335 = tpu.unpack_subelements %get3A_334, 0 {pack_format = #tpu.pack_format<interleaved>} : vector<32xbf16> -> vector<16xf32>
        %unpack3A_336 = tpu.unpack_subelements %get3A_334, 1 {pack_format = #tpu.pack_format<interleaved>} : vector<32xbf16> -> vector<16xf32>
        %mul3A_337 = arith.mulf %broadcast_in_dim3A_331, %unpack3A_335 : vector<16xf32>
        %add3A_338 = arith.addf %add3A_299, %mul3A_337 : vector<16xf32>
        %mul3A_339 = arith.mulf %broadcast_in_dim3A_331, %unpack3A_336 : vector<16xf32>
        %add3A_340 = arith.addf %add3A_301, %mul3A_339 : vector<16xf32>
        %get3A_341 = arith.index_cast %scan3A_214 : i32 to index
        %get3A_342 = arith.constant 416 : index
        %get3A_343 = tpu.vector_load %arg19[%get3A_341, %get3A_342] {strides = array<i32>} : memref<16x1024xbf16, #tpu.memory_space<vmem>>, vector<32xbf16>,
        %unpack3A_344 = tpu.unpack_subelements %get3A_343, 0 {pack_format = #tpu.pack_format<interleaved>} : vector<32xbf16> -> vector<16xf32>
        %unpack3A_345 = tpu.unpack_subelements %get3A_343, 1 {pack_format = #tpu.pack_format<interleaved>} : vector<32xbf16> -> vector<16xf32>
        %mul3A_346 = arith.mulf %broadcast_in_dim3A_331, %unpack3A_344 : vector<16xf32>
        %add3A_347 = arith.addf %add3A_308, %mul3A_346 : vector<16xf32>
        %mul3A_348 = arith.mulf %broadcast_in_dim3A_331, %unpack3A_345 : vector<16xf32>
        %add3A_349 = arith.addf %add3A_310, %mul3A_348 : vector<16xf32>
        %get3A_350 = arith.index_cast %scan3A_214 : i32 to index
        %get3A_351 = arith.constant 448 : index
        %get3A_352 = tpu.vector_load %arg19[%get3A_350, %get3A_351] {strides = array<i32>} : memref<16x1024xbf16, #tpu.memory_space<vmem>>, vector<32xbf16>,
        %unpack3A_353 = tpu.unpack_subelements %get3A_352, 0 {pack_format = #tpu.pack_format<interleaved>} : vector<32xbf16> -> vector<16xf32>
        %unpack3A_354 = tpu.unpack_subelements %get3A_352, 1 {pack_format = #tpu.pack_format<interleaved>} : vector<32xbf16> -> vector<16xf32>
        %mul3A_355 = arith.mulf %broadcast_in_dim3A_331, %unpack3A_353 : vector<16xf32>
        %add3A_356 = arith.addf %add3A_317, %mul3A_355 : vector<16xf32>
        %mul3A_357 = arith.mulf %broadcast_in_dim3A_331, %unpack3A_354 : vector<16xf32>
        %add3A_358 = arith.addf %add3A_319, %mul3A_357 : vector<16xf32>
        %get3A_359 = arith.index_cast %scan3A_214 : i32 to index
        %get3A_360 = arith.constant 480 : index
        %get3A_361 = tpu.vector_load %arg19[%get3A_359, %get3A_360] {strides = array<i32>} : memref<16x1024xbf16, #tpu.memory_space<vmem>>, vector<32xbf16>,
        %unpack3A_362 = tpu.unpack_subelements %get3A_361, 0 {pack_format = #tpu.pack_format<interleaved>} : vector<32xbf16> -> vector<16xf32>
        %unpack3A_363 = tpu.unpack_subelements %get3A_361, 1 {pack_format = #tpu.pack_format<interleaved>} : vector<32xbf16> -> vector<16xf32>
        %mul3A_364 = arith.mulf %broadcast_in_dim3A_331, %unpack3A_362 : vector<16xf32>
        %add3A_365 = arith.addf %add3A_326, %mul3A_364 : vector<16xf32>
        %mul3A_366 = arith.mulf %broadcast_in_dim3A_331, %unpack3A_363 : vector<16xf32>
        %add3A_367 = arith.addf %add3A_328, %mul3A_366 : vector<16xf32>
        %slice3A_368 = vector.extract_strided_slice %mul3A_222 {offsets = [4], sizes = [1], strides = [1]} : vector<16xf32> to vector<1xf32>
        %squeeze3A_369 = vector.extract %slice3A_368[0] : f32 from vector<1xf32>
        %broadcast_in_dim3A_370 = vector.broadcast %squeeze3A_369 : f32 to vector<16xf32>
        %get3A_371 = arith.index_cast %scan3A_214 : i32 to index
        %get3A_372 = arith.constant 512 : index
        %get3A_373 = tpu.vector_load %arg19[%get3A_371, %get3A_372] {strides = array<i32>} : memref<16x1024xbf16, #tpu.memory_space<vmem>>, vector<32xbf16>,
        %unpack3A_374 = tpu.unpack_subelements %get3A_373, 0 {pack_format = #tpu.pack_format<interleaved>} : vector<32xbf16> -> vector<16xf32>
        %unpack3A_375 = tpu.unpack_subelements %get3A_373, 1 {pack_format = #tpu.pack_format<interleaved>} : vector<32xbf16> -> vector<16xf32>
        %mul3A_376 = arith.mulf %broadcast_in_dim3A_370, %unpack3A_374 : vector<16xf32>
        %add3A_377 = arith.addf %add3A_338, %mul3A_376 : vector<16xf32>
        %mul3A_378 = arith.mulf %broadcast_in_dim3A_370, %unpack3A_375 : vector<16xf32>
        %add3A_379 = arith.addf %add3A_340, %mul3A_378 : vector<16xf32>
        %get3A_380 = arith.index_cast %scan3A_214 : i32 to index
        %get3A_381 = arith.constant 544 : index
        %get3A_382 = tpu.vector_load %arg19[%get3A_380, %get3A_381] {strides = array<i32>} : memref<16x1024xbf16, #tpu.memory_space<vmem>>, vector<32xbf16>,
        %unpack3A_383 = tpu.unpack_subelements %get3A_382, 0 {pack_format = #tpu.pack_format<interleaved>} : vector<32xbf16> -> vector<16xf32>
        %unpack3A_384 = tpu.unpack_subelements %get3A_382, 1 {pack_format = #tpu.pack_format<interleaved>} : vector<32xbf16> -> vector<16xf32>
        %mul3A_385 = arith.mulf %broadcast_in_dim3A_370, %unpack3A_383 : vector<16xf32>
        %add3A_386 = arith.addf %add3A_347, %mul3A_385 : vector<16xf32>
        %mul3A_387 = arith.mulf %broadcast_in_dim3A_370, %unpack3A_384 : vector<16xf32>
        %add3A_388 = arith.addf %add3A_349, %mul3A_387 : vector<16xf32>
        %get3A_389 = arith.index_cast %scan3A_214 : i32 to index
        %get3A_390 = arith.constant 576 : index
        %get3A_391 = tpu.vector_load %arg19[%get3A_389, %get3A_390] {strides = array<i32>} : memref<16x1024xbf16, #tpu.memory_space<vmem>>, vector<32xbf16>,
        %unpack3A_392 = tpu.unpack_subelements %get3A_391, 0 {pack_format = #tpu.pack_format<interleaved>} : vector<32xbf16> -> vector<16xf32>
        %unpack3A_393 = tpu.unpack_subelements %get3A_391, 1 {pack_format = #tpu.pack_format<interleaved>} : vector<32xbf16> -> vector<16xf32>
        %mul3A_394 = arith.mulf %broadcast_in_dim3A_370, %unpack3A_392 : vector<16xf32>
        %add3A_395 = arith.addf %add3A_356, %mul3A_394 : vector<16xf32>
        %mul3A_396 = arith.mulf %broadcast_in_dim3A_370, %unpack3A_393 : vector<16xf32>
        %add3A_397 = arith.addf %add3A_358, %mul3A_396 : vector<16xf32>
        %get3A_398 = arith.index_cast %scan3A_214 : i32 to index
        %get3A_399 = arith.constant 608 : index
        %get3A_400 = tpu.vector_load %arg19[%get3A_398, %get3A_399] {strides = array<i32>} : memref<16x1024xbf16, #tpu.memory_space<vmem>>, vector<32xbf16>,
        %unpack3A_401 = tpu.unpack_subelements %get3A_400, 0 {pack_format = #tpu.pack_format<interleaved>} : vector<32xbf16> -> vector<16xf32>
        %unpack3A_402 = tpu.unpack_subelements %get3A_400, 1 {pack_format = #tpu.pack_format<interleaved>} : vector<32xbf16> -> vector<16xf32>
        %mul3A_403 = arith.mulf %broadcast_in_dim3A_370, %unpack3A_401 : vector<16xf32>
        %add3A_404 = arith.addf %add3A_365, %mul3A_403 : vector<16xf32>
        %mul3A_405 = arith.mulf %broadcast_in_dim3A_370, %unpack3A_402 : vector<16xf32>
        %add3A_406 = arith.addf %add3A_367, %mul3A_405 : vector<16xf32>
        %slice3A_407 = vector.extract_strided_slice %mul3A_222 {offsets = [5], sizes = [1], strides = [1]} : vector<16xf32> to vector<1xf32>
        %squeeze3A_408 = vector.extract %slice3A_407[0] : f32 from vector<1xf32>
        %broadcast_in_dim3A_409 = vector.broadcast %squeeze3A_408 : f32 to vector<16xf32>
        %get3A_410 = arith.index_cast %scan3A_214 : i32 to index
        %get3A_411 = arith.constant 640 : index
        %get3A_412 = tpu.vector_load %arg19[%get3A_410, %get3A_411] {strides = array<i32>} : memref<16x1024xbf16, #tpu.memory_space<vmem>>, vector<32xbf16>,
        %unpack3A_413 = tpu.unpack_subelements %get3A_412, 0 {pack_format = #tpu.pack_format<interleaved>} : vector<32xbf16> -> vector<16xf32>
        %unpack3A_414 = tpu.unpack_subelements %get3A_412, 1 {pack_format = #tpu.pack_format<interleaved>} : vector<32xbf16> -> vector<16xf32>
        %mul3A_415 = arith.mulf %broadcast_in_dim3A_409, %unpack3A_413 : vector<16xf32>
        %add3A_416 = arith.addf %add3A_377, %mul3A_415 : vector<16xf32>
        %mul3A_417 = arith.mulf %broadcast_in_dim3A_409, %unpack3A_414 : vector<16xf32>
        %add3A_418 = arith.addf %add3A_379, %mul3A_417 : vector<16xf32>
        %get3A_419 = arith.index_cast %scan3A_214 : i32 to index
        %get3A_420 = arith.constant 672 : index
        %get3A_421 = tpu.vector_load %arg19[%get3A_419, %get3A_420] {strides = array<i32>} : memref<16x1024xbf16, #tpu.memory_space<vmem>>, vector<32xbf16>,
        %unpack3A_422 = tpu.unpack_subelements %get3A_421, 0 {pack_format = #tpu.pack_format<interleaved>} : vector<32xbf16> -> vector<16xf32>
        %unpack3A_423 = tpu.unpack_subelements %get3A_421, 1 {pack_format = #tpu.pack_format<interleaved>} : vector<32xbf16> -> vector<16xf32>
        %mul3A_424 = arith.mulf %broadcast_in_dim3A_409, %unpack3A_422 : vector<16xf32>
        %add3A_425 = arith.addf %add3A_386, %mul3A_424 : vector<16xf32>
        %mul3A_426 = arith.mulf %broadcast_in_dim3A_409, %unpack3A_423 : vector<16xf32>
        %add3A_427 = arith.addf %add3A_388, %mul3A_426 : vector<16xf32>
        %get3A_428 = arith.index_cast %scan3A_214 : i32 to index
        %get3A_429 = arith.constant 704 : index
        %get3A_430 = tpu.vector_load %arg19[%get3A_428, %get3A_429] {strides = array<i32>} : memref<16x1024xbf16, #tpu.memory_space<vmem>>, vector<32xbf16>,
        %unpack3A_431 = tpu.unpack_subelements %get3A_430, 0 {pack_format = #tpu.pack_format<interleaved>} : vector<32xbf16> -> vector<16xf32>
        %unpack3A_432 = tpu.unpack_subelements %get3A_430, 1 {pack_format = #tpu.pack_format<interleaved>} : vector<32xbf16> -> vector<16xf32>
        %mul3A_433 = arith.mulf %broadcast_in_dim3A_409, %unpack3A_431 : vector<16xf32>
        %add3A_434 = arith.addf %add3A_395, %mul3A_433 : vector<16xf32>
        %mul3A_435 = arith.mulf %broadcast_in_dim3A_409, %unpack3A_432 : vector<16xf32>
        %add3A_436 = arith.addf %add3A_397, %mul3A_435 : vector<16xf32>
        %get3A_437 = arith.index_cast %scan3A_214 : i32 to index
        %get3A_438 = arith.constant 736 : index
        %get3A_439 = tpu.vector_load %arg19[%get3A_437, %get3A_438] {strides = array<i32>} : memref<16x1024xbf16, #tpu.memory_space<vmem>>, vector<32xbf16>,
        %unpack3A_440 = tpu.unpack_subelements %get3A_439, 0 {pack_format = #tpu.pack_format<interleaved>} : vector<32xbf16> -> vector<16xf32>
        %unpack3A_441 = tpu.unpack_subelements %get3A_439, 1 {pack_format = #tpu.pack_format<interleaved>} : vector<32xbf16> -> vector<16xf32>
        %mul3A_442 = arith.mulf %broadcast_in_dim3A_409, %unpack3A_440 : vector<16xf32>
        %add3A_443 = arith.addf %add3A_404, %mul3A_442 : vector<16xf32>
        %mul3A_444 = arith.mulf %broadcast_in_dim3A_409, %unpack3A_441 : vector<16xf32>
        %add3A_445 = arith.addf %add3A_406, %mul3A_444 : vector<16xf32>
        %slice3A_446 = vector.extract_strided_slice %mul3A_222 {offsets = [6], sizes = [1], strides = [1]} : vector<16xf32> to vector<1xf32>
        %squeeze3A_447 = vector.extract %slice3A_446[0] : f32 from vector<1xf32>
        %broadcast_in_dim3A_448 = vector.broadcast %squeeze3A_447 : f32 to vector<16xf32>
        %get3A_449 = arith.index_cast %scan3A_214 : i32 to index
        %get3A_450 = arith.constant 768 : index
        %get3A_451 = tpu.vector_load %arg19[%get3A_449, %get3A_450] {strides = array<i32>} : memref<16x1024xbf16, #tpu.memory_space<vmem>>, vector<32xbf16>,
        %unpack3A_452 = tpu.unpack_subelements %get3A_451, 0 {pack_format = #tpu.pack_format<interleaved>} : vector<32xbf16> -> vector<16xf32>
        %unpack3A_453 = tpu.unpack_subelements %get3A_451, 1 {pack_format = #tpu.pack_format<interleaved>} : vector<32xbf16> -> vector<16xf32>
        %mul3A_454 = arith.mulf %broadcast_in_dim3A_448, %unpack3A_452 : vector<16xf32>
        %add3A_455 = arith.addf %add3A_416, %mul3A_454 : vector<16xf32>
        %mul3A_456 = arith.mulf %broadcast_in_dim3A_448, %unpack3A_453 : vector<16xf32>
        %add3A_457 = arith.addf %add3A_418, %mul3A_456 : vector<16xf32>
        %get3A_458 = arith.index_cast %scan3A_214 : i32 to index
        %get3A_459 = arith.constant 800 : index
        %get3A_460 = tpu.vector_load %arg19[%get3A_458, %get3A_459] {strides = array<i32>} : memref<16x1024xbf16, #tpu.memory_space<vmem>>, vector<32xbf16>,
        %unpack3A_461 = tpu.unpack_subelements %get3A_460, 0 {pack_format = #tpu.pack_format<interleaved>} : vector<32xbf16> -> vector<16xf32>
        %unpack3A_462 = tpu.unpack_subelements %get3A_460, 1 {pack_format = #tpu.pack_format<interleaved>} : vector<32xbf16> -> vector<16xf32>
        %mul3A_463 = arith.mulf %broadcast_in_dim3A_448, %unpack3A_461 : vector<16xf32>
        %add3A_464 = arith.addf %add3A_425, %mul3A_463 : vector<16xf32>
        %mul3A_465 = arith.mulf %broadcast_in_dim3A_448, %unpack3A_462 : vector<16xf32>
        %add3A_466 = arith.addf %add3A_427, %mul3A_465 : vector<16xf32>
        %get3A_467 = arith.index_cast %scan3A_214 : i32 to index
        %get3A_468 = arith.constant 832 : index
        %get3A_469 = tpu.vector_load %arg19[%get3A_467, %get3A_468] {strides = array<i32>} : memref<16x1024xbf16, #tpu.memory_space<vmem>>, vector<32xbf16>,
        %unpack3A_470 = tpu.unpack_subelements %get3A_469, 0 {pack_format = #tpu.pack_format<interleaved>} : vector<32xbf16> -> vector<16xf32>
        %unpack3A_471 = tpu.unpack_subelements %get3A_469, 1 {pack_format = #tpu.pack_format<interleaved>} : vector<32xbf16> -> vector<16xf32>
        %mul3A_472 = arith.mulf %broadcast_in_dim3A_448, %unpack3A_470 : vector<16xf32>
        %add3A_473 = arith.addf %add3A_434, %mul3A_472 : vector<16xf32>
        %mul3A_474 = arith.mulf %broadcast_in_dim3A_448, %unpack3A_471 : vector<16xf32>
        %add3A_475 = arith.addf %add3A_436, %mul3A_474 : vector<16xf32>
        %get3A_476 = arith.index_cast %scan3A_214 : i32 to index
        %get3A_477 = arith.constant 864 : index
        %get3A_478 = tpu.vector_load %arg19[%get3A_476, %get3A_477] {strides = array<i32>} : memref<16x1024xbf16, #tpu.memory_space<vmem>>, vector<32xbf16>,
        %unpack3A_479 = tpu.unpack_subelements %get3A_478, 0 {pack_format = #tpu.pack_format<interleaved>} : vector<32xbf16> -> vector<16xf32>
        %unpack3A_480 = tpu.unpack_subelements %get3A_478, 1 {pack_format = #tpu.pack_format<interleaved>} : vector<32xbf16> -> vector<16xf32>
        %mul3A_481 = arith.mulf %broadcast_in_dim3A_448, %unpack3A_479 : vector<16xf32>
        %add3A_482 = arith.addf %add3A_443, %mul3A_481 : vector<16xf32>
        %mul3A_483 = arith.mulf %broadcast_in_dim3A_448, %unpack3A_480 : vector<16xf32>
        %add3A_484 = arith.addf %add3A_445, %mul3A_483 : vector<16xf32>
        %slice3A_485 = vector.extract_strided_slice %mul3A_222 {offsets = [7], sizes = [1], strides = [1]} : vector<16xf32> to vector<1xf32>
        %squeeze3A_486 = vector.extract %slice3A_485[0] : f32 from vector<1xf32>
        %broadcast_in_dim3A_487 = vector.broadcast %squeeze3A_486 : f32 to vector<16xf32>
        %get3A_488 = arith.index_cast %scan3A_214 : i32 to index
        %get3A_489 = arith.constant 896 : index
        %get3A_490 = tpu.vector_load %arg19[%get3A_488, %get3A_489] {strides = array<i32>} : memref<16x1024xbf16, #tpu.memory_space<vmem>>, vector<32xbf16>,
        %unpack3A_491 = tpu.unpack_subelements %get3A_490, 0 {pack_format = #tpu.pack_format<interleaved>} : vector<32xbf16> -> vector<16xf32>
        %unpack3A_492 = tpu.unpack_subelements %get3A_490, 1 {pack_format = #tpu.pack_format<interleaved>} : vector<32xbf16> -> vector<16xf32>
        %mul3A_493 = arith.mulf %broadcast_in_dim3A_487, %unpack3A_491 : vector<16xf32>
        %add3A_494 = arith.addf %add3A_455, %mul3A_493 : vector<16xf32>
        %mul3A_495 = arith.mulf %broadcast_in_dim3A_487, %unpack3A_492 : vector<16xf32>
        %add3A_496 = arith.addf %add3A_457, %mul3A_495 : vector<16xf32>
        %get3A_497 = arith.index_cast %scan3A_214 : i32 to index
        %get3A_498 = arith.constant 928 : index
        %get3A_499 = tpu.vector_load %arg19[%get3A_497, %get3A_498] {strides = array<i32>} : memref<16x1024xbf16, #tpu.memory_space<vmem>>, vector<32xbf16>,
        %unpack3A_500 = tpu.unpack_subelements %get3A_499, 0 {pack_format = #tpu.pack_format<interleaved>} : vector<32xbf16> -> vector<16xf32>
        %unpack3A_501 = tpu.unpack_subelements %get3A_499, 1 {pack_format = #tpu.pack_format<interleaved>} : vector<32xbf16> -> vector<16xf32>
        %mul3A_502 = arith.mulf %broadcast_in_dim3A_487, %unpack3A_500 : vector<16xf32>
        %add3A_503 = arith.addf %add3A_464, %mul3A_502 : vector<16xf32>
        %mul3A_504 = arith.mulf %broadcast_in_dim3A_487, %unpack3A_501 : vector<16xf32>
        %add3A_505 = arith.addf %add3A_466, %mul3A_504 : vector<16xf32>
        %get3A_506 = arith.index_cast %scan3A_214 : i32 to index
        %get3A_507 = arith.constant 960 : index
        %get3A_508 = tpu.vector_load %arg19[%get3A_506, %get3A_507] {strides = array<i32>} : memref<16x1024xbf16, #tpu.memory_space<vmem>>, vector<32xbf16>,
        %unpack3A_509 = tpu.unpack_subelements %get3A_508, 0 {pack_format = #tpu.pack_format<interleaved>} : vector<32xbf16> -> vector<16xf32>
        %unpack3A_510 = tpu.unpack_subelements %get3A_508, 1 {pack_format = #tpu.pack_format<interleaved>} : vector<32xbf16> -> vector<16xf32>
        %mul3A_511 = arith.mulf %broadcast_in_dim3A_487, %unpack3A_509 : vector<16xf32>
        %add3A_512 = arith.addf %add3A_473, %mul3A_511 : vector<16xf32>
        %mul3A_513 = arith.mulf %broadcast_in_dim3A_487, %unpack3A_510 : vector<16xf32>
        %add3A_514 = arith.addf %add3A_475, %mul3A_513 : vector<16xf32>
        %get3A_515 = arith.index_cast %scan3A_214 : i32 to index
        %get3A_516 = arith.constant 992 : index
        %get3A_517 = tpu.vector_load %arg19[%get3A_515, %get3A_516] {strides = array<i32>} : memref<16x1024xbf16, #tpu.memory_space<vmem>>, vector<32xbf16>,
        %unpack3A_518 = tpu.unpack_subelements %get3A_517, 0 {pack_format = #tpu.pack_format<interleaved>} : vector<32xbf16> -> vector<16xf32>
        %unpack3A_519 = tpu.unpack_subelements %get3A_517, 1 {pack_format = #tpu.pack_format<interleaved>} : vector<32xbf16> -> vector<16xf32>
        %mul3A_520 = arith.mulf %broadcast_in_dim3A_487, %unpack3A_518 : vector<16xf32>
        %add3A_521 = arith.addf %add3A_482, %mul3A_520 : vector<16xf32>
        %mul3A_522 = arith.mulf %broadcast_in_dim3A_487, %unpack3A_519 : vector<16xf32>
        %add3A_523 = arith.addf %add3A_484, %mul3A_522 : vector<16xf32>
        %swap3A_524 = arith.index_cast %scan3A_214 : i32 to index
        %swap3A_525 = arith.constant 0 : index
        %swap3A_526 = tpu.vector_load %arg21[%swap3A_524, %swap3A_525] {strides = array<i32>} : memref<16x128xf32, #tpu.memory_space<vmem>>, vector<16xf32>,
        tpu.vector_store %arg21[%swap3A_524, %swap3A_525], %add3A_494 {strides = array<i32>} : memref<16x128xf32, #tpu.memory_space<vmem>>, vector<16xf32>,
        %swap3A_527 = arith.index_cast %scan3A_214 : i32 to index
        %swap3A_528 = arith.constant 16 : index
        %swap3A_529 = tpu.vector_load %arg21[%swap3A_527, %swap3A_528] {strides = array<i32>} : memref<16x128xf32, #tpu.memory_space<vmem>>, vector<16xf32>,
        tpu.vector_store %arg21[%swap3A_527, %swap3A_528], %add3A_496 {strides = array<i32>} : memref<16x128xf32, #tpu.memory_space<vmem>>, vector<16xf32>,
        %swap3A_530 = arith.index_cast %scan3A_214 : i32 to index
        %swap3A_531 = arith.constant 32 : index
        %swap3A_532 = tpu.vector_load %arg21[%swap3A_530, %swap3A_531] {strides = array<i32>} : memref<16x128xf32, #tpu.memory_space<vmem>>, vector<16xf32>,
        tpu.vector_store %arg21[%swap3A_530, %swap3A_531], %add3A_503 {strides = array<i32>} : memref<16x128xf32, #tpu.memory_space<vmem>>, vector<16xf32>,
        %swap3A_533 = arith.index_cast %scan3A_214 : i32 to index
        %swap3A_534 = arith.constant 48 : index
        %swap3A_535 = tpu.vector_load %arg21[%swap3A_533, %swap3A_534] {strides = array<i32>} : memref<16x128xf32, #tpu.memory_space<vmem>>, vector<16xf32>,
        tpu.vector_store %arg21[%swap3A_533, %swap3A_534], %add3A_505 {strides = array<i32>} : memref<16x128xf32, #tpu.memory_space<vmem>>, vector<16xf32>,
        %swap3A_536 = arith.index_cast %scan3A_214 : i32 to index
        %swap3A_537 = arith.constant 64 : index
        %swap3A_538 = tpu.vector_load %arg21[%swap3A_536, %swap3A_537] {strides = array<i32>} : memref<16x128xf32, #tpu.memory_space<vmem>>, vector<16xf32>,
        tpu.vector_store %arg21[%swap3A_536, %swap3A_537], %add3A_512 {strides = array<i32>} : memref<16x128xf32, #tpu.memory_space<vmem>>, vector<16xf32>,
        %swap3A_539 = arith.index_cast %scan3A_214 : i32 to index
        %swap3A_540 = arith.constant 80 : index
        %swap3A_541 = tpu.vector_load %arg21[%swap3A_539, %swap3A_540] {strides = array<i32>} : memref<16x128xf32, #tpu.memory_space<vmem>>, vector<16xf32>,
        tpu.vector_store %arg21[%swap3A_539, %swap3A_540], %add3A_514 {strides = array<i32>} : memref<16x128xf32, #tpu.memory_space<vmem>>, vector<16xf32>,
        %swap3A_542 = arith.index_cast %scan3A_214 : i32 to index
        %swap3A_543 = arith.constant 96 : index
        %swap3A_544 = tpu.vector_load %arg21[%swap3A_542, %swap3A_543] {strides = array<i32>} : memref<16x128xf32, #tpu.memory_space<vmem>>, vector<16xf32>,
        tpu.vector_store %arg21[%swap3A_542, %swap3A_543], %add3A_521 {strides = array<i32>} : memref<16x128xf32, #tpu.memory_space<vmem>>, vector<16xf32>,
        %swap3A_545 = arith.index_cast %scan3A_214 : i32 to index
        %swap3A_546 = arith.constant 112 : index
        %swap3A_547 = tpu.vector_load %arg21[%swap3A_545, %swap3A_546] {strides = array<i32>} : memref<16x128xf32, #tpu.memory_space<vmem>>, vector<16xf32>,
        tpu.vector_store %arg21[%swap3A_545, %swap3A_546], %add3A_523 {strides = array<i32>} : memref<16x128xf32, #tpu.memory_space<vmem>>, vector<16xf32>,
        %scan3A_548 = arith.constant 0 : i32
        scf.yield %scan3A_548 : i32
      }
      %scan3A_126 = arith.constant 16 : i32
      %get3A = arith.constant 0 : index
      %get3A_127 = tpu.vector_load %arg10[%get3A] {strides = array<i32>} : memref<16xi32, #tpu.memory_space<vmem>>, vector<16xi32>,
      %swap3A_128 = arith.constant 0 : index
      %swap3A_129 = tpu.vector_load %arg13[%swap3A_128] {strides = array<i32>} : memref<16xi32, #tpu.memory_space<vmem>>, vector<16xi32>,
      tpu.vector_store %arg13[%swap3A_128], %get3A_127 {strides = array<i32>} : memref<16xi32, #tpu.memory_space<vmem>>, vector<16xi32>,
      %dma_start3A_130 = arith.constant 0 : i32
      %dma_start3A_131 = arith.constant 0 : i32
      %dma_start3A_132 = tpu.memref_slice %arg23[%dma_start3A_130, %dma_start3A_131] : memref<10240x128xf32, #tpu.memory_space<vmem_shared>> -> memref<10240x128xf32, #tpu.memory_space<vmem_shared>>
      tpu.enqueue_indirect_dma source(%arg21 : memref<16x128xf32, #tpu.memory_space<vmem>>) target(%dma_start3A_132 : memref<10240x128xf32, #tpu.memory_space<vmem_shared>>) offsets(%arg13 : memref<16xi32, #tpu.memory_space<vmem>>) semaphore(%arg28 : memref<!tpu.dma_semaphore, #tpu.memory_space<semaphore_mem>>) {add = true}
      %add3A_133 = arith.constant 2 : i32
      %add3A_134 = arith.addi %add3A_79, %add3A_133 : i32
      %min3A_135 = arith.constant 655 : i32
      %min3A_136 = arith.minsi %add3A_134, %min3A_135 : i32
      %add3A_137 = arith.addi %mul3A_4, %min3A_136 : i32
      %mul3A_138 = arith.constant 16 : i32
      %mul3A_139 = arith.muli %add3A_137, %mul3A_138 : i32
      %dma_start3A_140 = tpu.memref_slice %arg2[%mul3A_139] : memref<335872xi32, #tpu.memory_space<hbm>> -> memref<16xi32, #tpu.memory_space<hbm>>
      %dma_start3A_141 = tpu.memref_slice %arg2[%mul3A_139] : memref<335872xi32, #tpu.memory_space<hbm>> -> memref<16xi32, #tpu.memory_space<hbm>>
      tpu.enqueue_dma source(%dma_start3A_141 : memref<16xi32, #tpu.memory_space<hbm>>) target(%arg9 : memref<16xi32, #tpu.memory_space<vmem>>) target_semaphore(%arg26 : memref<!tpu.dma_semaphore, #tpu.memory_space<semaphore_mem>>)
      %dma_start3A_142 = tpu.memref_slice %arg3[%mul3A_139] : memref<335872xi32, #tpu.memory_space<hbm>> -> memref<16xi32, #tpu.memory_space<hbm>>
      %dma_start3A_143 = tpu.memref_slice %arg3[%mul3A_139] : memref<335872xi32, #tpu.memory_space<hbm>> -> memref<16xi32, #tpu.memory_space<hbm>>
      tpu.enqueue_dma source(%dma_start3A_143 : memref<16xi32, #tpu.memory_space<hbm>>) target(%arg10 : memref<16xi32, #tpu.memory_space<vmem>>) target_semaphore(%arg26 : memref<!tpu.dma_semaphore, #tpu.memory_space<semaphore_mem>>)
      %mul3A_144 = arith.constant 2 : i32
      %mul3A_145 = arith.muli %mul3A_144, %scan3A_74 : i32
      %add3A_146 = arith.constant 1 : i32
      %add3A_147 = arith.addi %mul3A_145, %add3A_146 : i32
      %dma_wait3A_148 = arith.constant 0 : i32
      %dma_wait3A_149 = tpu.memref_slice %arg2[%dma_wait3A_148] : memref<335872xi32, #tpu.memory_space<hbm>> -> memref<16xi32, #tpu.memory_space<hbm>>
      %dma_wait3A_150 = arith.constant 0 : i32
      %dma_wait3A_151 = tpu.memref_slice %arg2[%dma_wait3A_150] : memref<335872xi32, #tpu.memory_space<hbm>> -> memref<16xi32, #tpu.memory_space<hbm>>
      tpu.wait_dma2 semaphore(%arg26 : memref<!tpu.dma_semaphore, #tpu.memory_space<semaphore_mem>>) src(%dma_wait3A_151 : memref<16xi32, #tpu.memory_space<hbm>>) dst(%arg9 : memref<16xi32, #tpu.memory_space<vmem>>)
      %dma_wait3A_152 = arith.constant 0 : i32
      %dma_wait3A_153 = tpu.memref_slice %arg3[%dma_wait3A_152] : memref<335872xi32, #tpu.memory_space<hbm>> -> memref<16xi32, #tpu.memory_space<hbm>>
      %dma_wait3A_154 = arith.constant 0 : i32
      %dma_wait3A_155 = tpu.memref_slice %arg3[%dma_wait3A_154] : memref<335872xi32, #tpu.memory_space<hbm>> -> memref<16xi32, #tpu.memory_space<hbm>>
      tpu.wait_dma2 semaphore(%arg26 : memref<!tpu.dma_semaphore, #tpu.memory_space<semaphore_mem>>) src(%dma_wait3A_155 : memref<16xi32, #tpu.memory_space<hbm>>) dst(%arg10 : memref<16xi32, #tpu.memory_space<vmem>>)
      %add3A_156 = arith.constant 1 : i32
      %add3A_157 = arith.addi %add3A_147, %add3A_156 : i32
      %min3A_158 = arith.constant 655 : i32
      %min3A_159 = arith.minsi %add3A_157, %min3A_158 : i32
      %add3A_160 = arith.addi %mul3A_4, %min3A_159 : i32
      %mul3A_161 = arith.constant 16 : i32
      %mul3A_162 = arith.muli %add3A_160, %mul3A_161 : i32
      %dma_start3A_163 = arith.constant 0 : i32
      %dma_start3A_164 = tpu.memref_slice %arg4[%mul3A_162, %dma_start3A_163] : memref<335872x16xf32, #tpu.memory_space<hbm>> -> memref<16x16xf32, #tpu.memory_space<hbm>>
      %dma_start3A_165 = arith.constant 0 : i32
      %dma_start3A_166 = tpu.memref_slice %arg4[%mul3A_162, %dma_start3A_165] : memref<335872x16xf32, #tpu.memory_space<hbm>> -> memref<16x16xf32, #tpu.memory_space<hbm>>
      tpu.enqueue_dma source(%dma_start3A_166 : memref<16x16xf32, #tpu.memory_space<hbm>>) target(%arg15 : memref<16x16xf32, #tpu.memory_space<vmem>>) target_semaphore(%arg24 : memref<!tpu.dma_semaphore, #tpu.memory_space<semaphore_mem>>)
      %dma_start3A_167 = arith.constant 0 : i32
      %dma_start3A_168 = arith.constant 0 : i32
      %dma_start3A_169 = tpu.memref_slice %arg5[%dma_start3A_167, %dma_start3A_168] : memref<10240x128xf32, #tpu.memory_space<hbm>> -> memref<10240x128xf32, #tpu.memory_space<hbm>>
      tpu.enqueue_indirect_dma source(%dma_start3A_169 : memref<10240x128xf32, #tpu.memory_space<hbm>>) target(%arg17 : memref<16x128xf32, #tpu.memory_space<vmem>>) offsets(%arg10 : memref<16xi32, #tpu.memory_space<vmem>>) semaphore(%arg24 : memref<!tpu.dma_semaphore, #tpu.memory_space<semaphore_mem>>)
      %dma_start3A_170 = arith.constant 0 : i32
      %dma_start3A_171 = arith.constant 0 : i32
      %dma_start3A_172 = tpu.memref_slice %arg6[%dma_start3A_170, %dma_start3A_171] : memref<10240x1024xbf16, #tpu.memory_space<hbm>> -> memref<10240x1024xbf16, #tpu.memory_space<hbm>>
      tpu.enqueue_indirect_dma source(%dma_start3A_172 : memref<10240x1024xbf16, #tpu.memory_space<hbm>>) target(%arg19 : memref<16x1024xbf16, #tpu.memory_space<vmem>>) offsets(%arg9 : memref<16xi32, #tpu.memory_space<vmem>>) semaphore(%arg24 : memref<!tpu.dma_semaphore, #tpu.memory_space<semaphore_mem>>)
      %dma_wait3A_173 = arith.constant 0 : i32
      %dma_wait3A_174 = arith.constant 0 : i32
      %dma_wait3A_175 = tpu.memref_slice %arg4[%dma_wait3A_173, %dma_wait3A_174] : memref<335872x16xf32, #tpu.memory_space<hbm>> -> memref<16x16xf32, #tpu.memory_space<hbm>>
      %dma_wait3A_176 = arith.constant 0 : i32
      %dma_wait3A_177 = arith.constant 0 : i32
      %dma_wait3A_178 = tpu.memref_slice %arg4[%dma_wait3A_176, %dma_wait3A_177] : memref<335872x16xf32, #tpu.memory_space<hbm>> -> memref<16x16xf32, #tpu.memory_space<hbm>>
      tpu.wait_dma2 semaphore(%arg25 : memref<!tpu.dma_semaphore, #tpu.memory_space<semaphore_mem>>) src(%dma_wait3A_178 : memref<16x16xf32, #tpu.memory_space<hbm>>) dst(%arg16 : memref<16x16xf32, #tpu.memory_space<vmem>>)
      %dma_wait3A_179 = arith.constant 0 : i32
      %dma_wait3A_180 = arith.constant 0 : i32
      %dma_wait3A_181 = tpu.memref_slice %arg5[%dma_wait3A_179, %dma_wait3A_180] : memref<10240x128xf32, #tpu.memory_space<hbm>> -> memref<10240x128xf32, #tpu.memory_space<hbm>>
      tpu.wait_indirect_dma semaphore(%arg25 : memref<!tpu.dma_semaphore, #tpu.memory_space<semaphore_mem>>) src(%dma_wait3A_181 : memref<10240x128xf32, #tpu.memory_space<hbm>>) dst(%arg18 : memref<16x128xf32, #tpu.memory_space<vmem>>)
      %dma_wait3A_182 = arith.constant 0 : i32
      %dma_wait3A_183 = arith.constant 0 : i32
      %dma_wait3A_184 = tpu.memref_slice %arg6[%dma_wait3A_182, %dma_wait3A_183] : memref<10240x1024xbf16, #tpu.memory_space<hbm>> -> memref<10240x1024xbf16, #tpu.memory_space<hbm>>
      tpu.wait_indirect_dma semaphore(%arg25 : memref<!tpu.dma_semaphore, #tpu.memory_space<semaphore_mem>>) src(%dma_wait3A_184 : memref<10240x1024xbf16, #tpu.memory_space<hbm>>) dst(%arg20 : memref<16x1024xbf16, #tpu.memory_space<vmem>>)
      %dma_wait3A_185 = arith.constant 0 : i32
      %dma_wait3A_186 = arith.constant 0 : i32
      %dma_wait3A_187 = tpu.memref_slice %arg23[%dma_wait3A_185, %dma_wait3A_186] : memref<10240x128xf32, #tpu.memory_space<vmem_shared>> -> memref<10240x128xf32, #tpu.memory_space<vmem_shared>>
      tpu.wait_indirect_dma semaphore(%arg28 : memref<!tpu.dma_semaphore, #tpu.memory_space<semaphore_mem>>) src(%arg21 : memref<16x128xf32, #tpu.memory_space<vmem>>) dst(%dma_wait3A_187 : memref<10240x128xf32, #tpu.memory_space<vmem_shared>>)
      %scan3A_188 = arith.constant 0 : i32
      %scan3A_189 = arith.constant 0 : i32
      %scan3A_190 = arith.constant 16 : i32
      %scan3A_191 = arith.addi %scan3A_189, %scan3A_190 : i32
      %scan3A_192 = arith.constant 1 : i32
      %scan3A_193 = scf.for %scan3A_214 = %scan3A_189 to %scan3A_191 step %scan3A_192 iter_args(%scan3A_215 = %scan3A_188) -> (i32)  : i32 {
        %get3A_216 = arith.index_cast %scan3A_214 : i32 to index
        %get3A_217 = arith.constant 0 : index
        %get3A_218 = tpu.vector_load %arg16[%get3A_216, %get3A_217] {strides = array<i32>} : memref<16x16xf32, #tpu.memory_space<vmem>>, vector<16xf32>,
        %get3A_219 = arith.index_cast %scan3A_214 : i32 to index
        %get3A_220 = arith.constant 0 : index
        %get3A_221 = tpu.vector_load %arg18[%get3A_219, %get3A_220] {strides = array<i32>} : memref<16x128xf32, #tpu.memory_space<vmem>>, vector<16xf32>,
        %mul3A_222 = arith.mulf %get3A_218, %get3A_221 : vector<16xf32>
        %slice3A = vector.extract_strided_slice %mul3A_222 {offsets = [0], sizes = [1], strides = [1]} : vector<16xf32> to vector<1xf32>
        %squeeze3A = vector.extract %slice3A[0] : f32 from vector<1xf32>
        %broadcast_in_dim3A_223 = vector.broadcast %squeeze3A : f32 to vector<16xf32>
        %get3A_224 = arith.index_cast %scan3A_214 : i32 to index
        %get3A_225 = arith.constant 0 : index
        %get3A_226 = tpu.vector_load %arg20[%get3A_224, %get3A_225] {strides = array<i32>} : memref<16x1024xbf16, #tpu.memory_space<vmem>>, vector<32xbf16>,
        %unpack3A = tpu.unpack_subelements %get3A_226, 0 {pack_format = #tpu.pack_format<interleaved>} : vector<32xbf16> -> vector<16xf32>
        %unpack3A_227 = tpu.unpack_subelements %get3A_226, 1 {pack_format = #tpu.pack_format<interleaved>} : vector<32xbf16> -> vector<16xf32>
        %mul3A_228 = arith.mulf %broadcast_in_dim3A_223, %unpack3A : vector<16xf32>
        %mul3A_229 = arith.mulf %broadcast_in_dim3A_223, %unpack3A_227 : vector<16xf32>
        %get3A_230 = arith.index_cast %scan3A_214 : i32 to index
        %get3A_231 = arith.constant 32 : index
        %get3A_232 = tpu.vector_load %arg20[%get3A_230, %get3A_231] {strides = array<i32>} : memref<16x1024xbf16, #tpu.memory_space<vmem>>, vector<32xbf16>,
        %unpack3A_233 = tpu.unpack_subelements %get3A_232, 0 {pack_format = #tpu.pack_format<interleaved>} : vector<32xbf16> -> vector<16xf32>
        %unpack3A_234 = tpu.unpack_subelements %get3A_232, 1 {pack_format = #tpu.pack_format<interleaved>} : vector<32xbf16> -> vector<16xf32>
        %mul3A_235 = arith.mulf %broadcast_in_dim3A_223, %unpack3A_233 : vector<16xf32>
        %mul3A_236 = arith.mulf %broadcast_in_dim3A_223, %unpack3A_234 : vector<16xf32>
        %get3A_237 = arith.index_cast %scan3A_214 : i32 to index
        %get3A_238 = arith.constant 64 : index
        %get3A_239 = tpu.vector_load %arg20[%get3A_237, %get3A_238] {strides = array<i32>} : memref<16x1024xbf16, #tpu.memory_space<vmem>>, vector<32xbf16>,
        %unpack3A_240 = tpu.unpack_subelements %get3A_239, 0 {pack_format = #tpu.pack_format<interleaved>} : vector<32xbf16> -> vector<16xf32>
        %unpack3A_241 = tpu.unpack_subelements %get3A_239, 1 {pack_format = #tpu.pack_format<interleaved>} : vector<32xbf16> -> vector<16xf32>
        %mul3A_242 = arith.mulf %broadcast_in_dim3A_223, %unpack3A_240 : vector<16xf32>
        %mul3A_243 = arith.mulf %broadcast_in_dim3A_223, %unpack3A_241 : vector<16xf32>
        %get3A_244 = arith.index_cast %scan3A_214 : i32 to index
        %get3A_245 = arith.constant 96 : index
        %get3A_246 = tpu.vector_load %arg20[%get3A_244, %get3A_245] {strides = array<i32>} : memref<16x1024xbf16, #tpu.memory_space<vmem>>, vector<32xbf16>,
        %unpack3A_247 = tpu.unpack_subelements %get3A_246, 0 {pack_format = #tpu.pack_format<interleaved>} : vector<32xbf16> -> vector<16xf32>
        %unpack3A_248 = tpu.unpack_subelements %get3A_246, 1 {pack_format = #tpu.pack_format<interleaved>} : vector<32xbf16> -> vector<16xf32>
        %mul3A_249 = arith.mulf %broadcast_in_dim3A_223, %unpack3A_247 : vector<16xf32>
        %mul3A_250 = arith.mulf %broadcast_in_dim3A_223, %unpack3A_248 : vector<16xf32>
        %slice3A_251 = vector.extract_strided_slice %mul3A_222 {offsets = [1], sizes = [1], strides = [1]} : vector<16xf32> to vector<1xf32>
        %squeeze3A_252 = vector.extract %slice3A_251[0] : f32 from vector<1xf32>
        %broadcast_in_dim3A_253 = vector.broadcast %squeeze3A_252 : f32 to vector<16xf32>
        %get3A_254 = arith.index_cast %scan3A_214 : i32 to index
        %get3A_255 = arith.constant 128 : index
        %get3A_256 = tpu.vector_load %arg20[%get3A_254, %get3A_255] {strides = array<i32>} : memref<16x1024xbf16, #tpu.memory_space<vmem>>, vector<32xbf16>,
        %unpack3A_257 = tpu.unpack_subelements %get3A_256, 0 {pack_format = #tpu.pack_format<interleaved>} : vector<32xbf16> -> vector<16xf32>
        %unpack3A_258 = tpu.unpack_subelements %get3A_256, 1 {pack_format = #tpu.pack_format<interleaved>} : vector<32xbf16> -> vector<16xf32>
        %mul3A_259 = arith.mulf %broadcast_in_dim3A_253, %unpack3A_257 : vector<16xf32>
        %add3A_260 = arith.addf %mul3A_228, %mul3A_259 : vector<16xf32>
        %mul3A_261 = arith.mulf %broadcast_in_dim3A_253, %unpack3A_258 : vector<16xf32>
        %add3A_262 = arith.addf %mul3A_229, %mul3A_261 : vector<16xf32>
        %get3A_263 = arith.index_cast %scan3A_214 : i32 to index
        %get3A_264 = arith.constant 160 : index
        %get3A_265 = tpu.vector_load %arg20[%get3A_263, %get3A_264] {strides = array<i32>} : memref<16x1024xbf16, #tpu.memory_space<vmem>>, vector<32xbf16>,
        %unpack3A_266 = tpu.unpack_subelements %get3A_265, 0 {pack_format = #tpu.pack_format<interleaved>} : vector<32xbf16> -> vector<16xf32>
        %unpack3A_267 = tpu.unpack_subelements %get3A_265, 1 {pack_format = #tpu.pack_format<interleaved>} : vector<32xbf16> -> vector<16xf32>
        %mul3A_268 = arith.mulf %broadcast_in_dim3A_253, %unpack3A_266 : vector<16xf32>
        %add3A_269 = arith.addf %mul3A_235, %mul3A_268 : vector<16xf32>
        %mul3A_270 = arith.mulf %broadcast_in_dim3A_253, %unpack3A_267 : vector<16xf32>
        %add3A_271 = arith.addf %mul3A_236, %mul3A_270 : vector<16xf32>
        %get3A_272 = arith.index_cast %scan3A_214 : i32 to index
        %get3A_273 = arith.constant 192 : index
        %get3A_274 = tpu.vector_load %arg20[%get3A_272, %get3A_273] {strides = array<i32>} : memref<16x1024xbf16, #tpu.memory_space<vmem>>, vector<32xbf16>,
        %unpack3A_275 = tpu.unpack_subelements %get3A_274, 0 {pack_format = #tpu.pack_format<interleaved>} : vector<32xbf16> -> vector<16xf32>
        %unpack3A_276 = tpu.unpack_subelements %get3A_274, 1 {pack_format = #tpu.pack_format<interleaved>} : vector<32xbf16> -> vector<16xf32>
        %mul3A_277 = arith.mulf %broadcast_in_dim3A_253, %unpack3A_275 : vector<16xf32>
        %add3A_278 = arith.addf %mul3A_242, %mul3A_277 : vector<16xf32>
        %mul3A_279 = arith.mulf %broadcast_in_dim3A_253, %unpack3A_276 : vector<16xf32>
        %add3A_280 = arith.addf %mul3A_243, %mul3A_279 : vector<16xf32>
        %get3A_281 = arith.index_cast %scan3A_214 : i32 to index
        %get3A_282 = arith.constant 224 : index
        %get3A_283 = tpu.vector_load %arg20[%get3A_281, %get3A_282] {strides = array<i32>} : memref<16x1024xbf16, #tpu.memory_space<vmem>>, vector<32xbf16>,
        %unpack3A_284 = tpu.unpack_subelements %get3A_283, 0 {pack_format = #tpu.pack_format<interleaved>} : vector<32xbf16> -> vector<16xf32>
        %unpack3A_285 = tpu.unpack_subelements %get3A_283, 1 {pack_format = #tpu.pack_format<interleaved>} : vector<32xbf16> -> vector<16xf32>
        %mul3A_286 = arith.mulf %broadcast_in_dim3A_253, %unpack3A_284 : vector<16xf32>
        %add3A_287 = arith.addf %mul3A_249, %mul3A_286 : vector<16xf32>
        %mul3A_288 = arith.mulf %broadcast_in_dim3A_253, %unpack3A_285 : vector<16xf32>
        %add3A_289 = arith.addf %mul3A_250, %mul3A_288 : vector<16xf32>
        %slice3A_290 = vector.extract_strided_slice %mul3A_222 {offsets = [2], sizes = [1], strides = [1]} : vector<16xf32> to vector<1xf32>
        %squeeze3A_291 = vector.extract %slice3A_290[0] : f32 from vector<1xf32>
        %broadcast_in_dim3A_292 = vector.broadcast %squeeze3A_291 : f32 to vector<16xf32>
        %get3A_293 = arith.index_cast %scan3A_214 : i32 to index
        %get3A_294 = arith.constant 256 : index
        %get3A_295 = tpu.vector_load %arg20[%get3A_293, %get3A_294] {strides = array<i32>} : memref<16x1024xbf16, #tpu.memory_space<vmem>>, vector<32xbf16>,
        %unpack3A_296 = tpu.unpack_subelements %get3A_295, 0 {pack_format = #tpu.pack_format<interleaved>} : vector<32xbf16> -> vector<16xf32>
        %unpack3A_297 = tpu.unpack_subelements %get3A_295, 1 {pack_format = #tpu.pack_format<interleaved>} : vector<32xbf16> -> vector<16xf32>
        %mul3A_298 = arith.mulf %broadcast_in_dim3A_292, %unpack3A_296 : vector<16xf32>
        %add3A_299 = arith.addf %add3A_260, %mul3A_298 : vector<16xf32>
        %mul3A_300 = arith.mulf %broadcast_in_dim3A_292, %unpack3A_297 : vector<16xf32>
        %add3A_301 = arith.addf %add3A_262, %mul3A_300 : vector<16xf32>
        %get3A_302 = arith.index_cast %scan3A_214 : i32 to index
        %get3A_303 = arith.constant 288 : index
        %get3A_304 = tpu.vector_load %arg20[%get3A_302, %get3A_303] {strides = array<i32>} : memref<16x1024xbf16, #tpu.memory_space<vmem>>, vector<32xbf16>,
        %unpack3A_305 = tpu.unpack_subelements %get3A_304, 0 {pack_format = #tpu.pack_format<interleaved>} : vector<32xbf16> -> vector<16xf32>
        %unpack3A_306 = tpu.unpack_subelements %get3A_304, 1 {pack_format = #tpu.pack_format<interleaved>} : vector<32xbf16> -> vector<16xf32>
        %mul3A_307 = arith.mulf %broadcast_in_dim3A_292, %unpack3A_305 : vector<16xf32>
        %add3A_308 = arith.addf %add3A_269, %mul3A_307 : vector<16xf32>
        %mul3A_309 = arith.mulf %broadcast_in_dim3A_292, %unpack3A_306 : vector<16xf32>
        %add3A_310 = arith.addf %add3A_271, %mul3A_309 : vector<16xf32>
        %get3A_311 = arith.index_cast %scan3A_214 : i32 to index
        %get3A_312 = arith.constant 320 : index
        %get3A_313 = tpu.vector_load %arg20[%get3A_311, %get3A_312] {strides = array<i32>} : memref<16x1024xbf16, #tpu.memory_space<vmem>>, vector<32xbf16>,
        %unpack3A_314 = tpu.unpack_subelements %get3A_313, 0 {pack_format = #tpu.pack_format<interleaved>} : vector<32xbf16> -> vector<16xf32>
        %unpack3A_315 = tpu.unpack_subelements %get3A_313, 1 {pack_format = #tpu.pack_format<interleaved>} : vector<32xbf16> -> vector<16xf32>
        %mul3A_316 = arith.mulf %broadcast_in_dim3A_292, %unpack3A_314 : vector<16xf32>
        %add3A_317 = arith.addf %add3A_278, %mul3A_316 : vector<16xf32>
        %mul3A_318 = arith.mulf %broadcast_in_dim3A_292, %unpack3A_315 : vector<16xf32>
        %add3A_319 = arith.addf %add3A_280, %mul3A_318 : vector<16xf32>
        %get3A_320 = arith.index_cast %scan3A_214 : i32 to index
        %get3A_321 = arith.constant 352 : index
        %get3A_322 = tpu.vector_load %arg20[%get3A_320, %get3A_321] {strides = array<i32>} : memref<16x1024xbf16, #tpu.memory_space<vmem>>, vector<32xbf16>,
        %unpack3A_323 = tpu.unpack_subelements %get3A_322, 0 {pack_format = #tpu.pack_format<interleaved>} : vector<32xbf16> -> vector<16xf32>
        %unpack3A_324 = tpu.unpack_subelements %get3A_322, 1 {pack_format = #tpu.pack_format<interleaved>} : vector<32xbf16> -> vector<16xf32>
        %mul3A_325 = arith.mulf %broadcast_in_dim3A_292, %unpack3A_323 : vector<16xf32>
        %add3A_326 = arith.addf %add3A_287, %mul3A_325 : vector<16xf32>
        %mul3A_327 = arith.mulf %broadcast_in_dim3A_292, %unpack3A_324 : vector<16xf32>
        %add3A_328 = arith.addf %add3A_289, %mul3A_327 : vector<16xf32>
        %slice3A_329 = vector.extract_strided_slice %mul3A_222 {offsets = [3], sizes = [1], strides = [1]} : vector<16xf32> to vector<1xf32>
        %squeeze3A_330 = vector.extract %slice3A_329[0] : f32 from vector<1xf32>
        %broadcast_in_dim3A_331 = vector.broadcast %squeeze3A_330 : f32 to vector<16xf32>
        %get3A_332 = arith.index_cast %scan3A_214 : i32 to index
        %get3A_333 = arith.constant 384 : index
        %get3A_334 = tpu.vector_load %arg20[%get3A_332, %get3A_333] {strides = array<i32>} : memref<16x1024xbf16, #tpu.memory_space<vmem>>, vector<32xbf16>,
        %unpack3A_335 = tpu.unpack_subelements %get3A_334, 0 {pack_format = #tpu.pack_format<interleaved>} : vector<32xbf16> -> vector<16xf32>
        %unpack3A_336 = tpu.unpack_subelements %get3A_334, 1 {pack_format = #tpu.pack_format<interleaved>} : vector<32xbf16> -> vector<16xf32>
        %mul3A_337 = arith.mulf %broadcast_in_dim3A_331, %unpack3A_335 : vector<16xf32>
        %add3A_338 = arith.addf %add3A_299, %mul3A_337 : vector<16xf32>
        %mul3A_339 = arith.mulf %broadcast_in_dim3A_331, %unpack3A_336 : vector<16xf32>
        %add3A_340 = arith.addf %add3A_301, %mul3A_339 : vector<16xf32>
        %get3A_341 = arith.index_cast %scan3A_214 : i32 to index
        %get3A_342 = arith.constant 416 : index
        %get3A_343 = tpu.vector_load %arg20[%get3A_341, %get3A_342] {strides = array<i32>} : memref<16x1024xbf16, #tpu.memory_space<vmem>>, vector<32xbf16>,
        %unpack3A_344 = tpu.unpack_subelements %get3A_343, 0 {pack_format = #tpu.pack_format<interleaved>} : vector<32xbf16> -> vector<16xf32>
        %unpack3A_345 = tpu.unpack_subelements %get3A_343, 1 {pack_format = #tpu.pack_format<interleaved>} : vector<32xbf16> -> vector<16xf32>
        %mul3A_346 = arith.mulf %broadcast_in_dim3A_331, %unpack3A_344 : vector<16xf32>
        %add3A_347 = arith.addf %add3A_308, %mul3A_346 : vector<16xf32>
        %mul3A_348 = arith.mulf %broadcast_in_dim3A_331, %unpack3A_345 : vector<16xf32>
        %add3A_349 = arith.addf %add3A_310, %mul3A_348 : vector<16xf32>
        %get3A_350 = arith.index_cast %scan3A_214 : i32 to index
        %get3A_351 = arith.constant 448 : index
        %get3A_352 = tpu.vector_load %arg20[%get3A_350, %get3A_351] {strides = array<i32>} : memref<16x1024xbf16, #tpu.memory_space<vmem>>, vector<32xbf16>,
        %unpack3A_353 = tpu.unpack_subelements %get3A_352, 0 {pack_format = #tpu.pack_format<interleaved>} : vector<32xbf16> -> vector<16xf32>
        %unpack3A_354 = tpu.unpack_subelements %get3A_352, 1 {pack_format = #tpu.pack_format<interleaved>} : vector<32xbf16> -> vector<16xf32>
        %mul3A_355 = arith.mulf %broadcast_in_dim3A_331, %unpack3A_353 : vector<16xf32>
        %add3A_356 = arith.addf %add3A_317, %mul3A_355 : vector<16xf32>
        %mul3A_357 = arith.mulf %broadcast_in_dim3A_331, %unpack3A_354 : vector<16xf32>
        %add3A_358 = arith.addf %add3A_319, %mul3A_357 : vector<16xf32>
        %get3A_359 = arith.index_cast %scan3A_214 : i32 to index
        %get3A_360 = arith.constant 480 : index
        %get3A_361 = tpu.vector_load %arg20[%get3A_359, %get3A_360] {strides = array<i32>} : memref<16x1024xbf16, #tpu.memory_space<vmem>>, vector<32xbf16>,
        %unpack3A_362 = tpu.unpack_subelements %get3A_361, 0 {pack_format = #tpu.pack_format<interleaved>} : vector<32xbf16> -> vector<16xf32>
        %unpack3A_363 = tpu.unpack_subelements %get3A_361, 1 {pack_format = #tpu.pack_format<interleaved>} : vector<32xbf16> -> vector<16xf32>
        %mul3A_364 = arith.mulf %broadcast_in_dim3A_331, %unpack3A_362 : vector<16xf32>
        %add3A_365 = arith.addf %add3A_326, %mul3A_364 : vector<16xf32>
        %mul3A_366 = arith.mulf %broadcast_in_dim3A_331, %unpack3A_363 : vector<16xf32>
        %add3A_367 = arith.addf %add3A_328, %mul3A_366 : vector<16xf32>
        %slice3A_368 = vector.extract_strided_slice %mul3A_222 {offsets = [4], sizes = [1], strides = [1]} : vector<16xf32> to vector<1xf32>
        %squeeze3A_369 = vector.extract %slice3A_368[0] : f32 from vector<1xf32>
        %broadcast_in_dim3A_370 = vector.broadcast %squeeze3A_369 : f32 to vector<16xf32>
        %get3A_371 = arith.index_cast %scan3A_214 : i32 to index
        %get3A_372 = arith.constant 512 : index
        %get3A_373 = tpu.vector_load %arg20[%get3A_371, %get3A_372] {strides = array<i32>} : memref<16x1024xbf16, #tpu.memory_space<vmem>>, vector<32xbf16>,
        %unpack3A_374 = tpu.unpack_subelements %get3A_373, 0 {pack_format = #tpu.pack_format<interleaved>} : vector<32xbf16> -> vector<16xf32>
        %unpack3A_375 = tpu.unpack_subelements %get3A_373, 1 {pack_format = #tpu.pack_format<interleaved>} : vector<32xbf16> -> vector<16xf32>
        %mul3A_376 = arith.mulf %broadcast_in_dim3A_370, %unpack3A_374 : vector<16xf32>
        %add3A_377 = arith.addf %add3A_338, %mul3A_376 : vector<16xf32>
        %mul3A_378 = arith.mulf %broadcast_in_dim3A_370, %unpack3A_375 : vector<16xf32>
        %add3A_379 = arith.addf %add3A_340, %mul3A_378 : vector<16xf32>
        %get3A_380 = arith.index_cast %scan3A_214 : i32 to index
        %get3A_381 = arith.constant 544 : index
        %get3A_382 = tpu.vector_load %arg20[%get3A_380, %get3A_381] {strides = array<i32>} : memref<16x1024xbf16, #tpu.memory_space<vmem>>, vector<32xbf16>,
        %unpack3A_383 = tpu.unpack_subelements %get3A_382, 0 {pack_format = #tpu.pack_format<interleaved>} : vector<32xbf16> -> vector<16xf32>
        %unpack3A_384 = tpu.unpack_subelements %get3A_382, 1 {pack_format = #tpu.pack_format<interleaved>} : vector<32xbf16> -> vector<16xf32>
        %mul3A_385 = arith.mulf %broadcast_in_dim3A_370, %unpack3A_383 : vector<16xf32>
        %add3A_386 = arith.addf %add3A_347, %mul3A_385 : vector<16xf32>
        %mul3A_387 = arith.mulf %broadcast_in_dim3A_370, %unpack3A_384 : vector<16xf32>
        %add3A_388 = arith.addf %add3A_349, %mul3A_387 : vector<16xf32>
        %get3A_389 = arith.index_cast %scan3A_214 : i32 to index
        %get3A_390 = arith.constant 576 : index
        %get3A_391 = tpu.vector_load %arg20[%get3A_389, %get3A_390] {strides = array<i32>} : memref<16x1024xbf16, #tpu.memory_space<vmem>>, vector<32xbf16>,
        %unpack3A_392 = tpu.unpack_subelements %get3A_391, 0 {pack_format = #tpu.pack_format<interleaved>} : vector<32xbf16> -> vector<16xf32>
        %unpack3A_393 = tpu.unpack_subelements %get3A_391, 1 {pack_format = #tpu.pack_format<interleaved>} : vector<32xbf16> -> vector<16xf32>
        %mul3A_394 = arith.mulf %broadcast_in_dim3A_370, %unpack3A_392 : vector<16xf32>
        %add3A_395 = arith.addf %add3A_356, %mul3A_394 : vector<16xf32>
        %mul3A_396 = arith.mulf %broadcast_in_dim3A_370, %unpack3A_393 : vector<16xf32>
        %add3A_397 = arith.addf %add3A_358, %mul3A_396 : vector<16xf32>
        %get3A_398 = arith.index_cast %scan3A_214 : i32 to index
        %get3A_399 = arith.constant 608 : index
        %get3A_400 = tpu.vector_load %arg20[%get3A_398, %get3A_399] {strides = array<i32>} : memref<16x1024xbf16, #tpu.memory_space<vmem>>, vector<32xbf16>,
        %unpack3A_401 = tpu.unpack_subelements %get3A_400, 0 {pack_format = #tpu.pack_format<interleaved>} : vector<32xbf16> -> vector<16xf32>
        %unpack3A_402 = tpu.unpack_subelements %get3A_400, 1 {pack_format = #tpu.pack_format<interleaved>} : vector<32xbf16> -> vector<16xf32>
        %mul3A_403 = arith.mulf %broadcast_in_dim3A_370, %unpack3A_401 : vector<16xf32>
        %add3A_404 = arith.addf %add3A_365, %mul3A_403 : vector<16xf32>
        %mul3A_405 = arith.mulf %broadcast_in_dim3A_370, %unpack3A_402 : vector<16xf32>
        %add3A_406 = arith.addf %add3A_367, %mul3A_405 : vector<16xf32>
        %slice3A_407 = vector.extract_strided_slice %mul3A_222 {offsets = [5], sizes = [1], strides = [1]} : vector<16xf32> to vector<1xf32>
        %squeeze3A_408 = vector.extract %slice3A_407[0] : f32 from vector<1xf32>
        %broadcast_in_dim3A_409 = vector.broadcast %squeeze3A_408 : f32 to vector<16xf32>
        %get3A_410 = arith.index_cast %scan3A_214 : i32 to index
        %get3A_411 = arith.constant 640 : index
        %get3A_412 = tpu.vector_load %arg20[%get3A_410, %get3A_411] {strides = array<i32>} : memref<16x1024xbf16, #tpu.memory_space<vmem>>, vector<32xbf16>,
        %unpack3A_413 = tpu.unpack_subelements %get3A_412, 0 {pack_format = #tpu.pack_format<interleaved>} : vector<32xbf16> -> vector<16xf32>
        %unpack3A_414 = tpu.unpack_subelements %get3A_412, 1 {pack_format = #tpu.pack_format<interleaved>} : vector<32xbf16> -> vector<16xf32>
        %mul3A_415 = arith.mulf %broadcast_in_dim3A_409, %unpack3A_413 : vector<16xf32>
        %add3A_416 = arith.addf %add3A_377, %mul3A_415 : vector<16xf32>
        %mul3A_417 = arith.mulf %broadcast_in_dim3A_409, %unpack3A_414 : vector<16xf32>
        %add3A_418 = arith.addf %add3A_379, %mul3A_417 : vector<16xf32>
        %get3A_419 = arith.index_cast %scan3A_214 : i32 to index
        %get3A_420 = arith.constant 672 : index
        %get3A_421 = tpu.vector_load %arg20[%get3A_419, %get3A_420] {strides = array<i32>} : memref<16x1024xbf16, #tpu.memory_space<vmem>>, vector<32xbf16>,
        %unpack3A_422 = tpu.unpack_subelements %get3A_421, 0 {pack_format = #tpu.pack_format<interleaved>} : vector<32xbf16> -> vector<16xf32>
        %unpack3A_423 = tpu.unpack_subelements %get3A_421, 1 {pack_format = #tpu.pack_format<interleaved>} : vector<32xbf16> -> vector<16xf32>
        %mul3A_424 = arith.mulf %broadcast_in_dim3A_409, %unpack3A_422 : vector<16xf32>
        %add3A_425 = arith.addf %add3A_386, %mul3A_424 : vector<16xf32>
        %mul3A_426 = arith.mulf %broadcast_in_dim3A_409, %unpack3A_423 : vector<16xf32>
        %add3A_427 = arith.addf %add3A_388, %mul3A_426 : vector<16xf32>
        %get3A_428 = arith.index_cast %scan3A_214 : i32 to index
        %get3A_429 = arith.constant 704 : index
        %get3A_430 = tpu.vector_load %arg20[%get3A_428, %get3A_429] {strides = array<i32>} : memref<16x1024xbf16, #tpu.memory_space<vmem>>, vector<32xbf16>,
        %unpack3A_431 = tpu.unpack_subelements %get3A_430, 0 {pack_format = #tpu.pack_format<interleaved>} : vector<32xbf16> -> vector<16xf32>
        %unpack3A_432 = tpu.unpack_subelements %get3A_430, 1 {pack_format = #tpu.pack_format<interleaved>} : vector<32xbf16> -> vector<16xf32>
        %mul3A_433 = arith.mulf %broadcast_in_dim3A_409, %unpack3A_431 : vector<16xf32>
        %add3A_434 = arith.addf %add3A_395, %mul3A_433 : vector<16xf32>
        %mul3A_435 = arith.mulf %broadcast_in_dim3A_409, %unpack3A_432 : vector<16xf32>
        %add3A_436 = arith.addf %add3A_397, %mul3A_435 : vector<16xf32>
        %get3A_437 = arith.index_cast %scan3A_214 : i32 to index
        %get3A_438 = arith.constant 736 : index
        %get3A_439 = tpu.vector_load %arg20[%get3A_437, %get3A_438] {strides = array<i32>} : memref<16x1024xbf16, #tpu.memory_space<vmem>>, vector<32xbf16>,
        %unpack3A_440 = tpu.unpack_subelements %get3A_439, 0 {pack_format = #tpu.pack_format<interleaved>} : vector<32xbf16> -> vector<16xf32>
        %unpack3A_441 = tpu.unpack_subelements %get3A_439, 1 {pack_format = #tpu.pack_format<interleaved>} : vector<32xbf16> -> vector<16xf32>
        %mul3A_442 = arith.mulf %broadcast_in_dim3A_409, %unpack3A_440 : vector<16xf32>
        %add3A_443 = arith.addf %add3A_404, %mul3A_442 : vector<16xf32>
        %mul3A_444 = arith.mulf %broadcast_in_dim3A_409, %unpack3A_441 : vector<16xf32>
        %add3A_445 = arith.addf %add3A_406, %mul3A_444 : vector<16xf32>
        %slice3A_446 = vector.extract_strided_slice %mul3A_222 {offsets = [6], sizes = [1], strides = [1]} : vector<16xf32> to vector<1xf32>
        %squeeze3A_447 = vector.extract %slice3A_446[0] : f32 from vector<1xf32>
        %broadcast_in_dim3A_448 = vector.broadcast %squeeze3A_447 : f32 to vector<16xf32>
        %get3A_449 = arith.index_cast %scan3A_214 : i32 to index
        %get3A_450 = arith.constant 768 : index
        %get3A_451 = tpu.vector_load %arg20[%get3A_449, %get3A_450] {strides = array<i32>} : memref<16x1024xbf16, #tpu.memory_space<vmem>>, vector<32xbf16>,
        %unpack3A_452 = tpu.unpack_subelements %get3A_451, 0 {pack_format = #tpu.pack_format<interleaved>} : vector<32xbf16> -> vector<16xf32>
        %unpack3A_453 = tpu.unpack_subelements %get3A_451, 1 {pack_format = #tpu.pack_format<interleaved>} : vector<32xbf16> -> vector<16xf32>
        %mul3A_454 = arith.mulf %broadcast_in_dim3A_448, %unpack3A_452 : vector<16xf32>
        %add3A_455 = arith.addf %add3A_416, %mul3A_454 : vector<16xf32>
        %mul3A_456 = arith.mulf %broadcast_in_dim3A_448, %unpack3A_453 : vector<16xf32>
        %add3A_457 = arith.addf %add3A_418, %mul3A_456 : vector<16xf32>
        %get3A_458 = arith.index_cast %scan3A_214 : i32 to index
        %get3A_459 = arith.constant 800 : index
        %get3A_460 = tpu.vector_load %arg20[%get3A_458, %get3A_459] {strides = array<i32>} : memref<16x1024xbf16, #tpu.memory_space<vmem>>, vector<32xbf16>,
        %unpack3A_461 = tpu.unpack_subelements %get3A_460, 0 {pack_format = #tpu.pack_format<interleaved>} : vector<32xbf16> -> vector<16xf32>
        %unpack3A_462 = tpu.unpack_subelements %get3A_460, 1 {pack_format = #tpu.pack_format<interleaved>} : vector<32xbf16> -> vector<16xf32>
        %mul3A_463 = arith.mulf %broadcast_in_dim3A_448, %unpack3A_461 : vector<16xf32>
        %add3A_464 = arith.addf %add3A_425, %mul3A_463 : vector<16xf32>
        %mul3A_465 = arith.mulf %broadcast_in_dim3A_448, %unpack3A_462 : vector<16xf32>
        %add3A_466 = arith.addf %add3A_427, %mul3A_465 : vector<16xf32>
        %get3A_467 = arith.index_cast %scan3A_214 : i32 to index
        %get3A_468 = arith.constant 832 : index
        %get3A_469 = tpu.vector_load %arg20[%get3A_467, %get3A_468] {strides = array<i32>} : memref<16x1024xbf16, #tpu.memory_space<vmem>>, vector<32xbf16>,
        %unpack3A_470 = tpu.unpack_subelements %get3A_469, 0 {pack_format = #tpu.pack_format<interleaved>} : vector<32xbf16> -> vector<16xf32>
        %unpack3A_471 = tpu.unpack_subelements %get3A_469, 1 {pack_format = #tpu.pack_format<interleaved>} : vector<32xbf16> -> vector<16xf32>
        %mul3A_472 = arith.mulf %broadcast_in_dim3A_448, %unpack3A_470 : vector<16xf32>
        %add3A_473 = arith.addf %add3A_434, %mul3A_472 : vector<16xf32>
        %mul3A_474 = arith.mulf %broadcast_in_dim3A_448, %unpack3A_471 : vector<16xf32>
        %add3A_475 = arith.addf %add3A_436, %mul3A_474 : vector<16xf32>
        %get3A_476 = arith.index_cast %scan3A_214 : i32 to index
        %get3A_477 = arith.constant 864 : index
        %get3A_478 = tpu.vector_load %arg20[%get3A_476, %get3A_477] {strides = array<i32>} : memref<16x1024xbf16, #tpu.memory_space<vmem>>, vector<32xbf16>,
        %unpack3A_479 = tpu.unpack_subelements %get3A_478, 0 {pack_format = #tpu.pack_format<interleaved>} : vector<32xbf16> -> vector<16xf32>
        %unpack3A_480 = tpu.unpack_subelements %get3A_478, 1 {pack_format = #tpu.pack_format<interleaved>} : vector<32xbf16> -> vector<16xf32>
        %mul3A_481 = arith.mulf %broadcast_in_dim3A_448, %unpack3A_479 : vector<16xf32>
        %add3A_482 = arith.addf %add3A_443, %mul3A_481 : vector<16xf32>
        %mul3A_483 = arith.mulf %broadcast_in_dim3A_448, %unpack3A_480 : vector<16xf32>
        %add3A_484 = arith.addf %add3A_445, %mul3A_483 : vector<16xf32>
        %slice3A_485 = vector.extract_strided_slice %mul3A_222 {offsets = [7], sizes = [1], strides = [1]} : vector<16xf32> to vector<1xf32>
        %squeeze3A_486 = vector.extract %slice3A_485[0] : f32 from vector<1xf32>
        %broadcast_in_dim3A_487 = vector.broadcast %squeeze3A_486 : f32 to vector<16xf32>
        %get3A_488 = arith.index_cast %scan3A_214 : i32 to index
        %get3A_489 = arith.constant 896 : index
        %get3A_490 = tpu.vector_load %arg20[%get3A_488, %get3A_489] {strides = array<i32>} : memref<16x1024xbf16, #tpu.memory_space<vmem>>, vector<32xbf16>,
        %unpack3A_491 = tpu.unpack_subelements %get3A_490, 0 {pack_format = #tpu.pack_format<interleaved>} : vector<32xbf16> -> vector<16xf32>
        %unpack3A_492 = tpu.unpack_subelements %get3A_490, 1 {pack_format = #tpu.pack_format<interleaved>} : vector<32xbf16> -> vector<16xf32>
        %mul3A_493 = arith.mulf %broadcast_in_dim3A_487, %unpack3A_491 : vector<16xf32>
        %add3A_494 = arith.addf %add3A_455, %mul3A_493 : vector<16xf32>
        %mul3A_495 = arith.mulf %broadcast_in_dim3A_487, %unpack3A_492 : vector<16xf32>
        %add3A_496 = arith.addf %add3A_457, %mul3A_495 : vector<16xf32>
        %get3A_497 = arith.index_cast %scan3A_214 : i32 to index
        %get3A_498 = arith.constant 928 : index
        %get3A_499 = tpu.vector_load %arg20[%get3A_497, %get3A_498] {strides = array<i32>} : memref<16x1024xbf16, #tpu.memory_space<vmem>>, vector<32xbf16>,
        %unpack3A_500 = tpu.unpack_subelements %get3A_499, 0 {pack_format = #tpu.pack_format<interleaved>} : vector<32xbf16> -> vector<16xf32>
        %unpack3A_501 = tpu.unpack_subelements %get3A_499, 1 {pack_format = #tpu.pack_format<interleaved>} : vector<32xbf16> -> vector<16xf32>
        %mul3A_502 = arith.mulf %broadcast_in_dim3A_487, %unpack3A_500 : vector<16xf32>
        %add3A_503 = arith.addf %add3A_464, %mul3A_502 : vector<16xf32>
        %mul3A_504 = arith.mulf %broadcast_in_dim3A_487, %unpack3A_501 : vector<16xf32>
        %add3A_505 = arith.addf %add3A_466, %mul3A_504 : vector<16xf32>
        %get3A_506 = arith.index_cast %scan3A_214 : i32 to index
        %get3A_507 = arith.constant 960 : index
        %get3A_508 = tpu.vector_load %arg20[%get3A_506, %get3A_507] {strides = array<i32>} : memref<16x1024xbf16, #tpu.memory_space<vmem>>, vector<32xbf16>,
        %unpack3A_509 = tpu.unpack_subelements %get3A_508, 0 {pack_format = #tpu.pack_format<interleaved>} : vector<32xbf16> -> vector<16xf32>
        %unpack3A_510 = tpu.unpack_subelements %get3A_508, 1 {pack_format = #tpu.pack_format<interleaved>} : vector<32xbf16> -> vector<16xf32>
        %mul3A_511 = arith.mulf %broadcast_in_dim3A_487, %unpack3A_509 : vector<16xf32>
        %add3A_512 = arith.addf %add3A_473, %mul3A_511 : vector<16xf32>
        %mul3A_513 = arith.mulf %broadcast_in_dim3A_487, %unpack3A_510 : vector<16xf32>
        %add3A_514 = arith.addf %add3A_475, %mul3A_513 : vector<16xf32>
        %get3A_515 = arith.index_cast %scan3A_214 : i32 to index
        %get3A_516 = arith.constant 992 : index
        %get3A_517 = tpu.vector_load %arg20[%get3A_515, %get3A_516] {strides = array<i32>} : memref<16x1024xbf16, #tpu.memory_space<vmem>>, vector<32xbf16>,
        %unpack3A_518 = tpu.unpack_subelements %get3A_517, 0 {pack_format = #tpu.pack_format<interleaved>} : vector<32xbf16> -> vector<16xf32>
        %unpack3A_519 = tpu.unpack_subelements %get3A_517, 1 {pack_format = #tpu.pack_format<interleaved>} : vector<32xbf16> -> vector<16xf32>
        %mul3A_520 = arith.mulf %broadcast_in_dim3A_487, %unpack3A_518 : vector<16xf32>
        %add3A_521 = arith.addf %add3A_482, %mul3A_520 : vector<16xf32>
        %mul3A_522 = arith.mulf %broadcast_in_dim3A_487, %unpack3A_519 : vector<16xf32>
        %add3A_523 = arith.addf %add3A_484, %mul3A_522 : vector<16xf32>
        %swap3A_524 = arith.index_cast %scan3A_214 : i32 to index
        %swap3A_525 = arith.constant 0 : index
        %swap3A_526 = tpu.vector_load %arg22[%swap3A_524, %swap3A_525] {strides = array<i32>} : memref<16x128xf32, #tpu.memory_space<vmem>>, vector<16xf32>,
        tpu.vector_store %arg22[%swap3A_524, %swap3A_525], %add3A_494 {strides = array<i32>} : memref<16x128xf32, #tpu.memory_space<vmem>>, vector<16xf32>,
        %swap3A_527 = arith.index_cast %scan3A_214 : i32 to index
        %swap3A_528 = arith.constant 16 : index
        %swap3A_529 = tpu.vector_load %arg22[%swap3A_527, %swap3A_528] {strides = array<i32>} : memref<16x128xf32, #tpu.memory_space<vmem>>, vector<16xf32>,
        tpu.vector_store %arg22[%swap3A_527, %swap3A_528], %add3A_496 {strides = array<i32>} : memref<16x128xf32, #tpu.memory_space<vmem>>, vector<16xf32>,
        %swap3A_530 = arith.index_cast %scan3A_214 : i32 to index
        %swap3A_531 = arith.constant 32 : index
        %swap3A_532 = tpu.vector_load %arg22[%swap3A_530, %swap3A_531] {strides = array<i32>} : memref<16x128xf32, #tpu.memory_space<vmem>>, vector<16xf32>,
        tpu.vector_store %arg22[%swap3A_530, %swap3A_531], %add3A_503 {strides = array<i32>} : memref<16x128xf32, #tpu.memory_space<vmem>>, vector<16xf32>,
        %swap3A_533 = arith.index_cast %scan3A_214 : i32 to index
        %swap3A_534 = arith.constant 48 : index
        %swap3A_535 = tpu.vector_load %arg22[%swap3A_533, %swap3A_534] {strides = array<i32>} : memref<16x128xf32, #tpu.memory_space<vmem>>, vector<16xf32>,
        tpu.vector_store %arg22[%swap3A_533, %swap3A_534], %add3A_505 {strides = array<i32>} : memref<16x128xf32, #tpu.memory_space<vmem>>, vector<16xf32>,
        %swap3A_536 = arith.index_cast %scan3A_214 : i32 to index
        %swap3A_537 = arith.constant 64 : index
        %swap3A_538 = tpu.vector_load %arg22[%swap3A_536, %swap3A_537] {strides = array<i32>} : memref<16x128xf32, #tpu.memory_space<vmem>>, vector<16xf32>,
        tpu.vector_store %arg22[%swap3A_536, %swap3A_537], %add3A_512 {strides = array<i32>} : memref<16x128xf32, #tpu.memory_space<vmem>>, vector<16xf32>,
        %swap3A_539 = arith.index_cast %scan3A_214 : i32 to index
        %swap3A_540 = arith.constant 80 : index
        %swap3A_541 = tpu.vector_load %arg22[%swap3A_539, %swap3A_540] {strides = array<i32>} : memref<16x128xf32, #tpu.memory_space<vmem>>, vector<16xf32>,
        tpu.vector_store %arg22[%swap3A_539, %swap3A_540], %add3A_514 {strides = array<i32>} : memref<16x128xf32, #tpu.memory_space<vmem>>, vector<16xf32>,
        %swap3A_542 = arith.index_cast %scan3A_214 : i32 to index
        %swap3A_543 = arith.constant 96 : index
        %swap3A_544 = tpu.vector_load %arg22[%swap3A_542, %swap3A_543] {strides = array<i32>} : memref<16x128xf32, #tpu.memory_space<vmem>>, vector<16xf32>,
        tpu.vector_store %arg22[%swap3A_542, %swap3A_543], %add3A_521 {strides = array<i32>} : memref<16x128xf32, #tpu.memory_space<vmem>>, vector<16xf32>,
        %swap3A_545 = arith.index_cast %scan3A_214 : i32 to index
        %swap3A_546 = arith.constant 112 : index
        %swap3A_547 = tpu.vector_load %arg22[%swap3A_545, %swap3A_546] {strides = array<i32>} : memref<16x128xf32, #tpu.memory_space<vmem>>, vector<16xf32>,
        tpu.vector_store %arg22[%swap3A_545, %swap3A_546], %add3A_523 {strides = array<i32>} : memref<16x128xf32, #tpu.memory_space<vmem>>, vector<16xf32>,
        %scan3A_548 = arith.constant 0 : i32
        scf.yield %scan3A_548 : i32
      }
      %scan3A_194 = arith.constant 16 : i32
      %get3A_195 = arith.constant 0 : index
      %get3A_196 = tpu.vector_load %arg12[%get3A_195] {strides = array<i32>} : memref<16xi32, #tpu.memory_space<vmem>>, vector<16xi32>,
      %swap3A_197 = arith.constant 0 : index
      %swap3A_198 = tpu.vector_load %arg14[%swap3A_197] {strides = array<i32>} : memref<16xi32, #tpu.memory_space<vmem>>, vector<16xi32>,
      tpu.vector_store %arg14[%swap3A_197], %get3A_196 {strides = array<i32>} : memref<16xi32, #tpu.memory_space<vmem>>, vector<16xi32>,
      %dma_start3A_199 = arith.constant 0 : i32
      %dma_start3A_200 = arith.constant 0 : i32
      %dma_start3A_201 = tpu.memref_slice %arg23[%dma_start3A_199, %dma_start3A_200] : memref<10240x128xf32, #tpu.memory_space<vmem_shared>> -> memref<10240x128xf32, #tpu.memory_space<vmem_shared>>
      tpu.enqueue_indirect_dma source(%arg22 : memref<16x128xf32, #tpu.memory_space<vmem>>) target(%dma_start3A_201 : memref<10240x128xf32, #tpu.memory_space<vmem_shared>>) offsets(%arg14 : memref<16xi32, #tpu.memory_space<vmem>>) semaphore(%arg29 : memref<!tpu.dma_semaphore, #tpu.memory_space<semaphore_mem>>) {add = true}
      %add3A_202 = arith.constant 2 : i32
      %add3A_203 = arith.addi %add3A_147, %add3A_202 : i32
      %min3A_204 = arith.constant 655 : i32
      %min3A_205 = arith.minsi %add3A_203, %min3A_204 : i32
      %add3A_206 = arith.addi %mul3A_4, %min3A_205 : i32
      %mul3A_207 = arith.constant 16 : i32
      %mul3A_208 = arith.muli %add3A_206, %mul3A_207 : i32
      %dma_start3A_209 = tpu.memref_slice %arg2[%mul3A_208] : memref<335872xi32, #tpu.memory_space<hbm>> -> memref<16xi32, #tpu.memory_space<hbm>>
      %dma_start3A_210 = tpu.memref_slice %arg2[%mul3A_208] : memref<335872xi32, #tpu.memory_space<hbm>> -> memref<16xi32, #tpu.memory_space<hbm>>
      tpu.enqueue_dma source(%dma_start3A_210 : memref<16xi32, #tpu.memory_space<hbm>>) target(%arg11 : memref<16xi32, #tpu.memory_space<vmem>>) target_semaphore(%arg27 : memref<!tpu.dma_semaphore, #tpu.memory_space<semaphore_mem>>)
      %dma_start3A_211 = tpu.memref_slice %arg3[%mul3A_208] : memref<335872xi32, #tpu.memory_space<hbm>> -> memref<16xi32, #tpu.memory_space<hbm>>
      %dma_start3A_212 = tpu.memref_slice %arg3[%mul3A_208] : memref<335872xi32, #tpu.memory_space<hbm>> -> memref<16xi32, #tpu.memory_space<hbm>>
      tpu.enqueue_dma source(%dma_start3A_212 : memref<16xi32, #tpu.memory_space<hbm>>) target(%arg12 : memref<16xi32, #tpu.memory_space<vmem>>) target_semaphore(%arg27 : memref<!tpu.dma_semaphore, #tpu.memory_space<semaphore_mem>>)
      %scan3A_213 = arith.constant 0 : i32
      scf.yield %scan3A_213 : i32
    }
    %scan3A_50 = arith.constant 328 : i32
    %dma_wait3A = arith.constant 0 : i32
    %dma_wait3A_51 = arith.constant 0 : i32
    %dma_wait3A_52 = tpu.memref_slice %arg4[%dma_wait3A, %dma_wait3A_51] : memref<335872x16xf32, #tpu.memory_space<hbm>> -> memref<16x16xf32, #tpu.memory_space<hbm>>
    %dma_wait3A_53 = arith.constant 0 : i32
    %dma_wait3A_54 = arith.constant 0 : i32
    %dma_wait3A_55 = tpu.memref_slice %arg4[%dma_wait3A_53, %dma_wait3A_54] : memref<335872x16xf32, #tpu.memory_space<hbm>> -> memref<16x16xf32, #tpu.memory_space<hbm>>
    tpu.wait_dma2 semaphore(%arg24 : memref<!tpu.dma_semaphore, #tpu.memory_space<semaphore_mem>>) src(%dma_wait3A_55 : memref<16x16xf32, #tpu.memory_space<hbm>>) dst(%arg15 : memref<16x16xf32, #tpu.memory_space<vmem>>)
    %dma_wait3A_56 = arith.constant 0 : i32
    %dma_wait3A_57 = arith.constant 0 : i32
    %dma_wait3A_58 = tpu.memref_slice %arg5[%dma_wait3A_56, %dma_wait3A_57] : memref<10240x128xf32, #tpu.memory_space<hbm>> -> memref<10240x128xf32, #tpu.memory_space<hbm>>
    tpu.wait_indirect_dma semaphore(%arg24 : memref<!tpu.dma_semaphore, #tpu.memory_space<semaphore_mem>>) src(%dma_wait3A_58 : memref<10240x128xf32, #tpu.memory_space<hbm>>) dst(%arg17 : memref<16x128xf32, #tpu.memory_space<vmem>>)
    %dma_wait3A_59 = arith.constant 0 : i32
    %dma_wait3A_60 = arith.constant 0 : i32
    %dma_wait3A_61 = tpu.memref_slice %arg6[%dma_wait3A_59, %dma_wait3A_60] : memref<10240x1024xbf16, #tpu.memory_space<hbm>> -> memref<10240x1024xbf16, #tpu.memory_space<hbm>>
    tpu.wait_indirect_dma semaphore(%arg24 : memref<!tpu.dma_semaphore, #tpu.memory_space<semaphore_mem>>) src(%dma_wait3A_61 : memref<10240x1024xbf16, #tpu.memory_space<hbm>>) dst(%arg19 : memref<16x1024xbf16, #tpu.memory_space<vmem>>)
    %dma_wait3A_62 = arith.constant 0 : i32
    %dma_wait3A_63 = tpu.memref_slice %arg2[%dma_wait3A_62] : memref<335872xi32, #tpu.memory_space<hbm>> -> memref<16xi32, #tpu.memory_space<hbm>>
    %dma_wait3A_64 = arith.constant 0 : i32
    %dma_wait3A_65 = tpu.memref_slice %arg2[%dma_wait3A_64] : memref<335872xi32, #tpu.memory_space<hbm>> -> memref<16xi32, #tpu.memory_space<hbm>>
    tpu.wait_dma2 semaphore(%arg27 : memref<!tpu.dma_semaphore, #tpu.memory_space<semaphore_mem>>) src(%dma_wait3A_65 : memref<16xi32, #tpu.memory_space<hbm>>) dst(%arg11 : memref<16xi32, #tpu.memory_space<vmem>>)
    %dma_wait3A_66 = arith.constant 0 : i32
    %dma_wait3A_67 = tpu.memref_slice %arg3[%dma_wait3A_66] : memref<335872xi32, #tpu.memory_space<hbm>> -> memref<16xi32, #tpu.memory_space<hbm>>
    %dma_wait3A_68 = arith.constant 0 : i32
    %dma_wait3A_69 = tpu.memref_slice %arg3[%dma_wait3A_68] : memref<335872xi32, #tpu.memory_space<hbm>> -> memref<16xi32, #tpu.memory_space<hbm>>
    tpu.wait_dma2 semaphore(%arg27 : memref<!tpu.dma_semaphore, #tpu.memory_space<semaphore_mem>>) src(%dma_wait3A_69 : memref<16xi32, #tpu.memory_space<hbm>>) dst(%arg12 : memref<16xi32, #tpu.memory_space<vmem>>)
    %dma_wait3A_70 = arith.constant 0 : i32
    %dma_wait3A_71 = arith.constant 0 : i32
    %dma_wait3A_72 = tpu.memref_slice %arg23[%dma_wait3A_70, %dma_wait3A_71] : memref<10240x128xf32, #tpu.memory_space<vmem_shared>> -> memref<10240x128xf32, #tpu.memory_space<vmem_shared>>
    tpu.wait_indirect_dma semaphore(%arg29 : memref<!tpu.dma_semaphore, #tpu.memory_space<semaphore_mem>>) src(%arg22 : memref<16x128xf32, #tpu.memory_space<vmem>>) dst(%dma_wait3A_72 : memref<10240x128xf32, #tpu.memory_space<vmem_shared>>)
    %barrier3A_73 = arith.constant 0 : index
    tpu.barrier barrier_id(%barrier3A_73)
    "tpu.region"() ({
      %run_scoped3A = tpu.sem_alloc : memref<!tpu.dma_semaphore, #tpu.memory_space<semaphore_mem>>
      %dma_start3A_74 = arith.constant 0 : i32
      %dma_start3A_75 = tpu.memref_slice %arg8[%arg0, %mul3A_2, %dma_start3A_74] : memref<2x10240x128xf32, #tpu.memory_space<hbm>> -> memref<1x640x128xf32, #tpu.memory_space<hbm>>
      %dma_start3A_76 = tpu.memref_squeeze %dma_start3A_75 : memref<1x640x128xf32, #tpu.memory_space<hbm>> -> memref<640x128xf32, #tpu.memory_space<hbm>>
      %dma_start3A_77 = arith.constant 0 : i32
      %dma_start3A_78 = tpu.memref_slice %arg23[%mul3A_2, %dma_start3A_77] : memref<10240x128xf32, #tpu.memory_space<vmem_shared>> -> memref<640x128xf32, #tpu.memory_space<vmem_shared>>
      tpu.enqueue_dma source(%dma_start3A_78 : memref<640x128xf32, #tpu.memory_space<vmem_shared>>) target(%dma_start3A_76 : memref<640x128xf32, #tpu.memory_space<hbm>>) target_semaphore(%run_scoped3A : memref<!tpu.dma_semaphore, #tpu.memory_space<semaphore_mem>>)
      %dma_wait3A_79 = arith.constant 0 : i32
      %dma_wait3A_80 = tpu.memref_slice %arg8[%arg0, %mul3A_2, %dma_wait3A_79] : memref<2x10240x128xf32, #tpu.memory_space<hbm>> -> memref<1x640x128xf32, #tpu.memory_space<hbm>>
      %dma_wait3A_81 = tpu.memref_squeeze %dma_wait3A_80 : memref<1x640x128xf32, #tpu.memory_space<hbm>> -> memref<640x128xf32, #tpu.memory_space<hbm>>
      %dma_wait3A_82 = arith.constant 0 : i32
      %dma_wait3A_83 = tpu.memref_slice %arg23[%mul3A_2, %dma_wait3A_82] : memref<10240x128xf32, #tpu.memory_space<vmem_shared>> -> memref<640x128xf32, #tpu.memory_space<vmem_shared>>
      tpu.wait_dma2 semaphore(%run_scoped3A : memref<!tpu.dma_semaphore, #tpu.memory_space<semaphore_mem>>) src(%dma_wait3A_83 : memref<640x128xf32, #tpu.memory_space<vmem_shared>>) dst(%dma_wait3A_81 : memref<640x128xf32, #tpu.memory_space<hbm>>)
      tpu.yield
    }) : () -> ()
    return
  }
}

module attributes {stable_mosaic.version = 14 : i64} {
  func.func @_p0_body(%arg0: i32, %arg1: memref<512x128xf32, #tpu.memory_space<vmem>>, %arg2: memref<128x1024xf32, #tpu.memory_space<vmem>>, %arg3: memref<1024x128xf32, #tpu.memory_space<vmem>>, %arg4: memref<512x1024xbf16, #tpu.memory_space<vmem>>, %arg5: memref<512x128xf32, #tpu.memory_space<vmem>>) attributes {dimension_semantics = [#tpu.dimension_semantics<arbitrary>], iteration_bounds = array<i64: 20>, scalar_prefetch = 0 : i64, scratch_operands = 0 : i64, tpu.core_type = #tpu.core_type<tc>, window_params = [{transform_indices = @transform_0, window_bounds = array<i64: 512, 128>}, {pipeline_mode = #tpu.pipeline_mode<synchronous>, transform_indices = @transform_1, window_bounds = array<i64: 128, 1024>}, {pipeline_mode = #tpu.pipeline_mode<synchronous>, transform_indices = @transform_2, window_bounds = array<i64: 1024, 128>}, {transform_indices = @transform_3, window_bounds = array<i64: 512, 1024>}, {transform_indices = @transform_4, window_bounds = array<i64: 512, 128>}]} {
    %get3A = arith.constant 0 : index
    %get3A_0 = arith.constant 0 : index
    %get3A_1 = vector.load %arg1[%get3A, %get3A_0] : memref<512x128xf32, #tpu.memory_space<vmem>>, vector<512x128xf32>
    %get3A_2 = arith.constant 0 : index
    %get3A_3 = arith.constant 0 : index
    %get3A_4 = vector.load %arg2[%get3A_2, %get3A_3] : memref<128x1024xf32, #tpu.memory_space<vmem>>, vector<128x1024xf32>
    %dot_general3A = arith.constant dense<0.000000e+00> : vector<512x1024xf32>
    %dot_general3A_5 = tpu.matmul %get3A_1, %get3A_4, %dot_general3A {dimension_numbers = #tpu.dot_dimension_numbers<[1], [0], [0], [1], [0, 0, 1, 1], [], []>, transpose_lhs_hint = false} : vector<512x128xf32>, vector<128x1024xf32>, vector<512x1024xf32> -> vector<512x1024xf32>
    %convert_element_type3A = arith.truncf %dot_general3A_5 : vector<512x1024xf32> to vector<512x1024xbf16>
    %swap3A = arith.constant 0 : index
    %swap3A_6 = arith.constant 0 : index
    %swap3A_7 = vector.load %arg4[%swap3A, %swap3A_6] : memref<512x1024xbf16, #tpu.memory_space<vmem>>, vector<512x1024xbf16>
    tpu.vector_store %arg4[%swap3A, %swap3A_6], %convert_element_type3A {strides = array<i32>} : memref<512x1024xbf16, #tpu.memory_space<vmem>>, vector<512x1024xbf16>,
    %get3A_8 = arith.constant 0 : index
    %get3A_9 = arith.constant 0 : index
    %get3A_10 = vector.load %arg3[%get3A_8, %get3A_9] : memref<1024x128xf32, #tpu.memory_space<vmem>>, vector<1024x128xf32>
    %dot_general3A_11 = arith.constant dense<0.000000e+00> : vector<512x128xf32>
    %dot_general3A_12 = tpu.matmul %dot_general3A_5, %get3A_10, %dot_general3A_11 {dimension_numbers = #tpu.dot_dimension_numbers<[1], [0], [0], [1], [0, 0, 1, 1], [], []>, transpose_lhs_hint = false} : vector<512x1024xf32>, vector<1024x128xf32>, vector<512x128xf32> -> vector<512x128xf32>
    %swap3A_13 = arith.constant 0 : index
    %swap3A_14 = arith.constant 0 : index
    %swap3A_15 = vector.load %arg5[%swap3A_13, %swap3A_14] : memref<512x128xf32, #tpu.memory_space<vmem>>, vector<512x128xf32>
    tpu.vector_store %arg5[%swap3A_13, %swap3A_14], %dot_general3A_12 {strides = array<i32>} : memref<512x128xf32, #tpu.memory_space<vmem>>, vector<512x128xf32>,
    return
  }
  func.func @transform_0(%arg0: i32) -> (i32, i32) {
    %c0_i32 = arith.constant 0 : i32
    %c0_i32_0 = arith.constant 0 : i32
    return %arg0, %c0_i32 : i32, i32
  }
  func.func @transform_1(%arg0: i32) -> (i32, i32) {
    %c0_i32 = arith.constant 0 : i32
    %c0_i32_0 = arith.constant 0 : i32
    %c0_i32_1 = arith.constant 0 : i32
    return %c0_i32, %c0_i32_0 : i32, i32
  }
  func.func @transform_2(%arg0: i32) -> (i32, i32) {
    %c0_i32 = arith.constant 0 : i32
    %c0_i32_0 = arith.constant 0 : i32
    %c0_i32_1 = arith.constant 0 : i32
    return %c0_i32, %c0_i32_0 : i32, i32
  }
  func.func @transform_3(%arg0: i32) -> (i32, i32) {
    %c0_i32 = arith.constant 0 : i32
    %c0_i32_0 = arith.constant 0 : i32
    return %arg0, %c0_i32 : i32, i32
  }
  func.func @transform_4(%arg0: i32) -> (i32, i32) {
    %c0_i32 = arith.constant 0 : i32
    %c0_i32_0 = arith.constant 0 : i32
    return %arg0, %c0_i32 : i32, i32
  }
}

module attributes {stable_mosaic.version = 14 : i64} {
  func.func @_p2_body(%arg0: i32, %arg1: memref<2x1024x16xf32, #tpu.memory_space<vmem>>, %arg2: memref<1024x128xf32, #tpu.memory_space<vmem>>) attributes {dimension_semantics = [#tpu.dimension_semantics<arbitrary>], iteration_bounds = array<i64: 10>, scalar_prefetch = 0 : i64, scratch_operands = 0 : i64, tpu.core_type = #tpu.core_type<tc>, window_params = [{transform_indices = @transform_0, window_bounds = array<i64: 2, 1024, 16>}, {transform_indices = @transform_1, window_bounds = array<i64: 1024, 128>}]} {
    %get3A = arith.constant 0 : index
    %get3A_0 = arith.constant 0 : index
    %get3A_1 = arith.constant 0 : index
    %get3A_2 = vector.load %arg1[%get3A, %get3A_0, %get3A_1] : memref<2x1024x16xf32, #tpu.memory_space<vmem>>, vector<1x1024x16xf32>
    %get3A_3 = vector.shape_cast %get3A_2 : vector<1x1024x16xf32> to vector<1024x16xf32>
    %get3A_4 = arith.constant 1 : index
    %get3A_5 = arith.constant 0 : index
    %get3A_6 = arith.constant 0 : index
    %get3A_7 = vector.load %arg1[%get3A_4, %get3A_5, %get3A_6] : memref<2x1024x16xf32, #tpu.memory_space<vmem>>, vector<1x1024x16xf32>
    %get3A_8 = vector.shape_cast %get3A_7 : vector<1x1024x16xf32> to vector<1024x16xf32>
    %add3A = arith.addf %get3A_3, %get3A_8 : vector<1024x16xf32>
    %add3A_9 = arith.constant 1.000000e-16 : f32
    %add3A_10 = vector.broadcast %add3A_9 : f32 to vector<1024x16xf32>
    %add3A_11 = arith.addf %add3A, %add3A_10 : vector<1024x16xf32>
    %div3A = arith.constant 1.250000e-01 : f32
    %div3A_12 = vector.broadcast %div3A : f32 to vector<1024x16xf32>
    %div3A_13 = arith.divf %div3A_12, %add3A_11 : vector<1024x16xf32>
    %broadcast_in_dim3A = arith.constant 0.000000e+00 : f32
    %broadcast_in_dim3A_14 = vector.broadcast %broadcast_in_dim3A : f32 to vector<1024x112xf32>
    %concatenate3A = tpu.concatenate %div3A_13, %broadcast_in_dim3A_14 in 1 : vector<1024x16xf32>, vector<1024x112xf32> -> vector<1024x128xf32>
    %swap3A = arith.constant 0 : index
    %swap3A_15 = arith.constant 0 : index
    %swap3A_16 = vector.load %arg2[%swap3A, %swap3A_15] : memref<1024x128xf32, #tpu.memory_space<vmem>>, vector<1024x128xf32>
    tpu.vector_store %arg2[%swap3A, %swap3A_15], %concatenate3A {strides = array<i32>} : memref<1024x128xf32, #tpu.memory_space<vmem>>, vector<1024x128xf32>,
    return
  }
  func.func @transform_0(%arg0: i32) -> (i32, i32, i32) {
    %c0_i32 = arith.constant 0 : i32
    %c0_i32_0 = arith.constant 0 : i32
    %c0_i32_1 = arith.constant 0 : i32
    return %c0_i32, %arg0, %c0_i32_0 : i32, i32, i32
  }
  func.func @transform_1(%arg0: i32) -> (i32, i32) {
    %c0_i32 = arith.constant 0 : i32
    %c0_i32_0 = arith.constant 0 : i32
    return %arg0, %c0_i32 : i32, i32
  }
}

module attributes {stable_mosaic.version = 14 : i64} {
  func.func @_p4_body(%arg0: i32, %arg1: memref<1000x128xf32, #tpu.memory_space<vmem>>, %arg2: memref<2x1000x128xf32, #tpu.memory_space<vmem>>, %arg3: memref<128x128xf32, #tpu.memory_space<vmem>>, %arg4: memref<128xf32, #tpu.memory_space<vmem>>, %arg5: memref<128x128xf32, #tpu.memory_space<vmem>>, %arg6: memref<128xf32, #tpu.memory_space<vmem>>, %arg7: memref<128x128xf32, #tpu.memory_space<vmem>>, %arg8: memref<128xf32, #tpu.memory_space<vmem>>, %arg9: memref<128xf32, #tpu.memory_space<vmem>>, %arg10: memref<128xf32, #tpu.memory_space<vmem>>, %arg11: memref<128xf32, #tpu.memory_space<vmem>>, %arg12: memref<128xf32, #tpu.memory_space<vmem>>, %arg13: memref<1000x128xf32, #tpu.memory_space<vmem>>) attributes {dimension_semantics = [#tpu.dimension_semantics<arbitrary>], iteration_bounds = array<i64: 10>, scalar_prefetch = 0 : i64, scratch_operands = 0 : i64, tpu.core_type = #tpu.core_type<tc>, window_params = [{transform_indices = @transform_0, window_bounds = array<i64: 1000, 128>}, {transform_indices = @transform_1, window_bounds = array<i64: 2, 1000, 128>}, {pipeline_mode = #tpu.pipeline_mode<synchronous>, transform_indices = @transform_2, window_bounds = array<i64: 128, 128>}, {pipeline_mode = #tpu.pipeline_mode<synchronous>, transform_indices = @transform_3, window_bounds = array<i64: 128>}, {pipeline_mode = #tpu.pipeline_mode<synchronous>, transform_indices = @transform_4, window_bounds = array<i64: 128, 128>}, {pipeline_mode = #tpu.pipeline_mode<synchronous>, transform_indices = @transform_5, window_bounds = array<i64: 128>}, {pipeline_mode = #tpu.pipeline_mode<synchronous>, transform_indices = @transform_6, window_bounds = array<i64: 128, 128>}, {pipeline_mode = #tpu.pipeline_mode<synchronous>, transform_indices = @transform_7, window_bounds = array<i64: 128>}, {pipeline_mode = #tpu.pipeline_mode<synchronous>, transform_indices = @transform_8, window_bounds = array<i64: 128>}, {pipeline_mode = #tpu.pipeline_mode<synchronous>, transform_indices = @transform_9, window_bounds = array<i64: 128>}, {pipeline_mode = #tpu.pipeline_mode<synchronous>, transform_indices = @transform_10, window_bounds = array<i64: 128>}, {pipeline_mode = #tpu.pipeline_mode<synchronous>, transform_indices = @transform_11, window_bounds = array<i64: 128>}, {transform_indices = @transform_12, window_bounds = array<i64: 1000, 128>}]} {
    %get3A = arith.constant 0 : index
    %get3A_0 = arith.constant 0 : index
    %get3A_1 = arith.constant 0 : index
    %get3A_2 = vector.load %arg2[%get3A, %get3A_0, %get3A_1] : memref<2x1000x128xf32, #tpu.memory_space<vmem>>, vector<1x1000x128xf32>
    %get3A_3 = vector.shape_cast %get3A_2 : vector<1x1000x128xf32> to vector<1000x128xf32>
    %get3A_4 = arith.constant 1 : index
    %get3A_5 = arith.constant 0 : index
    %get3A_6 = arith.constant 0 : index
    %get3A_7 = vector.load %arg2[%get3A_4, %get3A_5, %get3A_6] : memref<2x1000x128xf32, #tpu.memory_space<vmem>>, vector<1x1000x128xf32>
    %get3A_8 = vector.shape_cast %get3A_7 : vector<1x1000x128xf32> to vector<1000x128xf32>
    %add3A = arith.addf %get3A_3, %get3A_8 : vector<1000x128xf32>
    %get3A_9 = arith.constant 0 : index
    %get3A_10 = arith.constant 0 : index
    %get3A_11 = vector.load %arg3[%get3A_9, %get3A_10] : memref<128x128xf32, #tpu.memory_space<vmem>>, vector<128x128xf32>
    %dot_general3A = arith.constant dense<0.000000e+00> : vector<1000x128xf32>
    %dot_general3A_12 = tpu.matmul %add3A, %get3A_11, %dot_general3A {dimension_numbers = #tpu.dot_dimension_numbers<[1], [0], [0], [1], [0, 0, 1, 1], [], []>, transpose_lhs_hint = false} : vector<1000x128xf32>, vector<128x128xf32>, vector<1000x128xf32> -> vector<1000x128xf32>
    %get3A_13 = arith.constant 0 : index
    %get3A_14 = vector.load %arg4[%get3A_13] : memref<128xf32, #tpu.memory_space<vmem>>, vector<128xf32>
    %broadcast_in_dim3A = vector.shape_cast %get3A_14 : vector<128xf32> to vector<1x128xf32>
    %add3A_15 = vector.broadcast %broadcast_in_dim3A : vector<1x128xf32> to vector<1000x128xf32>
    %add3A_16 = arith.addf %dot_general3A_12, %add3A_15 : vector<1000x128xf32>
    %get3A_17 = arith.constant 0 : index
    %get3A_18 = arith.constant 0 : index
    %get3A_19 = vector.load %arg1[%get3A_17, %get3A_18] : memref<1000x128xf32, #tpu.memory_space<vmem>>, vector<1000x128xf32>
    %add3A_20 = arith.addf %add3A_16, %get3A_19 : vector<1000x128xf32>
    %get3A_21 = arith.constant 0 : index
    %get3A_22 = vector.load %arg9[%get3A_21] : memref<128xf32, #tpu.memory_space<vmem>>, vector<128xf32>
    %get3A_23 = arith.constant 0 : index
    %get3A_24 = vector.load %arg10[%get3A_23] : memref<128xf32, #tpu.memory_space<vmem>>, vector<128xf32>
    %reduce_sum3A = arith.constant dense<0.000000e+00> : vector<1000xf32>
    %reduce_sum3A_25 = vector.multi_reduction <add>, %add3A_20, %reduce_sum3A [1] : vector<1000x128xf32> to vector<1000xf32>
    %broadcast_in_dim3A_26 = vector.shape_cast %reduce_sum3A_25 : vector<1000xf32> to vector<1000x1xf32>
    %div3A = arith.constant 1.280000e+02 : f32
    %div3A_27 = vector.broadcast %div3A : f32 to vector<1000x1xf32>
    %div3A_28 = arith.divf %broadcast_in_dim3A_26, %div3A_27 : vector<1000x1xf32>
    %sub3A = vector.broadcast %div3A_28 : vector<1000x1xf32> to vector<1000x128xf32>
    %sub3A_29 = arith.subf %add3A_20, %sub3A : vector<1000x128xf32>
    %mul3A = arith.mulf %sub3A_29, %sub3A_29 : vector<1000x128xf32>
    %reduce_sum3A_30 = arith.constant dense<0.000000e+00> : vector<1000xf32>
    %reduce_sum3A_31 = vector.multi_reduction <add>, %mul3A, %reduce_sum3A_30 [1] : vector<1000x128xf32> to vector<1000xf32>
    %broadcast_in_dim3A_32 = vector.shape_cast %reduce_sum3A_31 : vector<1000xf32> to vector<1000x1xf32>
    %div3A_33 = arith.constant 1.280000e+02 : f32
    %div3A_34 = vector.broadcast %div3A_33 : f32 to vector<1000x1xf32>
    %div3A_35 = arith.divf %broadcast_in_dim3A_32, %div3A_34 : vector<1000x1xf32>
    %add3A_36 = arith.constant 9.99999974E-6 : f32
    %add3A_37 = vector.broadcast %add3A_36 : f32 to vector<1000x1xf32>
    %add3A_38 = arith.addf %div3A_35, %add3A_37 : vector<1000x1xf32>
    %rsqrt3A = math.rsqrt %add3A_38 : vector<1000x1xf32>
    %mul3A_39 = vector.broadcast %rsqrt3A : vector<1000x1xf32> to vector<1000x128xf32>
    %mul3A_40 = arith.mulf %sub3A_29, %mul3A_39 : vector<1000x128xf32>
    %broadcast_in_dim3A_41 = vector.shape_cast %get3A_22 : vector<128xf32> to vector<1x128xf32>
    %mul3A_42 = vector.broadcast %broadcast_in_dim3A_41 : vector<1x128xf32> to vector<1000x128xf32>
    %mul3A_43 = arith.mulf %mul3A_40, %mul3A_42 : vector<1000x128xf32>
    %broadcast_in_dim3A_44 = vector.shape_cast %get3A_24 : vector<128xf32> to vector<1x128xf32>
    %add3A_45 = vector.broadcast %broadcast_in_dim3A_44 : vector<1x128xf32> to vector<1000x128xf32>
    %add3A_46 = arith.addf %mul3A_43, %add3A_45 : vector<1000x128xf32>
    %get3A_47 = arith.constant 0 : index
    %get3A_48 = arith.constant 0 : index
    %get3A_49 = vector.load %arg5[%get3A_47, %get3A_48] : memref<128x128xf32, #tpu.memory_space<vmem>>, vector<128x128xf32>
    %dot_general3A_50 = arith.constant dense<0.000000e+00> : vector<1000x128xf32>
    %dot_general3A_51 = tpu.matmul %add3A_46, %get3A_49, %dot_general3A_50 {dimension_numbers = #tpu.dot_dimension_numbers<[1], [0], [0], [1], [0, 0, 1, 1], [], []>, transpose_lhs_hint = false} : vector<1000x128xf32>, vector<128x128xf32>, vector<1000x128xf32> -> vector<1000x128xf32>
    %get3A_52 = arith.constant 0 : index
    %get3A_53 = vector.load %arg6[%get3A_52] : memref<128xf32, #tpu.memory_space<vmem>>, vector<128xf32>
    %broadcast_in_dim3A_54 = vector.shape_cast %get3A_53 : vector<128xf32> to vector<1x128xf32>
    %add3A_55 = vector.broadcast %broadcast_in_dim3A_54 : vector<1x128xf32> to vector<1000x128xf32>
    %add3A_56 = arith.addf %dot_general3A_51, %add3A_55 : vector<1000x128xf32>
    %max3A = arith.constant 0.000000e+00 : f32
    %max3A_57 = vector.broadcast %max3A : f32 to vector<1000x128xf32>
    %max3A_58 = arith.maximumf %add3A_56, %max3A_57 : vector<1000x128xf32>
    %get3A_59 = arith.constant 0 : index
    %get3A_60 = arith.constant 0 : index
    %get3A_61 = vector.load %arg7[%get3A_59, %get3A_60] : memref<128x128xf32, #tpu.memory_space<vmem>>, vector<128x128xf32>
    %dot_general3A_62 = arith.constant dense<0.000000e+00> : vector<1000x128xf32>
    %dot_general3A_63 = tpu.matmul %max3A_58, %get3A_61, %dot_general3A_62 {dimension_numbers = #tpu.dot_dimension_numbers<[1], [0], [0], [1], [0, 0, 1, 1], [], []>, transpose_lhs_hint = false} : vector<1000x128xf32>, vector<128x128xf32>, vector<1000x128xf32> -> vector<1000x128xf32>
    %get3A_64 = arith.constant 0 : index
    %get3A_65 = vector.load %arg8[%get3A_64] : memref<128xf32, #tpu.memory_space<vmem>>, vector<128xf32>
    %broadcast_in_dim3A_66 = vector.shape_cast %get3A_65 : vector<128xf32> to vector<1x128xf32>
    %add3A_67 = vector.broadcast %broadcast_in_dim3A_66 : vector<1x128xf32> to vector<1000x128xf32>
    %add3A_68 = arith.addf %dot_general3A_63, %add3A_67 : vector<1000x128xf32>
    %add3A_69 = arith.addf %add3A_68, %add3A_46 : vector<1000x128xf32>
    %get3A_70 = arith.constant 0 : index
    %get3A_71 = vector.load %arg11[%get3A_70] : memref<128xf32, #tpu.memory_space<vmem>>, vector<128xf32>
    %get3A_72 = arith.constant 0 : index
    %get3A_73 = vector.load %arg12[%get3A_72] : memref<128xf32, #tpu.memory_space<vmem>>, vector<128xf32>
    %reduce_sum3A_74 = arith.constant dense<0.000000e+00> : vector<1000xf32>
    %reduce_sum3A_75 = vector.multi_reduction <add>, %add3A_69, %reduce_sum3A_74 [1] : vector<1000x128xf32> to vector<1000xf32>
    %broadcast_in_dim3A_76 = vector.shape_cast %reduce_sum3A_75 : vector<1000xf32> to vector<1000x1xf32>
    %div3A_77 = arith.constant 1.280000e+02 : f32
    %div3A_78 = vector.broadcast %div3A_77 : f32 to vector<1000x1xf32>
    %div3A_79 = arith.divf %broadcast_in_dim3A_76, %div3A_78 : vector<1000x1xf32>
    %sub3A_80 = vector.broadcast %div3A_79 : vector<1000x1xf32> to vector<1000x128xf32>
    %sub3A_81 = arith.subf %add3A_69, %sub3A_80 : vector<1000x128xf32>
    %mul3A_82 = arith.mulf %sub3A_81, %sub3A_81 : vector<1000x128xf32>
    %reduce_sum3A_83 = arith.constant dense<0.000000e+00> : vector<1000xf32>
    %reduce_sum3A_84 = vector.multi_reduction <add>, %mul3A_82, %reduce_sum3A_83 [1] : vector<1000x128xf32> to vector<1000xf32>
    %broadcast_in_dim3A_85 = vector.shape_cast %reduce_sum3A_84 : vector<1000xf32> to vector<1000x1xf32>
    %div3A_86 = arith.constant 1.280000e+02 : f32
    %div3A_87 = vector.broadcast %div3A_86 : f32 to vector<1000x1xf32>
    %div3A_88 = arith.divf %broadcast_in_dim3A_85, %div3A_87 : vector<1000x1xf32>
    %add3A_89 = arith.constant 9.99999974E-6 : f32
    %add3A_90 = vector.broadcast %add3A_89 : f32 to vector<1000x1xf32>
    %add3A_91 = arith.addf %div3A_88, %add3A_90 : vector<1000x1xf32>
    %rsqrt3A_92 = math.rsqrt %add3A_91 : vector<1000x1xf32>
    %mul3A_93 = vector.broadcast %rsqrt3A_92 : vector<1000x1xf32> to vector<1000x128xf32>
    %mul3A_94 = arith.mulf %sub3A_81, %mul3A_93 : vector<1000x128xf32>
    %broadcast_in_dim3A_95 = vector.shape_cast %get3A_71 : vector<128xf32> to vector<1x128xf32>
    %mul3A_96 = vector.broadcast %broadcast_in_dim3A_95 : vector<1x128xf32> to vector<1000x128xf32>
    %mul3A_97 = arith.mulf %mul3A_94, %mul3A_96 : vector<1000x128xf32>
    %broadcast_in_dim3A_98 = vector.shape_cast %get3A_73 : vector<128xf32> to vector<1x128xf32>
    %add3A_99 = vector.broadcast %broadcast_in_dim3A_98 : vector<1x128xf32> to vector<1000x128xf32>
    %add3A_100 = arith.addf %mul3A_97, %add3A_99 : vector<1000x128xf32>
    %swap3A = arith.constant 0 : index
    %swap3A_101 = arith.constant 0 : index
    %swap3A_102 = vector.load %arg13[%swap3A, %swap3A_101] : memref<1000x128xf32, #tpu.memory_space<vmem>>, vector<1000x128xf32>
    tpu.vector_store %arg13[%swap3A, %swap3A_101], %add3A_100 {strides = array<i32>} : memref<1000x128xf32, #tpu.memory_space<vmem>>, vector<1000x128xf32>,
    return
  }
  func.func @transform_0(%arg0: i32) -> (i32, i32) {
    %c0_i32 = arith.constant 0 : i32
    %c0_i32_0 = arith.constant 0 : i32
    return %arg0, %c0_i32 : i32, i32
  }
  func.func @transform_1(%arg0: i32) -> (i32, i32, i32) {
    %c0_i32 = arith.constant 0 : i32
    %c0_i32_0 = arith.constant 0 : i32
    %c0_i32_1 = arith.constant 0 : i32
    return %c0_i32, %arg0, %c0_i32_0 : i32, i32, i32
  }
  func.func @transform_2(%arg0: i32) -> (i32, i32) {
    %c0_i32 = arith.constant 0 : i32
    %c0_i32_0 = arith.constant 0 : i32
    %c0_i32_1 = arith.constant 0 : i32
    return %c0_i32, %c0_i32_0 : i32, i32
  }
  func.func @transform_3(%arg0: i32) -> i32 {
    %c0_i32 = arith.constant 0 : i32
    %c0_i32_0 = arith.constant 0 : i32
    return %c0_i32 : i32
  }
  func.func @transform_4(%arg0: i32) -> (i32, i32) {
    %c0_i32 = arith.constant 0 : i32
    %c0_i32_0 = arith.constant 0 : i32
    %c0_i32_1 = arith.constant 0 : i32
    return %c0_i32, %c0_i32_0 : i32, i32
  }
  func.func @transform_5(%arg0: i32) -> i32 {
    %c0_i32 = arith.constant 0 : i32
    %c0_i32_0 = arith.constant 0 : i32
    return %c0_i32 : i32
  }
  func.func @transform_6(%arg0: i32) -> (i32, i32) {
    %c0_i32 = arith.constant 0 : i32
    %c0_i32_0 = arith.constant 0 : i32
    %c0_i32_1 = arith.constant 0 : i32
    return %c0_i32, %c0_i32_0 : i32, i32
  }
  func.func @transform_7(%arg0: i32) -> i32 {
    %c0_i32 = arith.constant 0 : i32
    %c0_i32_0 = arith.constant 0 : i32
    return %c0_i32 : i32
  }
  func.func @transform_8(%arg0: i32) -> i32 {
    %c0_i32 = arith.constant 0 : i32
    %c0_i32_0 = arith.constant 0 : i32
    return %c0_i32 : i32
  }
  func.func @transform_9(%arg0: i32) -> i32 {
    %c0_i32 = arith.constant 0 : i32
    %c0_i32_0 = arith.constant 0 : i32
    return %c0_i32 : i32
  }
  func.func @transform_10(%arg0: i32) -> i32 {
    %c0_i32 = arith.constant 0 : i32
    %c0_i32_0 = arith.constant 0 : i32
    return %c0_i32 : i32
  }
  func.func @transform_11(%arg0: i32) -> i32 {
    %c0_i32 = arith.constant 0 : i32
    %c0_i32_0 = arith.constant 0 : i32
    return %c0_i32 : i32
  }
  func.func @transform_12(%arg0: i32) -> (i32, i32) {
    %c0_i32 = arith.constant 0 : i32
    %c0_i32_0 = arith.constant 0 : i32
    return %arg0, %c0_i32 : i32, i32
  }
}

</mosaic_0001>

<sc_bundles>
// kernel: kernel.10.cloned.1.call-start
scs
__scs_entry_jumppad:
0x0: {  	(pc) =	sbr.rel $0x88, $3  }
0x1: {  	(tag) =	ssettag $0x0;
	lr =	simm.s32 $0x1  }
0x2: {  	[smem:$0x3F93] =	sst lr;
	_ =	strace $0xD0000000  }
0x3: {  	_ = 	snop  }
0x4: {  	_ = 	snop  }
0x5: {  	_ = 	snop  }
0x6: {  	_ = 	snop  }
0x7: {  	_ = 	snop  }
__scs_overlays_trampoline_lowered:
0x8: {  	[smem:$0x3FA2] =	sst s0  }
0x9: {  	[smem:$0x3FA3] =	sst s1  }
0xa: {  	[smem:$0x3FA4] =	sst s2  }
0xb: {  	[smem:$0x3FA5] =	sst s3  }
0xc: {  	[smem:$0x3FA6] =	sst s4  }
0xd: {  	[smem:$0x3FA7] =	sst s5  }
0xe: {  	[smem:$0x3FA8] =	sst s6  }
0xf: {  	[smem:$0x3FA9] =	sst s7  }
0x10: {  	[smem:$0x3FAA] =	sst s8  }
0x11: {  	[smem:$0x3FAB] =	sst s9;
	s0 =	simm.s32 @!p0 $0x0  }
0x12: {  	s1 =	sld [smem:$0x3F91];
	s0 =	simm.s32 @p0 $0x1  }
0x13: {  	[smem:$0x3FAC] =	sst s0;
	s0 =	simm.s32 @!p1 $0x0  }
0x14: {  	s2 =	sld [smem:$0x3F90];
	s0 =	simm.s32 @p1 $0x1  }
0x15: {  	[smem:$0x3FAD] =	sst s0;
	s0 =	simm.s32 @!p2 $0x0  }
0x16: {  	s3 =	sld [smem:$0x3FDB];
	s0 =	simm.s32 @p2 $0x1  }
0x17: {  	s4 =	simm.s32 $0x1BF5;
	[smem:$0x3FAF] =	sst s0  }
0x18: {  	s0 =	sld [smem:$0x3F92];
	_ =	swait.ge [sflag:s4], $0x0  }
0x19: {  	s7 =	sld [smem:$0x3F93]  }
0x1a: {  	s8 =	sadd.s32 $0xFFFFE003, lr  }
0x1b: {  	s9 =	sadd.s32 $0xFFFFFEF7, lr;
	s5 =	simm.s32 $0xFFFFFFFF;
	p2 =	slt.u32 s8, $0xFFFFF086  }
0x1c: {  	p1 =	slt.u32 s9, $0xF7A;
	s5 =	simm.s32 @!p2 $0x0  }
0x1d: {  	s5 =	simm.s32 @p1 $0x1;
	p0 =	seq.s32 s7, s2  }
0x1e: {  	s7 =	smul.u32 @!p0 $0xF7A, s2;
	p2 =	seq.s32 @!p0 s5, $0x0  }
0x1f: {  	s9 =	smul.u32 $0xF7A, s1;
	s8 =	simm.s32 @!p0 $0x1BF5;
	p2 =	por !p2, p0  }
0x20: {  	[sflag:s8] =	ssyncset.s32 @!p0 $0xFFFFF086;
	s6 =	sadd.s32 @!p0 s3, s7;
	s7 =	simm.s32 @!p0 $0x108  }
0x21: {  	s3 =	sadd.s32 s3, s9;
	s6 =	sadd.s32 @!p0 $0x88, s6;
	s7 =	simm.s32 @p2 $0x1082  }
0x22: {  	[simem:s7], [sflag:s8] =	dma.local @!p0 [hbm:s6], $0xF7A  }
0x23: {  	s9 =	sor.u32 $0xD0000000, s2;
	s6 =	simm.s32 $0x108;
	_ =	swait.ge @!p0 [sflag:s8], $0x0  }
0x24: {  	s3 =	sadd.s32 $0x88, s3;
	s6 =	simm.s32 @!p1 $0x1082;
	[sflag:s4] =	ssyncset.s32 $0xFFFFF086  }
0x25: {  	[simem:s6], [sflag:s4] =	dma.local [hbm:s3], $0xF7A  }
0x26: {  	[smem:$0x3F93] =	sst s1;
	(tag) =	ssettag s2;
	_ =	strace s9  }
0x27: {  	s1 =	sld [smem:$0x3FA3]  }
0x28: {  	s2 =	sld [smem:$0x3FA4]  }
0x29: {  	s4 =	sld [smem:$0x3FA6]  }
0x2a: {  	p0 =	seq.s32 s5, $0x0;
	s5 =	sld [smem:$0x3FA7]  }
0x2b: {  	s6 =	sld [smem:$0x3FA8]  }
0x2c: {  	s7 =	sld [smem:$0x3FA9]  }
0x2d: {  	s3 =	simm.s32 $0x108;
	s8 =	sld [smem:$0x3FAA]  }
0x2e: {  	s3 =	simm.s32 @!p0 $0x1082;
	s9 =	sld [smem:$0x3FAB]  }
0x2f: {  	lr =	sadd.s32 s0, s3;
	s0 =	sld [smem:$0x3FA2]  }
0x30: {  	s3 =	sld [smem:$0x3FA5]  }
0x31: {  	[smem:$0x3FAE] =	sst s10  }
0x32: {  	s10 =	sld [smem:$0x3FAC];
	_ =	sdelay $0x3  }
0x33: {  	p0 =	seq.s32 s10, $0x1;
	s10 =	sld [smem:$0x3FAE];
	_ =	sdelay $0x3  }
0x34: {  	[smem:$0x3FAE] =	sst s10  }
0x35: {  	s10 =	sld [smem:$0x3FAD];
	_ =	sdelay $0x3  }
0x36: {  	p1 =	seq.s32 s10, $0x1;
	s10 =	sld [smem:$0x3FAE];
	_ =	sdelay $0x3  }
0x37: {  	[smem:$0x3FAE] =	sst s10  }
0x38: {  	s10 =	sld [smem:$0x3FAF]  }
0x39: {  	_ = 	snop;
	(pc) =	sbr.ind lr, $3  }
0x3a: {  	_ = 	snop  }
0x3b: {  	_ = 	snop  }
0x3c: {  	p2 =	seq.s32 s10, $0x1;
	s10 =	sld [smem:$0x3FAE]  }
0x3d: {  	_ =	shalt  }
0x3e: {  	_ =	shalt  }
0x3f: {  	_ =	shalt  }
0x40: {  	_ =	shalt  }
0x41: {  	_ =	shalt  }
0x42: {  	_ =	shalt  }
0x43: {  	_ =	shalt  }
0x44: {  	_ =	shalt  }
0x45: {  	_ =	shalt  }
0x46: {  	_ =	shalt  }
0x47: {  	_ =	shalt  }
0x48: {  	_ =	shalt  }
0x49: {  	_ =	shalt  }
0x4a: {  	_ =	shalt  }
0x4b: {  	_ =	shalt  }
0x4c: {  	_ =	shalt  }
0x4d: {  	_ =	shalt  }
0x4e: {  	_ =	shalt  }
0x4f: {  	_ =	shalt  }
0x50: {  	_ =	shalt  }
0x51: {  	_ =	shalt  }
0x52: {  	_ =	shalt  }
0x53: {  	_ =	shalt  }
0x54: {  	_ =	shalt  }
0x55: {  	_ =	shalt  }
0x56: {  	_ =	shalt  }
0x57: {  	_ =	shalt  }
0x58: {  	_ =	shalt  }
0x59: {  	_ =	shalt  }
0x5a: {  	_ =	shalt  }
0x5b: {  	_ =	shalt  }
0x5c: {  	_ =	shalt  }
0x5d: {  	_ =	shalt  }
0x5e: {  	_ =	shalt  }
0x5f: {  	_ =	shalt  }
0x60: {  	_ =	shalt  }
0x61: {  	_ =	shalt  }
0x62: {  	_ =	shalt  }
0x63: {  	_ =	shalt  }
0x64: {  	_ =	shalt  }
0x65: {  	_ =	shalt  }
0x66: {  	_ =	shalt  }
0x67: {  	_ =	shalt  }
0x68: {  	_ =	shalt  }
0x69: {  	_ =	shalt  }
0x6a: {  	_ =	shalt  }
0x6b: {  	_ =	shalt  }
0x6c: {  	_ =	shalt  }
0x6d: {  	_ =	shalt  }
0x6e: {  	_ =	shalt  }
0x6f: {  	_ =	shalt  }
0x70: {  	_ =	shalt  }
0x71: {  	_ =	shalt  }
0x72: {  	_ =	shalt  }
0x73: {  	_ =	shalt  }
0x74: {  	_ =	shalt  }
0x75: {  	_ =	shalt  }
0x76: {  	_ =	shalt  }
0x77: {  	_ =	shalt  }
0x78: {  	_ =	shalt  }
0x79: {  	_ =	shalt  }
0x7a: {  	_ =	shalt  }
0x7b: {  	_ =	shalt  }
0x7c: {  	_ =	shalt  }
0x7d: {  	_ =	shalt  }
0x7e: {  	_ =	shalt  }
0x7f: {  	_ =	shalt  }
0x80: {  	_ =	shalt  }
0x81: {  	_ =	shalt  }
0x82: {  	_ =	shalt  }
0x83: {  	_ =	shalt  }
0x84: {  	_ =	shalt  }
0x85: {  	_ =	shalt  }
0x86: {  	_ =	shalt  }
0x87: {  	_ =	shalt  }
.Lfunc_end0:
.L_simem_size_0:
called_computation.1_lowered:
.L_overlay_start_0:
0x88: {  	s2 =	sld [smem:$0x3FD9]  }
0x89: {  	s3 =	sld [smem:$0x3FFE];
	_ =	sdelay $0x1  }
0x8a: {  	s1 =	srdreg.scid  }
0x8b: {  	s0 =	sand.u32 $0x1, s1  }
0x8c: {  	s17 =	sshll.u32 s0, $0xA;
	s2 =	sadd.s32 s3, s2  }
0x8d: {  	s2 =	sadd.s32 s2, s17  }
0x8e: {  	[smem:$0x3FBA] =	sst s2  }
0x8f: {  	_ = 	snop  }
0x90: {  	s2 =	sld [smem:$0x3FD0];
	(tm) =	ssettm $0x1  }
0x91: {  	s18 =	sld [smem:$0x3FFB];
	_ =	sdelay $0x3  }
0x92: {  	_ =	strace s18  }
0x93: {  	s3 =	sld [smem:$0x3FFC];
	_ =	sdelay $0x3  }
0x94: {  	_ =	strace s3  }
0x95: {  	s3 =	sld [smem:$0x3FFD];
	_ =	sdelay $0x3  }
0x96: {  	_ =	strace s3  }
0x97: {  	_ =	strace $0x8FFFFFFF  }
0x98: {  	s19 =	sld [smem:$0x3FDB];
	_ =	sdelay $0x1  }
0x99: {  	s4 =	simm.s32 $_scs_section_size  }
0x9a: {  	s5 =	simm.s32 $_size__tile_overlayer_lowered;
	s6 =	simm.s32 $_tile_overlayer_lowered  }
0x9b: {  	s22 =	simm.s32 $0x1BFF;
	s21 =	sshll.u32 s6, $0x1;
	s3 =	sadd.s32 s4, s19  }
0x9c: {  	s7 =	simm.s32 $0x0;
	s20 =	sshll.u32 s5, $0x1;
	s5 =	sadd.s32 s21, s3  }
0x9d: {  	[timem:s7], [sflag:s22] =	dma.local [hbm:s5], s20  }
0x9e: {  	_ =	swait.ge [sflag:s22], s20  }
0x9f: {  	s4 =	ssub.s32 $0x0, s20;
	[sflag:s22] =	ssyncset.done $0x0  }
0xa0: {  	[sflag:s22] =	ssyncadd.s32 s4;
	_ =	sdelay $0x1  }
0xa1: {  	s23 =	simm.s32 $0x1B8B  }
0xa2: {  	_ =	swait.ge [sflag:s23], $0x1  }
0xa3: {  	[sflag:s23] =	ssyncset.done $0x0  }
0xa4: {  	s25 =	simm.s32 $0x1B8E;
	s24 =	sld [smem:$0x3FFE];
	[sflag:s23] =	ssyncadd.s32 $0xFFFFFFFF  }
0xa5: {  	s26 =	simm.s32 $execute0_lowered;
	[smem:$0x3FD2] =	sst s25  }
0xa6: {  	s5 =	sshll.u32 s26, $0x1;
	_ =	strace $0x80000049;
	[dreg:$0x1] =	wrdreg $0xFFFFFFFF  }
0xa7: {  	s28 =	simm.s32 $_size_execute0_lowered;
	s3 =	sadd.s32 s3, s5;
	[dreg:$0x0] =	wrdreg $0x0  }
0xa8: {  	s5 =	sshll.u32 s28, $0x1;
	[dreg:$0x2] =	wrdreg s3  }
0xa9: {  	[dreg:$0x3] =	wrdreg s5  }
0xaa: {  	[dreg:$0x4] =	wrdreg $0xC0  }
0xab: {  	_ =	task [dreg:s7], $0x5FFFF  }
0xac: {  	[dreg:$0x1] =	wrdreg $0xFFFFFFFF  }
0xad: {  	[dreg:$0x0] =	wrdreg $0x60  }
0xae: {  	[dreg:$0x2] =	wrdreg s2  }
0xaf: {  	[dreg:$0x3] =	wrdreg s24  }
0xb0: {  	[dreg:$0x4] =	wrdreg $0x62600  }
0xb1: {  	[dreg:$0x5] =	wrdreg $0x9  }
0xb2: {  	_ =	task.clear_ibuf [dreg:s7], $0x6FFFF;
	_ =	strace $0x90000049  }
0xb3: {  	s29 =	simm.s32 $0x9;
	_ =	strace $0x8000004B  }
0xb4: {  	_ =	swait.ge [sflag:s29], $0x1  }
0xb5: {  	[sflag:s29] =	ssyncadd.s32 $0xFFFFFFFF  }
0xb6: {  	_ =	strace $0x9000004B  }
0xb7: {  	_ =	sfence  }
0xb8: {  	s30 =	sld [smem:$0x0];
	_ =	sdelay $0x2  }
0xb9: {  	s31 =	sshll.u32 s1, $0xD;
	s1 =	sshrl.u32 s1, $0x2  }
0xba: {  	s3 =	sand.u32 $0x4000, s31;
	s1 =	sadd.s32 s1, s30  }
0xbb: {  	s0 =	sor.u32 s3, s0;
	s1 =	sshll.u32 s1, $0x11  }
0xbc: {  	s0 =	sor.u32 s1, s0  }
0xbd: {  	s0 =	sadd.s32 $0x8F2B, s0  }
0xbe: {  	[sflag:s0] =	ssyncadd.remote.s32 $0x1  }
0xbf: {  	_ =	sfence.sel $0xFFFF  }
0xc0: {  	[dreg:$0x0] =	wrdreg $0xFFFFFFFF;
	(pc) =	sbr.abs _section_cstart, $3  }
0xc1: {  	[dreg:$0x1] =	wrdreg $0xFFFFFFFF  }
0xc2: {  	_ =	task.clear_ibuf [dreg:s7], $0x2FFFF;
	_ =	strace $0x9FFFFFFF  }
0xc3: {  	(tm) =	ssettm $0x7FFFFFFF  }
tec
execute0_lowered:
.L_overlay_start_1:
0x0: {  	(tag) =	ssettag $0x1  }
0x1: {  	s1 =	rddreg [dreg:$0x0]  }
0x2: {  	s0 =	rddreg [dreg:$0x1]  }
0x3: {  	s3 =	rddreg [dreg:$0x2]  }
0x4: {  	s4 =	simm.s32 $0x0;
	s2 =	srdreg.scid;
	s13 =	stileid.u32  }
0x5: {  	s28 =	simm.s32 $0x20;
	s29 =	simm.s32 $0x30;
	s30 =	simm.s32 $0x50  }
0x6: {  	s31 =	simm.s32 $0x5A60;
	s15 =	simm.s32 $0x0;
	[smem:$0x7FF] =	sst s4  }
0x7: {  	s2 =	sand.u32 $0x1, s2;
	s9 =	smul.u32 $0x14000, s13;
	s5 =	sadd.s32 $0x2400, s0  }
0x8: {  	s6 =	sadd.s32 $0xDE800, s0;
	s7 =	sadd.s32 $0xC800, s0;
	s8 =	sadd.s32 $0x182800, s0  }
0x9: {  	s11 =	sadd.s32 $0x34800, s0;
	s17 =	sshll.u32 s13, $0x1;
	s19 =	sshll.u32 s13, $0x6  }
0xa: {  	s10 =	smul.u32 $0x140000, s2;
	s12 =	ssub.s32 $0x2, s2;
	s2 =	sor.u32 s2, s17  }
0xb: {  	_ =	strace $0x8000004A;
	[dreg:$0x4] =	wrdreg s11;
	s11 =	smul.u32 $0x290, s2  }
0xc: {  	s13 =	simm.s32 $0x6;
	s14 =	sor.u32 $0x1C07, s19;
	s20 =	smul.u32 $0x520, s2  }
0xd: {  	s19 =	simm.s32 $0x3;
	s18 =	sshrl.u32 s12, $0x1;
	s2 =	smul.u32 $0x5200, s2  }
0xe: {  	[dreg:$0x5] =	wrdreg s14;
	s10 =	sadd.s32 s9, s10;
	s9 =	sadd.s32 s9, s3  }
0xf: {  	s10 =	sshrl.u32 s10, $0x3;
	s21 =	sadd.s32 s1, s20;
	s22 =	sadd.s32 s5, s20  }
0x10: {  	s23 =	sor.u32 $0x2, s20;
	s2 =	sadd.s32 s6, s2;
	s16 =	sor.u32 $0x1, s11  }
0x11: {  	s17 =	sor.u32 $0x2, s11;
	s9 =	sshrl.u32 s9, $0x3;
	[dreg:$0x6] =	wrdreg s21  }
0x12: {  	s20 =	simm.s32 $0x2;
	s0 =	sadd.s32 s10, s0;
	[dreg:$0x7] =	wrdreg s22  }
0x13: {  	s10 =	ssub.s32 s12, s18;
	[dreg:$0x8] =	wrdreg s2;
	s24 =	sadd.s32 s1, s23  }
0x14: {  	s25 =	sadd.s32 s5, s23;
	s18 =	sor.u32 $0x3, s11;
	[dreg:$0xd] =	wrdreg s9  }
0x15: {  	s11 =	simm.s32 $0x7;
	s23 =	simm.s32 $0x10;
	[dreg:$0x9] =	wrdreg s24  }
0x16: {  	s12 =	simm.s32 $0x1;
	s22 =	simm.s32 $0x0;
	[dreg:$0xa] =	wrdreg s25  }
0x17: {  	s0 =	sadd.s32 $0x37000, s0;
	s26 =	smax.u32 s10, $0x1;
	s24 =	simm.s32 $0x60  }
0x18: {  	s25 =	simm.s32 $0x260;
	s10 =	simm.s32 $0x5;
	[dreg:$0xb] =	wrdreg s0  }
0x19: {  	v0 =	vimm.f32 $0.0e+00;
	v1 =	vimm.s32 $0x0;
	[dreg:$0xc] =	wrdreg s26;
	s26 =	simm.s32 $0x1260;
	s0 =	simm.s32 $0x4  }
.LBB2_1:
0x1a: {  	[dreg:$0xe] =	wrdreg s15  }
0x1b: {  	s2 =	rddreg [dreg:$0x4]  }
0x1c: {  	[spmem:s9], [sflag:s14] =	dma.local [hbm:s2], $0x2800  }
0x1d: {  	_ =	swait.ge [sflag:s11], $0x2800  }
0x1e: {  	[sflag:s11] =	ssyncset.done $0x0  }
0x1f: {  	[sflag:s11] =	ssyncadd.s32 $0xFFFFD800  }
0x20: {  	[bflag:$0x0] =	sbarrier.arrive $0xFFFF  }
0x21: {  	s21 =	rddreg [dreg:$0x6]  }
0x22: {  	[tilespmem:s4], [sflag:$0x7] =	stream.linear.gather [hbm4b:s21+s4], $0x10, $0x38;
	[tilespmem:$0x1A260] =	vst v63  }
0x23: {  	_ =	swait.ge [sflag:s11], $0x10  }
0x24: {  	[sflag:s11] =	ssyncset.done $0x0  }
0x25: {  	s9 =	rddreg [dreg:$0x7];
	[sflag:s11] =	ssyncadd.s32 $0xFFFFFFF0  }
0x26: {  	[tilespmem:s23], [sflag:$0x7] =	stream.linear.gather [hbm4b:s9+s4], $0x10, $0x38;
	[tilespmem:$0x1A260] =	vst v63  }
0x27: {  	_ =	swait.ge [sflag:s11], $0x10  }
0x28: {  	[sflag:s11] =	ssyncset.done $0x0  }
0x29: {  	s14 =	rddreg [dreg:$0x8];
	[sflag:s11] =	ssyncadd.s32 $0xFFFFFFF0  }
0x2a: {  	[tilespmem:s24], [sflag:$0x1] =	stream.linear.gather [hbm4b:s14+s4], $0x100, $0x38;
	[tilespmem:$0x1A260] =	vst v63  }
0x2b: {  	_ = 	snop  }
0x2c: {  	[tilespmem:s25], [sflag:$0x1] =	stream.indirect.gather [hbm4b:s7+s23], $0x80, s23, s23, $0xb8;
	[tilespmem:$0x1A260] =	vst v63  }
0x2d: {  	_ = 	snop  }
0x2e: {  	[tilespmem:s26], [sflag:$0x1] =	stream.indirect.gather [hbm4b:s8+s23], $0x200, s4, s23, $0xb8;
	[tilespmem:$0x1A260] =	vst v63  }
0x2f: {  	s15 =	rddreg [dreg:$0x9]  }
0x30: {  	[tilespmem:s28], [sflag:$0x4] =	stream.linear.gather [hbm4b:s15+s4], $0x10, $0x38;
	[tilespmem:$0x1A260] =	vst v63  }
0x31: {  	s2 =	simm.s32 $0x0;
	s9 =	simm.s32 $0x200;
	s21 =	rddreg [dreg:$0xa]  }
0x32: {  	[tilespmem:s29], [sflag:$0x4] =	stream.linear.gather [hbm4b:s21+s4], $0x10, $0x38;
	[tilespmem:$0x1A260] =	vst v63  }
.LBB2_2:
0x33: {  	p0 =	sne.s32 s9, $0x1E00;
	[tilespmem:s2+$0x5AD0] =	vst v0  }
0x34: {  	[tilespmem:s2+$0x5A60] =	vst v0  }
0x35: {  	[tilespmem:s2+$0x5A70] =	vst v0  }
.Ltmp0:
0x36: {  	[tilespmem:s2+$0x5A80] =	vst v0;
	(pc) =	sbr.rel @p0 .LBB2_2-.Ltmp0, $4  }
0x37: {  	[tilespmem:s2+$0x5A90] =	vst v0  }
0x38: {  	[tilespmem:s2+$0x5AA0] =	vst v0  }
0x39: {  	[tilespmem:s2+$0x5AB0] =	vst v0  }
0x3a: {  	[tilespmem:s2+$0x5AC0] =	vst v0;
	s2 =	sshra.s32 s9, $0x2;
	s9 =	sadd.s32 $0x200, s9  }
0x3b: {  	[tilespmem:s2+$0x5AD0] =	vst v0  }
0x3c: {  	[tilespmem:s2+$0x5A60] =	vst v0  }
0x3d: {  	[tilespmem:s2+$0x5A70] =	vst v0  }
0x3e: {  	[tilespmem:s2+$0x5A80] =	vst v0  }
0x3f: {  	[tilespmem:s2+$0x5A90] =	vst v0  }
0x40: {  	[tilespmem:s2+$0x5AA0] =	vst v0  }
0x41: {  	[tilespmem:s2+$0x5AB0] =	vst v0  }
0x42: {  	[tilespmem:s2+$0x5AC0] =	vst v0  }
0x43: {  	s21 =	simm.s32 $0x0;
	[tilespmem:$0x50] =	vst v1  }
0x44: {  	[spmem:s3] =	stream.indirect.scatter.add.f32 [tilespmem:s31], [sflag:$0x6], $0x80, s30, s23, $0xb8;
	[tilespmem:$0x1A260] =	vst v63  }
.LBB2_4:
0x45: {  	_ =	swait.ge [sflag:s0], $0x10  }
0x46: {  	s2 =	sshll.u32 s21, $0x1;
	[sflag:s0] =	ssyncset.done $0x0  }
0x47: {  	s9 =	sadd.s32 s2, s16;
	[sflag:s0] =	ssyncadd.s32 $0xFFFFFFF0  }
0x48: {  	s9 =	sshll.u32 s9, $0x5;
	_ =	swait.ge [sflag:s0], $0x10  }
0x49: {  	s9 =	sand.u32 $0x1FFFFFE0, s9;
	[sflag:s0] =	ssyncset.done $0x0  }
0x4a: {  	s11 =	simm.s32 $0x160;
	s9 =	sadd.s32 s6, s9;
	[sflag:s0] =	ssyncadd.s32 $0xFFFFFFF0  }
0x4b: {  	[tilespmem:s11], [sflag:$0x2] =	stream.linear.gather [hbm4b:s9+s22], $0x100, $0x38;
	[tilespmem:$0x1A260] =	vst v63  }
0x4c: {  	s14 =	simm.s32 $0xA60  }
0x4d: {  	[tilespmem:s14], [sflag:$0x2] =	stream.indirect.gather [hbm4b:s7+s23], $0x80, s29, s23, $0xb8;
	[tilespmem:$0x1A260] =	vst v63  }
0x4e: {  	s15 =	simm.s32 $0x3260  }
0x4f: {  	[tilespmem:s15], [sflag:$0x2] =	stream.indirect.gather [hbm4b:s8+s23], $0x200, s28, s23, $0xb8;
	[tilespmem:$0x1A260] =	vst v63  }
0x50: {  	_ =	swait.ge [sflag:s12], $0x100  }
0x51: {  	[sflag:s12] =	ssyncset.done $0x0  }
0x52: {  	[sflag:s12] =	ssyncadd.s32 $0xFFFFFF00  }
0x53: {  	_ =	swait.ge [sflag:s12], $0x800  }
0x54: {  	[sflag:s12] =	ssyncset.done $0x0  }
0x55: {  	[sflag:s12] =	ssyncadd.s32 $0xFFFFF800  }
0x56: {  	_ =	swait.ge [sflag:s12], $0x2000  }
0x57: {  	[sflag:s12] =	ssyncset.done $0x0  }
0x58: {  	[sflag:s12] =	ssyncadd.s32 $0xFFFFE000  }
0x59: {  	_ =	swait.ge [sflag:s13], $0x800  }
0x5a: {  	s9 =	simm.s32 $0x1360;
	[sflag:s13] =	ssyncset.done $0x0  }
0x5b: {  	s11 =	simm.s32 $0x60;
	s14 =	simm.s32 $0x0;
	[sflag:s13] =	ssyncadd.s32 $0xFFFFF800  }
.LBB2_5:
0x5c: {  	v2 =	vld [tilespmem:s11+$0x0]  }
0x5d: {  	v4 =	vld [tilespmem:s9+$0xFFFFFF00]  }
0x5e: {  	v5 =	vld [tilespmem:s9+$0xFFFFFF10]  }
0x5f: {  	v8 =	vld [tilespmem:s9+$0xFFFFFF30]  }
0x60: {  	v10 =	vld [tilespmem:s9+$0xFFFFFF40]  }
0x61: {  	v11 =	vld [tilespmem:s9+$0xFFFFFF50]  }
0x62: {  	v15 =	vld [tilespmem:s9+$0xFFFFFF60]  }
0x63: {  	v17 =	vld [tilespmem:s9+$0xFFFFFF70]  }
0x64: {  	v63 =	vld [tilespmem:s9+$0xFFFFFF80]  }
0x65: {  	s15 =	sshra.s32 s14, $0x2;
	v22 =	vld [tilespmem:s9+$0xFFFFFF90]  }
0x66: {  	v3 =	vld [tilespmem:s15+$0x260];
	v7 =	vunpack.i.l.bf16.f32 v4;
	v4 =	vunpack.i.u.bf16.f32 v4  }
0x67: {  	v19 =	vld [tilespmem:s9+$0xFFFFFFA0];
	v9 =	vunpack.i.l.bf16.f32 v5;
	v5 =	vunpack.i.u.bf16.f32 v5;
	v13 =	vunpack.i.u.bf16.f32 v8  }
0x68: {  	v28 =	vld [tilespmem:s9+$0xFFFFFFB0];
	v8 =	vunpack.i.l.bf16.f32 v8;
	v16 =	vunpack.i.u.bf16.f32 v10;
	v10 =	vunpack.i.l.bf16.f32 v10  }
0x69: {  	v31 =	vld [tilespmem:s9+$0xFFFFFFC0];
	v18 =	vunpack.i.l.bf16.f32 v11;
	v61 =	vunpack.i.u.bf16.f32 v11;
	v62 =	vunpack.i.l.bf16.f32 v15  }
0x6a: {  	v35 =	vld [tilespmem:s9+$0xFFFFFFD0];
	v15 =	vunpack.i.u.bf16.f32 v15;
	v21 =	vunpack.i.l.bf16.f32 v17;
	v17 =	vunpack.i.u.bf16.f32 v17  }
0x6b: {  	v26 =	vunpack.i.u.bf16.f32 v63;
	v27 =	vunpack.i.l.bf16.f32 v22;
	v2 =	vmul.f32 v3, v2  }
0x6c: {  	v29 =	vunpack.i.u.bf16.f32 v22;
	v30 =	vunpack.i.l.bf16.f32 v19;
	v34 =	vunpack.i.u.bf16.f32 v19  }
0x6d: {  	v39 =	vld [tilespmem:s9+$0xFFFFFFE0];
	v36 =	vunpack.i.l.bf16.f32 v28;
	v6 =	vbroadcast v2, $0x0;
	v14 =	vbroadcast v2, $0x1  }
0x6e: {  	v38 =	vunpack.i.l.bf16.f32 v31;
	v25 =	vbroadcast v2, $0x2;
	v37 =	vbroadcast v2, $0x3  }
0x6f: {  	v41 =	vld [tilespmem:s9+$0xFFFFFFF0];
	v43 =	vunpack.i.l.bf16.f32 v35;
	v51 =	vbroadcast v2, $0x4;
	v22 =	vbroadcast v2, $0x5  }
0x70: {  	v44 =	vunpack.i.u.bf16.f32 v35;
	v35 =	vbroadcast v2, $0x6;
	v2 =	vbroadcast v2, $0x7  }
0x71: {  	v45 =	vld [tilespmem:s9+$0x0];
	v40 =	vunpack.i.u.bf16.f32 v31;
	v7 =	vmul.f32 v7, v6;
	v4 =	vmul.f32 v4, v6  }
0x72: {  	v49 =	vld [tilespmem:s9+$0x10];
	v46 =	vunpack.i.u.bf16.f32 v39;
	v9 =	vmul.f32 v9, v6;
	v5 =	vmul.f32 v5, v6  }
0x73: {  	v47 =	vunpack.i.l.bf16.f32 v39;
	v8 =	vmul.f32 v8, v6;
	v10 =	vmul.f32 v10, v14  }
0x74: {  	v48 =	vunpack.i.l.bf16.f32 v41;
	v3 =	vld [tilespmem:s9+$0xFFFFFF20];
	v16 =	vmul.f32 v16, v14;
	v60 =	vmul.f32 v18, v14  }
0x75: {  	v55 =	vld [tilespmem:s9+$0x30];
	v52 =	vunpack.i.u.bf16.f32 v41;
	v11 =	vmul.f32 v62, v14;
	v15 =	vmul.f32 v15, v14  }
0x76: {  	v53 =	vunpack.i.l.bf16.f32 v45;
	v23 =	vmul.f32 v17, v14;
	v32 =	vmul.f32 v29, v25  }
0x77: {  	v56 =	vunpack.i.u.bf16.f32 v49;
	v33 =	vmul.f32 v30, v25;
	v17 =	vmul.f32 v38, v37  }
0x78: {  	v54 =	vld [tilespmem:s9+$0x20];
	v57 =	vunpack.i.l.bf16.f32 v49;
	v42 =	vmul.f32 v40, v37;
	v50 =	vmul.f32 v48, v37  }
0x79: {  	v58 =	vmul.f32 v57, v51;
	v12 =	vunpack.i.u.bf16.f32 v3;
	v3 =	vunpack.i.l.bf16.f32 v3  }
0x7a: {  	v62 =	vunpack.i.l.bf16.f32 v55;
	v3 =	vmul.f32 v3, v6;
	v12 =	vmul.f32 v12, v6  }
0x7b: {  	v6 =	vmul.f32 v13, v6;
	v7 =	vadd.f32 v10, v7;
	v4 =	vadd.f32 v16, v4  }
0x7c: {  	v9 =	vadd.f32 v60, v9;
	v10 =	vmul.f32 v61, v14;
	v16 =	vmul.f32 v21, v14  }
0x7d: {  	v59 =	vld [tilespmem:s9+$0x40];
	v13 =	vunpack.i.l.bf16.f32 v63;
	v14 =	vmul.f32 v27, v25;
	v60 =	vunpack.i.l.bf16.f32 v54  }
0x7e: {  	v61 =	vunpack.i.u.bf16.f32 v54;
	v5 =	vadd.f32 v10, v5;
	v3 =	vadd.f32 v11, v3  }
0x7f: {  	v29 =	vld [tilespmem:s9+$0x80];
	v13 =	vmul.f32 v13, v25;
	v24 =	vadd.f32 v15, v12;
	v8 =	vadd.f32 v16, v8  }
0x80: {  	v48 =	vld [tilespmem:s9+$0xD0];
	v6 =	vadd.f32 v23, v6;
	v10 =	vmul.f32 v26, v25;
	v9 =	vadd.f32 v14, v9  }
0x81: {  	v15 =	vunpack.i.u.bf16.f32 v28;
	v14 =	vmul.f32 v36, v25;
	v11 =	vmul.f32 v44, v37  }
0x82: {  	v16 =	vunpack.i.u.bf16.f32 v55;
	v23 =	vunpack.i.l.bf16.f32 v59;
	v7 =	vadd.f32 v13, v7  }
0x83: {  	v63 =	vld [tilespmem:s9+$0x50];
	v12 =	vmul.f32 v15, v25;
	v15 =	vmul.f32 v47, v37;
	v13 =	vunpack.i.u.bf16.f32 v45  }
0x84: {  	v21 =	vld [tilespmem:s9+$0x60];
	v38 =	vunpack.i.l.bf16.f32 v29;
	v39 =	vunpack.i.u.bf16.f32 v29;
	v4 =	vadd.f32 v10, v4  }
0x85: {  	v57 =	vunpack.i.u.bf16.f32 v48;
	v5 =	vadd.f32 v32, v5;
	v3 =	vadd.f32 v33, v3  }
0x86: {  	v10 =	vmul.f32 v34, v25;
	v8 =	vadd.f32 v14, v8;
	v14 =	vmul.f32 v46, v37  }
0x87: {  	v13 =	vmul.f32 v13, v51;
	v41 =	vmul.f32 v39, v35;
	v6 =	vadd.f32 v12, v6  }
0x88: {  	v40 =	vld [tilespmem:s9+$0xB0];
	v7 =	vadd.f32 v17, v7;
	v12 =	vmul.f32 v43, v37;
	v17 =	vmul.f32 v56, v51  }
0x89: {  	v36 =	vld [tilespmem:s9+$0xA0];
	v26 =	vunpack.i.u.bf16.f32 v63;
	v27 =	vunpack.i.l.bf16.f32 v63;
	v28 =	vunpack.i.l.bf16.f32 v21  }
0x8a: {  	v44 =	vld [tilespmem:s9+$0xC0];
	v31 =	vunpack.i.u.bf16.f32 v21;
	v56 =	vunpack.i.l.bf16.f32 v48;
	v10 =	vadd.f32 v10, v24  }
0x8b: {  	v55 =	vld [tilespmem:s9+$0xF0];
	v4 =	vadd.f32 v42, v4;
	v5 =	vadd.f32 v11, v5;
	v11 =	vmul.f32 v53, v51  }
0x8c: {  	v3 =	vadd.f32 v15, v3;
	v15 =	vmul.f32 v62, v51;
	v24 =	vmul.f32 v23, v22  }
0x8d: {  	v8 =	vadd.f32 v50, v8;
	v30 =	vmul.f32 v28, v22;
	v33 =	vmul.f32 v31, v22  }
0x8e: {  	v50 =	vunpack.i.l.bf16.f32 v40;
	v9 =	vadd.f32 v12, v9;
	v12 =	vmul.f32 v16, v51  }
0x8f: {  	v25 =	vld [tilespmem:s9+$0x70];
	v16 =	vmul.f32 v27, v22;
	v46 =	vunpack.i.l.bf16.f32 v36;
	v47 =	vunpack.i.u.bf16.f32 v36  }
0x90: {  	v32 =	vld [tilespmem:s9+$0x90];
	v53 =	vunpack.i.l.bf16.f32 v44;
	v54 =	vunpack.i.u.bf16.f32 v44;
	v62 =	vunpack.i.l.bf16.f32 v55  }
0x91: {  	v10 =	vadd.f32 v14, v10;
	v14 =	vmul.f32 v52, v37;
	v7 =	vadd.f32 v11, v7  }
0x92: {  	v4 =	vadd.f32 v13, v4;
	v5 =	vadd.f32 v17, v5;
	v13 =	vmul.f32 v60, v51  }
0x93: {  	v8 =	vadd.f32 v15, v8;
	v11 =	vunpack.i.u.bf16.f32 v59;
	v15 =	vmul.f32 v26, v22  }
0x94: {  	v49 =	vmul.f32 v47, v35;
	v52 =	vunpack.i.u.bf16.f32 v40;
	v9 =	vadd.f32 v58, v9  }
0x95: {  	v11 =	vmul.f32 v11, v22;
	v34 =	vunpack.i.l.bf16.f32 v25;
	v42 =	vunpack.i.l.bf16.f32 v32  }
0x96: {  	v43 =	vunpack.i.u.bf16.f32 v32;
	v58 =	vmul.f32 v57, v2;
	v6 =	vadd.f32 v14, v6  }
0x97: {  	v14 =	vmul.f32 v61, v51;
	v3 =	vadd.f32 v13, v3;
	v7 =	vadd.f32 v24, v7  }
0x98: {  	v5 =	vadd.f32 v15, v5;
	v13 =	vmul.f32 v38, v35;
	v45 =	vmul.f32 v43, v35  }
0x99: {  	v4 =	vadd.f32 v11, v4;
	v9 =	vadd.f32 v16, v9;
	v11 =	vmul.f32 v52, v35  }
0x9a: {  	v16 =	vmul.f32 v56, v2;
	v6 =	vadd.f32 v12, v6;
	v12 =	vmul.f32 v34, v22  }
0x9b: {  	v10 =	vadd.f32 v14, v10;
	v3 =	vadd.f32 v30, v3;
	v14 =	vunpack.i.u.bf16.f32 v25  }
0x9c: {  	v51 =	vld [tilespmem:s9+$0xE0];
	v7 =	vadd.f32 v13, v7;
	v8 =	vadd.f32 v12, v8;
	v12 =	vmul.f32 v42, v35  }
0x9d: {  	v13 =	vmul.f32 v46, v35;
	v5 =	vadd.f32 v45, v5;
	v37 =	vmul.f32 v14, v22  }
0x9e: {  	v4 =	vadd.f32 v41, v4;
	v9 =	vadd.f32 v12, v9;
	v12 =	vmul.f32 v50, v35  }
0x9f: {  	v14 =	vmul.f32 v53, v2;
	v10 =	vadd.f32 v33, v10;
	v3 =	vadd.f32 v13, v3  }
0xa0: {  	v5 =	vadd.f32 v58, v5;
	v8 =	vadd.f32 v12, v8;
	v12 =	vmul.f32 v54, v2  }
0xa1: {  	v6 =	vadd.f32 v37, v6;
	v7 =	vadd.f32 v14, v7;
	v59 =	vunpack.i.l.bf16.f32 v51  }
0xa2: {  	v60 =	vunpack.i.u.bf16.f32 v51;
	v61 =	vmul.f32 v59, v2;
	[tilespmem:s15+$0x5290] =	vst v5;
	v4 =	vadd.f32 v12, v4  }
0xa3: {  	v10 =	vadd.f32 v49, v10;
	[tilespmem:s15+$0x5260] =	vst v7;
	v7 =	vmul.f32 v60, v2;
	v9 =	vadd.f32 v16, v9  }
0xa4: {  	p0 =	sne.s32 s14, $0x1E00;
	v63 =	vunpack.i.u.bf16.f32 v55;
	v3 =	vadd.f32 v61, v3;
	[tilespmem:s15+$0x5270] =	vst v4;
	v4 =	vmul.f32 v62, v2  }
.Ltmp1:
0xa5: {  	v6 =	vadd.f32 v11, v6;
	v7 =	vadd.f32 v7, v10;
	[tilespmem:s15+$0x5280] =	vst v9;
	v2 =	vmul.f32 v63, v2;
	(pc) =	sbr.rel @p0 .LBB2_5-.Ltmp1, $4  }
0xa6: {  	[tilespmem:s15+$0x52A0] =	vst v3;
	v4 =	vadd.f32 v4, v8  }
0xa7: {  	[tilespmem:s15+$0x52B0] =	vst v7;
	v2 =	vadd.f32 v2, v6  }
0xa8: {  	[tilespmem:s15+$0x52C0] =	vst v4  }
0xa9: {  	s11 =	sadd.s32 $0x10, s11;
	s14 =	sadd.s32 $0x200, s14;
	s9 =	sadd.s32 $0x200, s9;
	[tilespmem:s15+$0x52D0] =	vst v2  }
0xaa: {  	v2 =	vld [tilespmem:$0x10];
	_ =	sdelay $0x4  }
0xab: {  	s9 =	simm.s32 $0x40;
	s11 =	simm.s32 $0x5260;
	s15 =	smin.u32 s2, $0x28D;
	[tilespmem:$0x40] =	vst v2  }
0xac: {  	[spmem:s3] =	stream.indirect.scatter.add.f32 [tilespmem:s11], [sflag:$0x5], $0x80, s9, s23, $0xb8;
	[tilespmem:$0x1A260] =	vst v63  }
0xad: {  	s11 =	sadd.s32 s15, s17  }
0xae: {  	s14 =	sshll.u32 s11, $0x1  }
0xaf: {  	s9 =	simm.s32 $0x0;
	s15 =	sadd.s32 s1, s14  }
0xb0: {  	[tilespmem:s9], [sflag:$0x3] =	stream.linear.gather [hbm4b:s15+s9], $0x10, $0x38;
	[tilespmem:$0x1A260] =	vst v63  }
0xb1: {  	s14 =	sadd.s32 s5, s14  }
0xb2: {  	[tilespmem:s23], [sflag:$0x3] =	stream.linear.gather [hbm4b:s14+s9], $0x10, $0x38;
	[tilespmem:$0x1A260] =	vst v63  }
0xb3: {  	_ =	swait.ge [sflag:s19], $0x10  }
0xb4: {  	[sflag:s19] =	ssyncset.done $0x0  }
0xb5: {  	[sflag:s19] =	ssyncadd.s32 $0xFFFFFFF0  }
0xb6: {  	_ =	swait.ge [sflag:s19], $0x10  }
0xb7: {  	s11 =	sshll.u32 s11, $0x5;
	[sflag:s19] =	ssyncset.done $0x0  }
0xb8: {  	s11 =	sadd.s32 s6, s11;
	[sflag:s19] =	ssyncadd.s32 $0xFFFFFFF0  }
0xb9: {  	[tilespmem:s24], [sflag:$0x1] =	stream.linear.gather [hbm4b:s11+s9], $0x100, $0x38;
	[tilespmem:$0x1A260] =	vst v63  }
0xba: {  	_ = 	snop  }
0xbb: {  	[tilespmem:s25], [sflag:$0x1] =	stream.indirect.gather [hbm4b:s7+s23], $0x80, s23, s23, $0xb8;
	[tilespmem:$0x1A260] =	vst v63  }
0xbc: {  	_ = 	snop  }
0xbd: {  	[tilespmem:s26], [sflag:$0x1] =	stream.indirect.gather [hbm4b:s8+s23], $0x200, s9, s23, $0xb8;
	[tilespmem:$0x1A260] =	vst v63  }
0xbe: {  	_ =	swait.ge [sflag:s20], $0x100  }
0xbf: {  	[sflag:s20] =	ssyncset.done $0x0  }
0xc0: {  	[sflag:s20] =	ssyncadd.s32 $0xFFFFFF00  }
0xc1: {  	_ =	swait.ge [sflag:s20], $0x800  }
0xc2: {  	[sflag:s20] =	ssyncset.done $0x0  }
0xc3: {  	[sflag:s20] =	ssyncadd.s32 $0xFFFFF800  }
0xc4: {  	_ =	swait.ge [sflag:s20], $0x2000  }
0xc5: {  	[sflag:s20] =	ssyncset.done $0x0  }
0xc6: {  	[sflag:s20] =	ssyncadd.s32 $0xFFFFE000  }
0xc7: {  	_ =	swait.ge [sflag:s10], $0x800  }
0xc8: {  	[sflag:s10] =	ssyncset.done $0x0  }
0xc9: {  	s14 =	simm.s32 $0x160;
	s11 =	simm.s32 $0x3360;
	[sflag:s10] =	ssyncadd.s32 $0xFFFFF800  }
.LBB2_7:
0xca: {  	v2 =	vld [tilespmem:s14+$0x0]  }
0xcb: {  	v4 =	vld [tilespmem:s11+$0xFFFFFF00]  }
0xcc: {  	v5 =	vld [tilespmem:s11+$0xFFFFFF10]  }
0xcd: {  	v8 =	vld [tilespmem:s11+$0xFFFFFF30]  }
0xce: {  	v10 =	vld [tilespmem:s11+$0xFFFFFF40]  }
0xcf: {  	v11 =	vld [tilespmem:s11+$0xFFFFFF50]  }
0xd0: {  	v15 =	vld [tilespmem:s11+$0xFFFFFF60]  }
0xd1: {  	v17 =	vld [tilespmem:s11+$0xFFFFFF70]  }
0xd2: {  	v63 =	vld [tilespmem:s11+$0xFFFFFF80]  }
0xd3: {  	s15 =	sshra.s32 s9, $0x2;
	v22 =	vld [tilespmem:s11+$0xFFFFFF90]  }
0xd4: {  	v3 =	vld [tilespmem:s15+$0xA60];
	v7 =	vunpack.i.l.bf16.f32 v4;
	v4 =	vunpack.i.u.bf16.f32 v4  }
0xd5: {  	v19 =	vld [tilespmem:s11+$0xFFFFFFA0];
	v9 =	vunpack.i.l.bf16.f32 v5;
	v5 =	vunpack.i.u.bf16.f32 v5;
	v13 =	vunpack.i.u.bf16.f32 v8  }
0xd6: {  	v28 =	vld [tilespmem:s11+$0xFFFFFFB0];
	v8 =	vunpack.i.l.bf16.f32 v8;
	v16 =	vunpack.i.u.bf16.f32 v10;
	v10 =	vunpack.i.l.bf16.f32 v10  }
0xd7: {  	v31 =	vld [tilespmem:s11+$0xFFFFFFC0];
	v18 =	vunpack.i.l.bf16.f32 v11;
	v61 =	vunpack.i.u.bf16.f32 v11;
	v62 =	vunpack.i.l.bf16.f32 v15  }
0xd8: {  	v35 =	vld [tilespmem:s11+$0xFFFFFFD0];
	v15 =	vunpack.i.u.bf16.f32 v15;
	v21 =	vunpack.i.l.bf16.f32 v17;
	v17 =	vunpack.i.u.bf16.f32 v17  }
0xd9: {  	v26 =	vunpack.i.u.bf16.f32 v63;
	v27 =	vunpack.i.l.bf16.f32 v22;
	v2 =	vmul.f32 v3, v2  }
0xda: {  	v29 =	vunpack.i.u.bf16.f32 v22;
	v30 =	vunpack.i.l.bf16.f32 v19;
	v34 =	vunpack.i.u.bf16.f32 v19  }
0xdb: {  	v39 =	vld [tilespmem:s11+$0xFFFFFFE0];
	v36 =	vunpack.i.l.bf16.f32 v28;
	v6 =	vbroadcast v2, $0x0;
	v14 =	vbroadcast v2, $0x1  }
0xdc: {  	v38 =	vunpack.i.l.bf16.f32 v31;
	v25 =	vbroadcast v2, $0x2;
	v37 =	vbroadcast v2, $0x3  }
0xdd: {  	v41 =	vld [tilespmem:s11+$0xFFFFFFF0];
	v43 =	vunpack.i.l.bf16.f32 v35;
	v51 =	vbroadcast v2, $0x4;
	v22 =	vbroadcast v2, $0x5  }
0xde: {  	v44 =	vunpack.i.u.bf16.f32 v35;
	v35 =	vbroadcast v2, $0x6;
	v2 =	vbroadcast v2, $0x7  }
0xdf: {  	v45 =	vld [tilespmem:s11+$0x0];
	v40 =	vunpack.i.u.bf16.f32 v31;
	v7 =	vmul.f32 v7, v6;
	v4 =	vmul.f32 v4, v6  }
0xe0: {  	v49 =	vld [tilespmem:s11+$0x10];
	v46 =	vunpack.i.u.bf16.f32 v39;
	v9 =	vmul.f32 v9, v6;
	v5 =	vmul.f32 v5, v6  }
0xe1: {  	v47 =	vunpack.i.l.bf16.f32 v39;
	v8 =	vmul.f32 v8, v6;
	v10 =	vmul.f32 v10, v14  }
0xe2: {  	v48 =	vunpack.i.l.bf16.f32 v41;
	v3 =	vld [tilespmem:s11+$0xFFFFFF20];
	v16 =	vmul.f32 v16, v14;
	v60 =	vmul.f32 v18, v14  }
0xe3: {  	v55 =	vld [tilespmem:s11+$0x30];
	v52 =	vunpack.i.u.bf16.f32 v41;
	v11 =	vmul.f32 v62, v14;
	v15 =	vmul.f32 v15, v14  }
0xe4: {  	v53 =	vunpack.i.l.bf16.f32 v45;
	v23 =	vmul.f32 v17, v14;
	v32 =	vmul.f32 v29, v25  }
0xe5: {  	v56 =	vunpack.i.u.bf16.f32 v49;
	v33 =	vmul.f32 v30, v25;
	v17 =	vmul.f32 v38, v37  }
0xe6: {  	v54 =	vld [tilespmem:s11+$0x20];
	v57 =	vunpack.i.l.bf16.f32 v49;
	v42 =	vmul.f32 v40, v37;
	v50 =	vmul.f32 v48, v37  }
0xe7: {  	v58 =	vmul.f32 v57, v51;
	v12 =	vunpack.i.u.bf16.f32 v3;
	v3 =	vunpack.i.l.bf16.f32 v3  }
0xe8: {  	v62 =	vunpack.i.l.bf16.f32 v55;
	v3 =	vmul.f32 v3, v6;
	v12 =	vmul.f32 v12, v6  }
0xe9: {  	v6 =	vmul.f32 v13, v6;
	v7 =	vadd.f32 v10, v7;
	v4 =	vadd.f32 v16, v4  }
0xea: {  	v9 =	vadd.f32 v60, v9;
	v10 =	vmul.f32 v61, v14;
	v16 =	vmul.f32 v21, v14  }
0xeb: {  	v59 =	vld [tilespmem:s11+$0x40];
	v13 =	vunpack.i.l.bf16.f32 v63;
	v14 =	vmul.f32 v27, v25;
	v60 =	vunpack.i.l.bf16.f32 v54  }
0xec: {  	v61 =	vunpack.i.u.bf16.f32 v54;
	v5 =	vadd.f32 v10, v5;
	v3 =	vadd.f32 v11, v3  }
0xed: {  	v29 =	vld [tilespmem:s11+$0x80];
	v13 =	vmul.f32 v13, v25;
	v24 =	vadd.f32 v15, v12;
	v8 =	vadd.f32 v16, v8  }
0xee: {  	v48 =	vld [tilespmem:s11+$0xD0];
	v6 =	vadd.f32 v23, v6;
	v10 =	vmul.f32 v26, v25;
	v9 =	vadd.f32 v14, v9  }
0xef: {  	v15 =	vunpack.i.u.bf16.f32 v28;
	v14 =	vmul.f32 v36, v25;
	v11 =	vmul.f32 v44, v37  }
0xf0: {  	v16 =	vunpack.i.u.bf16.f32 v55;
	v23 =	vunpack.i.l.bf16.f32 v59;
	v7 =	vadd.f32 v13, v7  }
0xf1: {  	v63 =	vld [tilespmem:s11+$0x50];
	v12 =	vmul.f32 v15, v25;
	v15 =	vmul.f32 v47, v37;
	v13 =	vunpack.i.u.bf16.f32 v45  }
0xf2: {  	v21 =	vld [tilespmem:s11+$0x60];
	v38 =	vunpack.i.l.bf16.f32 v29;
	v39 =	vunpack.i.u.bf16.f32 v29;
	v4 =	vadd.f32 v10, v4  }
0xf3: {  	v57 =	vunpack.i.u.bf16.f32 v48;
	v5 =	vadd.f32 v32, v5;
	v3 =	vadd.f32 v33, v3  }
0xf4: {  	v10 =	vmul.f32 v34, v25;
	v8 =	vadd.f32 v14, v8;
	v14 =	vmul.f32 v46, v37  }
0xf5: {  	v13 =	vmul.f32 v13, v51;
	v41 =	vmul.f32 v39, v35;
	v6 =	vadd.f32 v12, v6  }
0xf6: {  	v40 =	vld [tilespmem:s11+$0xB0];
	v7 =	vadd.f32 v17, v7;
	v12 =	vmul.f32 v43, v37;
	v17 =	vmul.f32 v56, v51  }
0xf7: {  	v36 =	vld [tilespmem:s11+$0xA0];
	v26 =	vunpack.i.u.bf16.f32 v63;
	v27 =	vunpack.i.l.bf16.f32 v63;
	v28 =	vunpack.i.l.bf16.f32 v21  }
0xf8: {  	v44 =	vld [tilespmem:s11+$0xC0];
	v31 =	vunpack.i.u.bf16.f32 v21;
	v56 =	vunpack.i.l.bf16.f32 v48;
	v10 =	vadd.f32 v10, v24  }
0xf9: {  	v55 =	vld [tilespmem:s11+$0xF0];
	v4 =	vadd.f32 v42, v4;
	v5 =	vadd.f32 v11, v5;
	v11 =	vmul.f32 v53, v51  }
0xfa: {  	v3 =	vadd.f32 v15, v3;
	v15 =	vmul.f32 v62, v51;
	v24 =	vmul.f32 v23, v22  }
0xfb: {  	v8 =	vadd.f32 v50, v8;
	v30 =	vmul.f32 v28, v22;
	v33 =	vmul.f32 v31, v22  }
0xfc: {  	v50 =	vunpack.i.l.bf16.f32 v40;
	v9 =	vadd.f32 v12, v9;
	v12 =	vmul.f32 v16, v51  }
0xfd: {  	v25 =	vld [tilespmem:s11+$0x70];
	v16 =	vmul.f32 v27, v22;
	v46 =	vunpack.i.l.bf16.f32 v36;
	v47 =	vunpack.i.u.bf16.f32 v36  }
0xfe: {  	v32 =	vld [tilespmem:s11+$0x90];
	v53 =	vunpack.i.l.bf16.f32 v44;
	v54 =	vunpack.i.u.bf16.f32 v44;
	v62 =	vunpack.i.l.bf16.f32 v55  }
0xff: {  	v10 =	vadd.f32 v14, v10;
	v14 =	vmul.f32 v52, v37;
	v7 =	vadd.f32 v11, v7  }
0x100: {  	v4 =	vadd.f32 v13, v4;
	v5 =	vadd.f32 v17, v5;
	v13 =	vmul.f32 v60, v51  }
0x101: {  	v8 =	vadd.f32 v15, v8;
	v11 =	vunpack.i.u.bf16.f32 v59;
	v15 =	vmul.f32 v26, v22  }
0x102: {  	v49 =	vmul.f32 v47, v35;
	v52 =	vunpack.i.u.bf16.f32 v40;
	v9 =	vadd.f32 v58, v9  }
0x103: {  	v11 =	vmul.f32 v11, v22;
	v34 =	vunpack.i.l.bf16.f32 v25;
	v42 =	vunpack.i.l.bf16.f32 v32  }
0x104: {  	v43 =	vunpack.i.u.bf16.f32 v32;
	v58 =	vmul.f32 v57, v2;
	v6 =	vadd.f32 v14, v6  }
0x105: {  	v14 =	vmul.f32 v61, v51;
	v3 =	vadd.f32 v13, v3;
	v7 =	vadd.f32 v24, v7  }
0x106: {  	v5 =	vadd.f32 v15, v5;
	v13 =	vmul.f32 v38, v35;
	v45 =	vmul.f32 v43, v35  }
0x107: {  	v4 =	vadd.f32 v11, v4;
	v9 =	vadd.f32 v16, v9;
	v11 =	vmul.f32 v52, v35  }
0x108: {  	v16 =	vmul.f32 v56, v2;
	v6 =	vadd.f32 v12, v6;
	v12 =	vmul.f32 v34, v22  }
0x109: {  	v10 =	vadd.f32 v14, v10;
	v3 =	vadd.f32 v30, v3;
	v14 =	vunpack.i.u.bf16.f32 v25  }
0x10a: {  	v51 =	vld [tilespmem:s11+$0xE0];
	v7 =	vadd.f32 v13, v7;
	v8 =	vadd.f32 v12, v8;
	v12 =	vmul.f32 v42, v35  }
0x10b: {  	v13 =	vmul.f32 v46, v35;
	v5 =	vadd.f32 v45, v5;
	v37 =	vmul.f32 v14, v22  }
0x10c: {  	v4 =	vadd.f32 v41, v4;
	v9 =	vadd.f32 v12, v9;
	v12 =	vmul.f32 v50, v35  }
0x10d: {  	v14 =	vmul.f32 v53, v2;
	v10 =	vadd.f32 v33, v10;
	v3 =	vadd.f32 v13, v3  }
0x10e: {  	v5 =	vadd.f32 v58, v5;
	v8 =	vadd.f32 v12, v8;
	v12 =	vmul.f32 v54, v2  }
0x10f: {  	v6 =	vadd.f32 v37, v6;
	v7 =	vadd.f32 v14, v7;
	v59 =	vunpack.i.l.bf16.f32 v51  }
0x110: {  	v60 =	vunpack.i.u.bf16.f32 v51;
	v61 =	vmul.f32 v59, v2;
	[tilespmem:s15+$0x5A90] =	vst v5;
	v4 =	vadd.f32 v12, v4  }
0x111: {  	v10 =	vadd.f32 v49, v10;
	[tilespmem:s15+$0x5A60] =	vst v7;
	v7 =	vmul.f32 v60, v2;
	v9 =	vadd.f32 v16, v9  }
0x112: {  	p0 =	sne.s32 s9, $0x1E00;
	v63 =	vunpack.i.u.bf16.f32 v55;
	v3 =	vadd.f32 v61, v3;
	[tilespmem:s15+$0x5A70] =	vst v4;
	v4 =	vmul.f32 v62, v2  }
.Ltmp2:
0x113: {  	v6 =	vadd.f32 v11, v6;
	v7 =	vadd.f32 v7, v10;
	[tilespmem:s15+$0x5A80] =	vst v9;
	v2 =	vmul.f32 v63, v2;
	(pc) =	sbr.rel @p0 .LBB2_7-.Ltmp2, $4  }
0x114: {  	[tilespmem:s15+$0x5AA0] =	vst v3;
	v4 =	vadd.f32 v4, v8  }
0x115: {  	[tilespmem:s15+$0x5AB0] =	vst v7;
	v2 =	vadd.f32 v2, v6  }
0x116: {  	[tilespmem:s15+$0x5AC0] =	vst v4  }
0x117: {  	s14 =	sadd.s32 $0x10, s14;
	s9 =	sadd.s32 $0x200, s9;
	s11 =	sadd.s32 $0x200, s11;
	[tilespmem:s15+$0x5AD0] =	vst v2  }
0x118: {  	v2 =	vld [tilespmem:$0x30];
	_ =	sdelay $0x3  }
0x119: {  	s2 =	smin.u32 s2, $0x28C;
	s21 =	sadd.s32 $0x1, s21  }
0x11a: {  	s2 =	sadd.s32 s2, s18;
	p0 =	sne.s32 s21, $0x148;
	[tilespmem:$0x50] =	vst v2  }
0x11b: {  	[spmem:s3] =	stream.indirect.scatter.add.f32 [tilespmem:s31], [sflag:$0x6], $0x80, s30, s23, $0xb8;
	[tilespmem:$0x1A260] =	vst v63  }
.Ltmp3:
0x11c: {  	s2 =	sshll.u32 s2, $0x1;
	(pc) =	sbr.rel @p0 .LBB2_4-.Ltmp3, $4  }
0x11d: {  	s9 =	sadd.s32 s1, s2  }
0x11e: {  	[tilespmem:s28], [sflag:$0x4] =	stream.linear.gather [hbm4b:s9+s4], $0x10, $0x38;
	[tilespmem:$0x1A260] =	vst v63  }
0x11f: {  	s2 =	sadd.s32 s5, s2  }
0x120: {  	[tilespmem:s29], [sflag:$0x4] =	stream.linear.gather [hbm4b:s2+s4], $0x10, $0x38;
	[tilespmem:$0x1A260] =	vst v63  }
0x121: {  	_ =	swait.ge [sflag:s12], $0x100  }
0x122: {  	[sflag:s12] =	ssyncset.done $0x0  }
0x123: {  	[sflag:s12] =	ssyncadd.s32 $0xFFFFFF00  }
0x124: {  	_ =	swait.ge [sflag:s12], $0x800  }
0x125: {  	[sflag:s12] =	ssyncset.done $0x0  }
0x126: {  	[sflag:s12] =	ssyncadd.s32 $0xFFFFF800  }
0x127: {  	_ =	swait.ge [sflag:s12], $0x2000  }
0x128: {  	[sflag:s12] =	ssyncset.done $0x0  }
0x129: {  	[sflag:s12] =	ssyncadd.s32 $0xFFFFE000  }
0x12a: {  	_ =	swait.ge [sflag:s0], $0x10  }
0x12b: {  	[sflag:s0] =	ssyncset.done $0x0  }
0x12c: {  	[sflag:s0] =	ssyncadd.s32 $0xFFFFFFF0  }
0x12d: {  	_ =	swait.ge [sflag:s0], $0x10  }
0x12e: {  	[sflag:s0] =	ssyncset.done $0x0  }
0x12f: {  	[sflag:s0] =	ssyncadd.s32 $0xFFFFFFF0  }
0x130: {  	_ =	swait.ge [sflag:s13], $0x800  }
0x131: {  	[sflag:s13] =	ssyncset.done $0x0  }
0x132: {  	[sflag:s13] =	ssyncadd.s32 $0xFFFFF800  }
0x133: {  	[bflag:$0x0] =	sbarrier.arrive $0xFFFF  }
0x134: {  	s14 =	rddreg [dreg:$0x5]  }
0x135: {  	s2 =	rddreg [dreg:$0xb]  }
0x136: {  	s11 =	simm.s32 $0x7;
	s9 =	rddreg [dreg:$0xd]  }
0x137: {  	[hbm:s2], [sflag:s14] =	dma.local [spmem:s9], $0x2800  }
0x138: {  	_ =	swait.ge [sflag:s11], $0x2800  }
0x139: {  	s15 =	rddreg [dreg:$0xe]  }
0x13a: {  	s21 =	rddreg [dreg:$0xc];
	s15 =	sadd.s32 $0x1, s15  }
0x13b: {  	p0 =	sne.s32 s15, s21  }
.Ltmp4:
0x13c: {  	_ = 	snop;
	(pc) =	sbr.rel @p0 .LBB2_1-.Ltmp4, $3  }
0x13d: {  	_ =	sdelay $0x1  }
0x13e: {  	[sflag:s11] =	ssyncset.done $0x0  }
0x13f: {  	[sflag:s11] =	ssyncadd.s32 $0xFFFFD800  }
0x140: {  	_ =	sfence.sel $0x180000  }
0x141: {  	[bflag:$0x0] =	sbarrier.arrive $0xFFFF  }
0x142: {  	_ =	strace $0x9000004A  }
0x143: {  	s0 =	stileid.u32;
	[bflag:$0x2] =	sbarrier.arrive $0xFFFF  }
0x144: {  	p0 =	sne.s32 s0, $0x0;
	s0 =	rddreg [dreg:$0x3]  }
0x145: {  	s0 =	sadd.s32 @!p0 $0x100000, s0  }
0x146: {  	[sflag:s0] =	ssyncadd.tile.s32 @!p0 $0x1;
	_ =	shalt  }
.Lfunc_end2:
_tile_overlayer_lowered:
.L_overlay_start_2:
0x147: {  	(tag) =	ssettag $0x2  }
0x148: {  	s0 =	rddreg [dreg:$0x0];
	s2 =	stileid.u32  }
0x149: {  	s1 =	rddreg [dreg:$0x1];
	p0 =	sne.s32 s2, $0x0  }
0x14a: {  	s3 =	rddreg [dreg:$0x2];
	[bflag:$0x3] =	sbarrier.arrive $0xFFFF;
	s2 =	simm.s32 @!p0 $0x1C07  }
0x14b: {  	[timem:s3], [sflag:s2] =	dma.local @!p0 [hbm:s0], s1  }
0x14c: {  	s0 =	simm.s32 @!p0 $0x7  }
0x14d: {  	_ =	swait.ge @!p0 [sflag:s0], s1  }
0x14e: {  	s1 =	ssub.s32 @!p0 $0x0, s1;
	[sflag:s0] =	ssyncset.done @!p0 $0x0  }
0x14f: {  	[sflag:s0] =	ssyncadd.s32 @!p0 s1  }
0x150: {  	[bflag:$0x3] =	sbarrier.arrive $0xFFFF  }
0x151: {  	_ =	shalt  }

// kernel: kernel.7.cloned.1.call-start
scs
__scs_entry_jumppad:
0x0: {  	(pc) =	sbr.rel $0x88, $3  }
0x1: {  	(tag) =	ssettag $0x0;
	lr =	simm.s32 $0x1  }
0x2: {  	[smem:$0x3F93] =	sst lr;
	_ =	strace $0xD0000000  }
0x3: {  	_ = 	snop  }
0x4: {  	_ = 	snop  }
0x5: {  	_ = 	snop  }
0x6: {  	_ = 	snop  }
0x7: {  	_ = 	snop  }
__scs_overlays_trampoline_lowered:
0x8: {  	[smem:$0x3FA2] =	sst s0  }
0x9: {  	[smem:$0x3FA3] =	sst s1  }
0xa: {  	[smem:$0x3FA4] =	sst s2  }
0xb: {  	[smem:$0x3FA5] =	sst s3  }
0xc: {  	[smem:$0x3FA6] =	sst s4  }
0xd: {  	[smem:$0x3FA7] =	sst s5  }
0xe: {  	[smem:$0x3FA8] =	sst s6  }
0xf: {  	[smem:$0x3FA9] =	sst s7  }
0x10: {  	[smem:$0x3FAA] =	sst s8  }
0x11: {  	[smem:$0x3FAB] =	sst s9;
	s0 =	simm.s32 @!p0 $0x0  }
0x12: {  	s1 =	sld [smem:$0x3F91];
	s0 =	simm.s32 @p0 $0x1  }
0x13: {  	[smem:$0x3FAC] =	sst s0;
	s0 =	simm.s32 @!p1 $0x0  }
0x14: {  	s2 =	sld [smem:$0x3F90];
	s0 =	simm.s32 @p1 $0x1  }
0x15: {  	[smem:$0x3FAD] =	sst s0;
	s0 =	simm.s32 @!p2 $0x0  }
0x16: {  	s3 =	sld [smem:$0x3FDB];
	s0 =	simm.s32 @p2 $0x1  }
0x17: {  	s4 =	simm.s32 $0x1BF5;
	[smem:$0x3FAF] =	sst s0  }
0x18: {  	s0 =	sld [smem:$0x3F92];
	_ =	swait.ge [sflag:s4], $0x0  }
0x19: {  	s7 =	sld [smem:$0x3F93]  }
0x1a: {  	s8 =	sadd.s32 $0xFFFFE003, lr  }
0x1b: {  	s9 =	sadd.s32 $0xFFFFFEF7, lr;
	s5 =	simm.s32 $0xFFFFFFFF;
	p2 =	slt.u32 s8, $0xFFFFF086  }
0x1c: {  	p1 =	slt.u32 s9, $0xF7A;
	s5 =	simm.s32 @!p2 $0x0  }
0x1d: {  	s5 =	simm.s32 @p1 $0x1;
	p0 =	seq.s32 s7, s2  }
0x1e: {  	s7 =	smul.u32 @!p0 $0xF7A, s2;
	p2 =	seq.s32 @!p0 s5, $0x0  }
0x1f: {  	s9 =	smul.u32 $0xF7A, s1;
	s8 =	simm.s32 @!p0 $0x1BF5;
	p2 =	por !p2, p0  }
0x20: {  	[sflag:s8] =	ssyncset.s32 @!p0 $0xFFFFF086;
	s6 =	sadd.s32 @!p0 s3, s7;
	s7 =	simm.s32 @!p0 $0x108  }
0x21: {  	s3 =	sadd.s32 s3, s9;
	s6 =	sadd.s32 @!p0 $0x88, s6;
	s7 =	simm.s32 @p2 $0x1082  }
0x22: {  	[simem:s7], [sflag:s8] =	dma.local @!p0 [hbm:s6], $0xF7A  }
0x23: {  	s9 =	sor.u32 $0xD0000000, s2;
	s6 =	simm.s32 $0x108;
	_ =	swait.ge @!p0 [sflag:s8], $0x0  }
0x24: {  	s3 =	sadd.s32 $0x88, s3;
	s6 =	simm.s32 @!p1 $0x1082;
	[sflag:s4] =	ssyncset.s32 $0xFFFFF086  }
0x25: {  	[simem:s6], [sflag:s4] =	dma.local [hbm:s3], $0xF7A  }
0x26: {  	[smem:$0x3F93] =	sst s1;
	(tag) =	ssettag s2;
	_ =	strace s9  }
0x27: {  	s1 =	sld [smem:$0x3FA3]  }
0x28: {  	s2 =	sld [smem:$0x3FA4]  }
0x29: {  	s4 =	sld [smem:$0x3FA6]  }
0x2a: {  	p0 =	seq.s32 s5, $0x0;
	s5 =	sld [smem:$0x3FA7]  }
0x2b: {  	s6 =	sld [smem:$0x3FA8]  }
0x2c: {  	s7 =	sld [smem:$0x3FA9]  }
0x2d: {  	s3 =	simm.s32 $0x108;
	s8 =	sld [smem:$0x3FAA]  }
0x2e: {  	s3 =	simm.s32 @!p0 $0x1082;
	s9 =	sld [smem:$0x3FAB]  }
0x2f: {  	lr =	sadd.s32 s0, s3;
	s0 =	sld [smem:$0x3FA2]  }
0x30: {  	s3 =	sld [smem:$0x3FA5]  }
0x31: {  	[smem:$0x3FAE] =	sst s10  }
0x32: {  	s10 =	sld [smem:$0x3FAC];
	_ =	sdelay $0x3  }
0x33: {  	p0 =	seq.s32 s10, $0x1;
	s10 =	sld [smem:$0x3FAE];
	_ =	sdelay $0x3  }
0x34: {  	[smem:$0x3FAE] =	sst s10  }
0x35: {  	s10 =	sld [smem:$0x3FAD];
	_ =	sdelay $0x3  }
0x36: {  	p1 =	seq.s32 s10, $0x1;
	s10 =	sld [smem:$0x3FAE];
	_ =	sdelay $0x3  }
0x37: {  	[smem:$0x3FAE] =	sst s10  }
0x38: {  	s10 =	sld [smem:$0x3FAF]  }
0x39: {  	_ = 	snop;
	(pc) =	sbr.ind lr, $3  }
0x3a: {  	_ = 	snop  }
0x3b: {  	_ = 	snop  }
0x3c: {  	p2 =	seq.s32 s10, $0x1;
	s10 =	sld [smem:$0x3FAE]  }
0x3d: {  	_ =	shalt  }
0x3e: {  	_ =	shalt  }
0x3f: {  	_ =	shalt  }
0x40: {  	_ =	shalt  }
0x41: {  	_ =	shalt  }
0x42: {  	_ =	shalt  }
0x43: {  	_ =	shalt  }
0x44: {  	_ =	shalt  }
0x45: {  	_ =	shalt  }
0x46: {  	_ =	shalt  }
0x47: {  	_ =	shalt  }
0x48: {  	_ =	shalt  }
0x49: {  	_ =	shalt  }
0x4a: {  	_ =	shalt  }
0x4b: {  	_ =	shalt  }
0x4c: {  	_ =	shalt  }
0x4d: {  	_ =	shalt  }
0x4e: {  	_ =	shalt  }
0x4f: {  	_ =	shalt  }
0x50: {  	_ =	shalt  }
0x51: {  	_ =	shalt  }
0x52: {  	_ =	shalt  }
0x53: {  	_ =	shalt  }
0x54: {  	_ =	shalt  }
0x55: {  	_ =	shalt  }
0x56: {  	_ =	shalt  }
0x57: {  	_ =	shalt  }
0x58: {  	_ =	shalt  }
0x59: {  	_ =	shalt  }
0x5a: {  	_ =	shalt  }
0x5b: {  	_ =	shalt  }
0x5c: {  	_ =	shalt  }
0x5d: {  	_ =	shalt  }
0x5e: {  	_ =	shalt  }
0x5f: {  	_ =	shalt  }
0x60: {  	_ =	shalt  }
0x61: {  	_ =	shalt  }
0x62: {  	_ =	shalt  }
0x63: {  	_ =	shalt  }
0x64: {  	_ =	shalt  }
0x65: {  	_ =	shalt  }
0x66: {  	_ =	shalt  }
0x67: {  	_ =	shalt  }
0x68: {  	_ =	shalt  }
0x69: {  	_ =	shalt  }
0x6a: {  	_ =	shalt  }
0x6b: {  	_ =	shalt  }
0x6c: {  	_ =	shalt  }
0x6d: {  	_ =	shalt  }
0x6e: {  	_ =	shalt  }
0x6f: {  	_ =	shalt  }
0x70: {  	_ =	shalt  }
0x71: {  	_ =	shalt  }
0x72: {  	_ =	shalt  }
0x73: {  	_ =	shalt  }
0x74: {  	_ =	shalt  }
0x75: {  	_ =	shalt  }
0x76: {  	_ =	shalt  }
0x77: {  	_ =	shalt  }
0x78: {  	_ =	shalt  }
0x79: {  	_ =	shalt  }
0x7a: {  	_ =	shalt  }
0x7b: {  	_ =	shalt  }
0x7c: {  	_ =	shalt  }
0x7d: {  	_ =	shalt  }
0x7e: {  	_ =	shalt  }
0x7f: {  	_ =	shalt  }
0x80: {  	_ =	shalt  }
0x81: {  	_ =	shalt  }
0x82: {  	_ =	shalt  }
0x83: {  	_ =	shalt  }
0x84: {  	_ =	shalt  }
0x85: {  	_ =	shalt  }
0x86: {  	_ =	shalt  }
0x87: {  	_ =	shalt  }
.Lfunc_end0:
.L_simem_size_0:
called_computation_lowered:
.L_overlay_start_0:
0x88: {  	s2 =	sld [smem:$0x3FD9]  }
0x89: {  	s3 =	sld [smem:$0x3FFE];
	_ =	sdelay $0x1  }
0x8a: {  	s1 =	srdreg.scid  }
0x8b: {  	s0 =	sand.u32 $0x1, s1  }
0x8c: {  	s17 =	sshll.u32 s0, $0xA;
	s2 =	sadd.s32 s3, s2  }
0x8d: {  	s2 =	sadd.s32 s2, s17  }
0x8e: {  	[smem:$0x3FBA] =	sst s2  }
0x8f: {  	_ = 	snop  }
0x90: {  	s2 =	sld [smem:$0x3FD0];
	(tm) =	ssettm $0x1  }
0x91: {  	s18 =	sld [smem:$0x3FFB];
	_ =	sdelay $0x3  }
0x92: {  	_ =	strace s18  }
0x93: {  	s3 =	sld [smem:$0x3FFC];
	_ =	sdelay $0x3  }
0x94: {  	_ =	strace s3  }
0x95: {  	s3 =	sld [smem:$0x3FFD];
	_ =	sdelay $0x3  }
0x96: {  	_ =	strace s3  }
0x97: {  	_ =	strace $0x8FFFFFFF  }
0x98: {  	s19 =	sld [smem:$0x3FDB];
	_ =	sdelay $0x1  }
0x99: {  	s4 =	simm.s32 $_scs_section_size  }
0x9a: {  	s5 =	simm.s32 $_size__tile_overlayer_lowered;
	s6 =	simm.s32 $_tile_overlayer_lowered  }
0x9b: {  	s22 =	simm.s32 $0x1BFF;
	s21 =	sshll.u32 s6, $0x1;
	s3 =	sadd.s32 s4, s19  }
0x9c: {  	s7 =	simm.s32 $0x0;
	s20 =	sshll.u32 s5, $0x1;
	s5 =	sadd.s32 s21, s3  }
0x9d: {  	[timem:s7], [sflag:s22] =	dma.local [hbm:s5], s20  }
0x9e: {  	_ =	swait.ge [sflag:s22], s20  }
0x9f: {  	s4 =	ssub.s32 $0x0, s20;
	[sflag:s22] =	ssyncset.done $0x0  }
0xa0: {  	[sflag:s22] =	ssyncadd.s32 s4;
	_ =	sdelay $0x1  }
0xa1: {  	s23 =	simm.s32 $0x1B8B  }
0xa2: {  	_ =	swait.ge [sflag:s23], $0x1  }
0xa3: {  	[sflag:s23] =	ssyncset.done $0x0  }
0xa4: {  	s25 =	simm.s32 $0x1B8E;
	s24 =	sld [smem:$0x3FFE];
	[sflag:s23] =	ssyncadd.s32 $0xFFFFFFFF  }
0xa5: {  	s26 =	simm.s32 $execute0_lowered;
	[smem:$0x3FD2] =	sst s25  }
0xa6: {  	s5 =	sshll.u32 s26, $0x1;
	_ =	strace $0x80000046;
	[dreg:$0x1] =	wrdreg $0xFFFFFFFF  }
0xa7: {  	s28 =	simm.s32 $_size_execute0_lowered;
	s3 =	sadd.s32 s3, s5;
	[dreg:$0x0] =	wrdreg $0x0  }
0xa8: {  	s5 =	sshll.u32 s28, $0x1;
	[dreg:$0x2] =	wrdreg s3  }
0xa9: {  	[dreg:$0x3] =	wrdreg s5  }
0xaa: {  	[dreg:$0x4] =	wrdreg $0xC0  }
0xab: {  	_ =	task [dreg:s7], $0x5FFFF  }
0xac: {  	[dreg:$0x1] =	wrdreg $0xFFFFFFFF  }
0xad: {  	[dreg:$0x0] =	wrdreg $0x60  }
0xae: {  	[dreg:$0x2] =	wrdreg s2  }
0xaf: {  	[dreg:$0x3] =	wrdreg s24  }
0xb0: {  	[dreg:$0x4] =	wrdreg $0x11B000  }
0xb1: {  	[dreg:$0x5] =	wrdreg $0x9  }
0xb2: {  	_ =	task.clear_ibuf [dreg:s7], $0x6FFFF;
	_ =	strace $0x90000046  }
0xb3: {  	s29 =	simm.s32 $0x9;
	_ =	strace $0x80000048  }
0xb4: {  	_ =	swait.ge [sflag:s29], $0x1  }
0xb5: {  	[sflag:s29] =	ssyncadd.s32 $0xFFFFFFFF  }
0xb6: {  	_ =	strace $0x90000048  }
0xb7: {  	_ =	sfence  }
0xb8: {  	s30 =	sld [smem:$0x0];
	_ =	sdelay $0x2  }
0xb9: {  	s31 =	sshll.u32 s1, $0xD;
	s1 =	sshrl.u32 s1, $0x2  }
0xba: {  	s3 =	sand.u32 $0x4000, s31;
	s1 =	sadd.s32 s1, s30  }
0xbb: {  	s0 =	sor.u32 s3, s0;
	s1 =	sshll.u32 s1, $0x11  }
0xbc: {  	s0 =	sor.u32 s1, s0  }
0xbd: {  	s0 =	sadd.s32 $0x8F2B, s0  }
0xbe: {  	[sflag:s0] =	ssyncadd.remote.s32 $0x1  }
0xbf: {  	_ =	sfence.sel $0xFFFF  }
0xc0: {  	[dreg:$0x0] =	wrdreg $0xFFFFFFFF;
	(pc) =	sbr.abs _section_cstart, $3  }
0xc1: {  	[dreg:$0x1] =	wrdreg $0xFFFFFFFF  }
0xc2: {  	_ =	task.clear_ibuf [dreg:s7], $0x2FFFF;
	_ =	strace $0x9FFFFFFF  }
0xc3: {  	(tm) =	ssettm $0x7FFFFFFF  }
tec
execute0_lowered:
.L_overlay_start_1:
0x0: {  	(tag) =	ssettag $0x1  }
0x1: {  	s1 =	rddreg [dreg:$0x0]  }
0x2: {  	s0 =	rddreg [dreg:$0x1]  }
0x3: {  	s2 =	rddreg [dreg:$0x2];
	s3 =	simm.s32 $0x0;
	s4 =	srdreg.scid  }
0x4: {  	s11 =	stileid.u32;
	s31 =	simm.s32 $0x9;
	[smem:$0x7FF] =	sst s3  }
0x5: {  	s5 =	sadd.s32 $0x2400, s0;
	s6 =	sadd.s32 $0xAC800, s0;
	s4 =	sand.u32 $0x1, s4  }
0x6: {  	s7 =	sadd.s32 $0xDE800, s0;
	s10 =	smul.u32 $0x2800, s11;
	s0 =	sadd.s32 $0xD4800, s0  }
0x7: {  	s11 =	sshll.u32 s11, $0x1;
	_ =	strace $0x80000047;
	s8 =	ssub.s32 $0x2, s4  }
0x8: {  	s11 =	sor.u32 s4, s11;
	s4 =	smul.u32 $0x28000, s4;
	s9 =	sshrl.u32 s8, $0x1  }
0x9: {  	s21 =	sadd.s32 s10, s2;
	s12 =	sadd.s32 $0x800, s10;
	s14 =	smul.u32 $0x520, s11  }
0xa: {  	s13 =	sadd.s32 $0x1000, s10;
	s15 =	sadd.s32 $0x1800, s10;
	s17 =	smul.u32 $0x2900, s11  }
0xb: {  	s16 =	sadd.s32 $0x2000, s10;
	s8 =	ssub.s32 s8, s9;
	s9 =	smul.u32 $0x52, s11  }
0xc: {  	s22 =	sadd.s32 s12, s2;
	s30 =	sadd.s32 s13, s2;
	s18 =	sadd.s32 s15, s2  }
0xd: {  	s23 =	sadd.s32 s16, s2;
	s10 =	sadd.s32 s10, s4;
	s12 =	sadd.s32 s4, s12  }
0xe: {  	s13 =	sadd.s32 s4, s13;
	s15 =	sadd.s32 s4, s15;
	[dreg:$0x4] =	wrdreg s21  }
0xf: {  	s4 =	sadd.s32 s4, s16;
	s11 =	smul.u32 $0x5200, s11;
	[dreg:$0x7] =	wrdreg s18  }
0x10: {  	s16 =	simm.s32 $0x180;
	[dreg:$0x8] =	wrdreg s23;
	s24 =	sadd.s32 s1, s14  }
0x11: {  	s14 =	sadd.s32 s5, s14;
	s25 =	sor.u32 $0x80, s17;
	s10 =	sshrl.u32 s10, $0x3  }
0x12: {  	s12 =	sshrl.u32 s12, $0x3;
	s18 =	sshrl.u32 s13, $0x3;
	[dreg:$0x5] =	wrdreg s22  }
0x13: {  	s19 =	sshrl.u32 s15, $0x3;
	s4 =	sshrl.u32 s4, $0x3;
	[dreg:$0x6] =	wrdreg s30  }
0x14: {  	s15 =	simm.s32 $0x100;
	s13 =	simm.s32 $0x5;
	[dreg:$0x9] =	wrdreg s24  }
0x15: {  	[dreg:$0xa] =	wrdreg s14;
	s26 =	sshrl.u32 s25, $0x3;
	s10 =	sadd.s32 s0, s10  }
0x16: {  	s17 =	sadd.s32 s0, s12;
	s24 =	sadd.s32 s7, s11;
	s25 =	sshll.u32 s25, $0x1  }
0x17: {  	s28 =	sor.u32 $0x1, s9;
	s29 =	sadd.s32 $0x3, s9;
	s14 =	simm.s32 $0x4300  }
0x18: {  	s11 =	simm.s32 $0x2;
	s12 =	simm.s32 $0x8;
	[dreg:$0xb] =	wrdreg s10  }
0x19: {  	[dreg:$0xc] =	wrdreg s17;
	s10 =	sadd.s32 s0, s18;
	s20 =	sadd.s32 s1, s26  }
0x1a: {  	s23 =	sadd.s32 s5, s26;
	[dreg:$0x12] =	wrdreg s24;
	s26 =	smax.u32 s8, $0x1  }
0x1b: {  	s17 =	simm.s32 $0x280;
	s18 =	simm.s32 $0x10B00;
	[dreg:$0xd] =	wrdreg s10  }
0x1c: {  	s24 =	simm.s32 $0x7;
	s8 =	simm.s32 $0x0;
	[dreg:$0x10] =	wrdreg s20  }
0x1d: {  	s10 =	sadd.s32 s0, s19;
	s0 =	sadd.s32 s0, s4;
	[dreg:$0x11] =	wrdreg s23  }
0x1e: {  	[dreg:$0x14] =	wrdreg s26;
	s26 =	sadd.s32 $0x2, s9;
	s19 =	simm.s32 $0x10300  }
0x1f: {  	s20 =	simm.s32 $0x4;
	s23 =	simm.s32 $0x1;
	[dreg:$0xe] =	wrdreg s10  }
0x20: {  	[dreg:$0xf] =	wrdreg s0;
	s0 =	sadd.s32 s7, s25;
	s25 =	simm.s32 $0x6  }
0x21: {  	v0 =	vimm.f32 $0.0e+00;
	v1 =	vimm.s32 $0x0;
	s10 =	simm.s32 $0x3;
	[dreg:$0x13] =	wrdreg s0;
	s0 =	simm.s32 $0x80  }
.LBB2_1:
0x22: {  	[dreg:$0x15] =	wrdreg s8;
	s8 =	simm.s32 $0x40;
	s4 =	simm.s32 $0x0  }
.LBB2_2:
0x23: {  	p0 =	sne.s32 s8, $0x1FC0;
	[tilespmem:s4+$0x11300] =	vst v0;
	s4 =	smov.u32 s8;
	s8 =	sadd.s32 $0x40, s8  }
.Ltmp0:
0x24: {  	(pc) =	sbr.rel @p0 .LBB2_2-.Ltmp0, $2  }
0x25: {  	_ =	sdelay $0x2  }
0x26: {  	s4 =	sshra.s32 s4, $0x2  }
0x27: {  	[tilespmem:s4+$0x11300] =	vst v0;
	s8 =	simm.s32 $0x11300  }
0x28: {  	[spmem:s21] =	stream.linear.scatter [tilespmem:s8], [sflag:$0x9], $0x800, $0x38;
	[tilespmem:$0x14300] =	vst v63  }
0x29: {  	_ =	swait.ge [sflag:s31], $0x800  }
0x2a: {  	[sflag:s31] =	ssyncset.done $0x0  }
0x2b: {  	[sflag:s31] =	ssyncadd.s32 $0xFFFFF800  }
0x2c: {  	[spmem:s22] =	stream.linear.scatter [tilespmem:s8], [sflag:$0x9], $0x800, $0x38;
	[tilespmem:$0x14300] =	vst v63  }
0x2d: {  	_ =	swait.ge [sflag:s31], $0x800  }
0x2e: {  	[sflag:s31] =	ssyncset.done $0x0  }
0x2f: {  	[sflag:s31] =	ssyncadd.s32 $0xFFFFF800  }
0x30: {  	[spmem:s30] =	stream.linear.scatter [tilespmem:s8], [sflag:$0x9], $0x800, $0x38;
	[tilespmem:$0x14300] =	vst v63  }
0x31: {  	_ =	swait.ge [sflag:s31], $0x800  }
0x32: {  	[sflag:s31] =	ssyncset.done $0x0  }
0x33: {  	s30 =	rddreg [dreg:$0x7];
	[sflag:s31] =	ssyncadd.s32 $0xFFFFF800  }
0x34: {  	[spmem:s30] =	stream.linear.scatter [tilespmem:s8], [sflag:$0x9], $0x800, $0x38;
	[tilespmem:$0x14300] =	vst v63  }
0x35: {  	_ =	swait.ge [sflag:s31], $0x800  }
0x36: {  	[sflag:s31] =	ssyncset.done $0x0  }
0x37: {  	s21 =	rddreg [dreg:$0x8];
	[sflag:s31] =	ssyncadd.s32 $0xFFFFF800  }
0x38: {  	[spmem:s21] =	stream.linear.scatter [tilespmem:s8], [sflag:$0x9], $0x800, $0x38;
	[tilespmem:$0x14300] =	vst v63  }
0x39: {  	_ =	swait.ge [sflag:s31], $0x800  }
0x3a: {  	[sflag:s31] =	ssyncset.done $0x0  }
0x3b: {  	[sflag:s31] =	ssyncadd.s32 $0xFFFFF800  }
0x3c: {  	[bflag:$0x0] =	sbarrier.arrive $0xFFFF  }
0x3d: {  	s4 =	simm.s32 $0x0;
	s22 =	rddreg [dreg:$0x9]  }
0x3e: {  	[tilespmem:s4], [sflag:$0x9] =	stream.linear.gather [hbm4b:s22+s4], $0x80, $0x38;
	[tilespmem:$0x14300] =	vst v63  }
0x3f: {  	_ =	swait.ge [sflag:s31], $0x80  }
0x40: {  	[sflag:s31] =	ssyncset.done $0x0  }
0x41: {  	s30 =	rddreg [dreg:$0xa];
	[sflag:s31] =	ssyncadd.s32 $0xFFFFFF80  }
0x42: {  	[tilespmem:s0], [sflag:$0x9] =	stream.linear.gather [hbm4b:s30+s4], $0x80, $0x38;
	[tilespmem:$0x14300] =	vst v63  }
0x43: {  	_ =	swait.ge [sflag:s31], $0x80  }
0x44: {  	[sflag:s31] =	ssyncset.done $0x0  }
0x45: {  	s21 =	simm.s32 $0x300;
	[sflag:s31] =	ssyncadd.s32 $0xFFFFFF80  }
0x46: {  	[tilespmem:s21], [sflag:$0x1] =	stream.indirect.gather [hbm4b:s6+s0], $0x80, s4, s0, $0xb8;
	[tilespmem:$0x14300] =	vst v63  }
0x47: {  	_ = 	snop  }
0x48: {  	[tilespmem:s14], [sflag:$0x1] =	stream.indirect.gather [hbm4b:s6+s0], $0x80, s0, s0, $0xb8;
	[tilespmem:$0x14300] =	vst v63  }
0x49: {  	s22 =	rddreg [dreg:$0x10]  }
0x4a: {  	[tilespmem:s15], [sflag:$0x4] =	stream.linear.gather [hbm4b:s22+s4], $0x80, $0x38;
	[tilespmem:$0x14300] =	vst v63  }
0x4b: {  	s30 =	rddreg [dreg:$0x11]  }
0x4c: {  	[tilespmem:s16], [sflag:$0x4] =	stream.linear.gather [hbm4b:s30+s4], $0x80, $0x38;
	[tilespmem:$0x14300] =	vst v63  }
0x4d: {  	s8 =	simm.s32 $0x40;
	s4 =	simm.s32 $0x0  }
.LBB2_4:
0x4e: {  	p0 =	sne.s32 s8, $0x1FC0;
	[tilespmem:s4+$0x10300] =	vst v0;
	s4 =	smov.u32 s8;
	s8 =	sadd.s32 $0x40, s8  }
.Ltmp1:
0x4f: {  	(pc) =	sbr.rel @p0 .LBB2_4-.Ltmp1, $2  }
0x50: {  	_ =	sdelay $0x2  }
0x51: {  	s4 =	sshra.s32 s4, $0x2  }
0x52: {  	[tilespmem:s4+$0x10300] =	vst v0;
	s8 =	simm.s32 $0x40;
	s4 =	simm.s32 $0x0  }
.LBB2_6:
0x53: {  	p0 =	sne.s32 s8, $0x1FC0;
	[tilespmem:s4+$0x10B00] =	vst v0;
	s4 =	smov.u32 s8;
	s8 =	sadd.s32 $0x40, s8  }
.Ltmp2:
0x54: {  	(pc) =	sbr.rel @p0 .LBB2_6-.Ltmp2, $2  }
0x55: {  	_ =	sdelay $0x2  }
0x56: {  	s4 =	sshra.s32 s4, $0x2  }
0x57: {  	[tilespmem:s4+$0x10B00] =	vst v0  }
0x58: {  	[tilespmem:$0x280] =	vst v1  }
0x59: {  	[tilespmem:$0x290] =	vst v1  }
0x5a: {  	[tilespmem:$0x2A0] =	vst v1  }
0x5b: {  	[tilespmem:$0x2B0] =	vst v1  }
0x5c: {  	[tilespmem:$0x2C0] =	vst v1  }
0x5d: {  	[tilespmem:$0x2D0] =	vst v1  }
0x5e: {  	[tilespmem:$0x2E0] =	vst v1  }
0x5f: {  	[tilespmem:$0x2F0] =	vst v1  }
0x60: {  	[spmem:s2] =	stream.indirect.scatter.add.f32 [tilespmem:s18], [sflag:$0x6], $0x10, s17, s0, $0xb8;
	[tilespmem:$0x14300] =	vst v63  }
0x61: {  	s30 =	simm.s32 $0x0;
	s21 =	rddreg [dreg:$0x12]  }
0x62: {  	[hbm4b:s21+s30] =	stream.linear.scatter [tilespmem:s19], [sflag:$0x7], $0x800, $0x38;
	[tilespmem:$0x14300] =	vst v63  }
0x63: {  	s22 =	rddreg [dreg:$0x13]  }
0x64: {  	[hbm4b:s22+s30] =	stream.linear.scatter [tilespmem:s18], [sflag:$0x8], $0x800, $0x38;
	[tilespmem:$0x14300] =	vst v63  }
.LBB2_8:
0x65: {  	_ =	swait.ge [sflag:s20], $0x80  }
0x66: {  	[sflag:s20] =	ssyncset.done $0x0  }
0x67: {  	[sflag:s20] =	ssyncadd.s32 $0xFFFFFF80  }
0x68: {  	_ =	swait.ge [sflag:s20], $0x80  }
0x69: {  	[sflag:s20] =	ssyncset.done $0x0  }
0x6a: {  	s4 =	simm.s32 $0x8300;
	[sflag:s20] =	ssyncadd.s32 $0xFFFFFF80  }
0x6b: {  	[tilespmem:s4], [sflag:$0x2] =	stream.indirect.gather [hbm4b:s6+s0], $0x80, s15, s0, $0xb8;
	[tilespmem:$0x14300] =	vst v63  }
0x6c: {  	s21 =	simm.s32 $0xC300  }
0x6d: {  	[tilespmem:s21], [sflag:$0x2] =	stream.indirect.gather [hbm4b:s6+s0], $0x80, s16, s0, $0xb8;
	[tilespmem:$0x14300] =	vst v63  }
0x6e: {  	_ =	swait.ge [sflag:s23], $0x4000  }
0x6f: {  	[sflag:s23] =	ssyncset.done $0x0  }
0x70: {  	[sflag:s23] =	ssyncadd.s32 $0xFFFFC000  }
0x71: {  	_ =	swait.ge [sflag:s23], $0x4000  }
0x72: {  	[sflag:s23] =	ssyncset.done $0x0  }
0x73: {  	[sflag:s23] =	ssyncadd.s32 $0xFFFFC000  }
0x74: {  	_ =	swait.ge [sflag:s24], $0x800  }
0x75: {  	[sflag:s24] =	ssyncset.done $0x0  }
0x76: {  	s22 =	simm.s32 $0x0;
	[sflag:s24] =	ssyncadd.s32 $0xFFFFF800  }
0x77: {  	v2 =	vld [tilespmem:s22+$0x4310]  }
0x78: {  	v3 =	vld [tilespmem:s22+$0x300];
	_ =	sdelay $0x4  }
0x79: {  	v2 =	vadd.f32 v2, v3;
	_ =	sdelay $0x1  }
0x7a: {  	v3 =	vmul.f32 $2.000000030e-01, v2;
	_ =	sdelay $0x1  }
0x7b: {  	v2 =	vmax.f32 v2, v3  }
0x7c: {  	v2 =	vmul.f32 $1.442695020e+00, v2;
	_ =	sdelay $0x1  }
0x7d: {  	(erf) = vpow2.f32 v2;
	_ =	sdelay $0x8  }
0x7e: {  	s21 =	simm.s32 $0x10300;
	v2 =	vpop (erf)  }
0x7f: {  	s8 =	simm.s32 $0x80;
	[tilespmem:s21+$0x0] =	vst v2  }
0x80: {  	s22 =	simm.s32 $0x400;
	v2 =	vld [tilespmem:s8+$0x4310]  }
.LBB2_9:
0x81: {  	p0 =	sne.s32 s22, $0xFE00;
	v3 =	vld [tilespmem:s8+$0x300];
	_ =	sdelay $0x4  }
0x82: {  	v2 =	vadd.f32 v2, v3;
	_ =	sdelay $0x1  }
0x83: {  	v3 =	vmul.f32 $2.000000030e-01, v2;
	_ =	sdelay $0x1  }
0x84: {  	v2 =	vmax.f32 v2, v3  }
0x85: {  	v2 =	vmul.f32 $1.442695020e+00, v2;
	_ =	sdelay $0x1  }
0x86: {  	(erf) = vpow2.f32 v2;
	_ =	sdelay $0x6  }
.Ltmp3:
0x87: {  	(pc) =	sbr.rel @p0 .LBB2_9-.Ltmp3, $4  }
0x88: {  	_ = 	snop  }
0x89: {  	s21 =	sadd.s32 $0x10, s21;
	v2 =	vpop (erf)  }
0x8a: {  	s8 =	sshra.s32 s22, $0x2;
	[tilespmem:s21+$0x0] =	vst v2  }
0x8b: {  	s22 =	sadd.s32 $0x200, s22;
	v2 =	vld [tilespmem:s8+$0x4310]  }
0x8c: {  	v3 =	vld [tilespmem:s8+$0x300];
	_ =	sdelay $0x4  }
0x8d: {  	v2 =	vadd.f32 v2, v3;
	_ =	sdelay $0x1  }
0x8e: {  	v3 =	vmul.f32 $2.000000030e-01, v2;
	_ =	sdelay $0x1  }
0x8f: {  	v2 =	vmax.f32 v2, v3  }
0x90: {  	v2 =	vmul.f32 $1.442695020e+00, v2;
	_ =	sdelay $0x1  }
0x91: {  	(erf) = vpow2.f32 v2;
	_ =	sdelay $0x8  }
0x92: {  	s4 =	sadd.s32 $0x10, s21;
	v2 =	vpop (erf)  }
0x93: {  	[tilespmem:s4+$0x0] =	vst v2  }
0x94: {  	_ =	swait.ge [sflag:s25], $0x800  }
0x95: {  	[sflag:s25] =	ssyncset.done $0x0  }
0x96: {  	[sflag:s25] =	ssyncadd.s32 $0xFFFFF800  }
0x97: {  	v2 =	vld [tilespmem:$0x80]  }
0x98: {  	v3 =	vld [tilespmem:$0x90]  }
0x99: {  	v4 =	vld [tilespmem:$0xA0]  }
0x9a: {  	v5 =	vld [tilespmem:$0xB0]  }
0x9b: {  	v6 =	vld [tilespmem:$0xC0]  }
0x9c: {  	v63 =	vld [tilespmem:$0xF0];
	[tilespmem:$0x200] =	vst v2  }
0x9d: {  	v2 =	vld [tilespmem:$0xD0];
	[tilespmem:$0x210] =	vst v3  }
0x9e: {  	v3 =	vld [tilespmem:$0xE0];
	[tilespmem:$0x220] =	vst v4  }
0x9f: {  	[tilespmem:$0x230] =	vst v5  }
0xa0: {  	[tilespmem:$0x240] =	vst v6  }
0xa1: {  	s21 =	sshll.u32 s30, $0x1;
	[tilespmem:$0x270] =	vst v63  }
0xa2: {  	s8 =	sadd.s32 s9, s21;
	[tilespmem:$0x250] =	vst v2  }
0xa3: {  	s22 =	simm.s32 $0x200;
	s4 =	sshll.u32 s8, $0x8;
	[tilespmem:$0x260] =	vst v3  }
0xa4: {  	[spmem:s2] =	stream.indirect.scatter.add.f32 [tilespmem:s19], [sflag:$0x5], $0x10, s22, s0, $0xb8;
	[tilespmem:$0x14300] =	vst v63  }
0xa5: {  	s8 =	simm.s32 $0x0;
	s4 =	sadd.s32 s7, s4;
	s22 =	smin.u32 s21, $0x4F  }
0xa6: {  	[hbm4b:s4+s8] =	stream.linear.scatter [tilespmem:s19], [sflag:$0x7], $0x800, $0x38;
	[tilespmem:$0x14300] =	vst v63  }
0xa7: {  	s4 =	sadd.s32 s22, s26  }
0xa8: {  	s4 =	sshll.u32 s4, $0x4  }
0xa9: {  	s22 =	sadd.s32 s1, s4  }
0xaa: {  	[tilespmem:s8], [sflag:$0x3] =	stream.linear.gather [hbm4b:s22+s8], $0x80, $0x38;
	[tilespmem:$0x14300] =	vst v63  }
0xab: {  	s4 =	sadd.s32 s5, s4  }
0xac: {  	[tilespmem:s0], [sflag:$0x3] =	stream.linear.gather [hbm4b:s4+s8], $0x80, $0x38;
	[tilespmem:$0x14300] =	vst v63  }
0xad: {  	_ =	swait.ge [sflag:s10], $0x80  }
0xae: {  	[sflag:s10] =	ssyncset.done $0x0  }
0xaf: {  	[sflag:s10] =	ssyncadd.s32 $0xFFFFFF80  }
0xb0: {  	_ =	swait.ge [sflag:s10], $0x80  }
0xb1: {  	[sflag:s10] =	ssyncset.done $0x0  }
0xb2: {  	s22 =	simm.s32 $0x300;
	[sflag:s10] =	ssyncadd.s32 $0xFFFFFF80  }
0xb3: {  	[tilespmem:s22], [sflag:$0x1] =	stream.indirect.gather [hbm4b:s6+s0], $0x80, s8, s0, $0xb8;
	[tilespmem:$0x14300] =	vst v63  }
0xb4: {  	_ = 	snop  }
0xb5: {  	[tilespmem:s14], [sflag:$0x1] =	stream.indirect.gather [hbm4b:s6+s0], $0x80, s0, s0, $0xb8;
	[tilespmem:$0x14300] =	vst v63  }
0xb6: {  	_ =	swait.ge [sflag:s11], $0x4000  }
0xb7: {  	[sflag:s11] =	ssyncset.done $0x0  }
0xb8: {  	[sflag:s11] =	ssyncadd.s32 $0xFFFFC000  }
0xb9: {  	_ =	swait.ge [sflag:s11], $0x4000  }
0xba: {  	[sflag:s11] =	ssyncset.done $0x0  }
0xbb: {  	[sflag:s11] =	ssyncadd.s32 $0xFFFFC000  }
0xbc: {  	_ =	swait.ge [sflag:s12], $0x800  }
0xbd: {  	[sflag:s12] =	ssyncset.done $0x0  }
0xbe: {  	s22 =	simm.s32 $0x0;
	[sflag:s12] =	ssyncadd.s32 $0xFFFFF800  }
0xbf: {  	v2 =	vld [tilespmem:s22+$0xC310]  }
0xc0: {  	v3 =	vld [tilespmem:s22+$0x8300];
	_ =	sdelay $0x4  }
0xc1: {  	v2 =	vadd.f32 v2, v3;
	_ =	sdelay $0x1  }
0xc2: {  	v3 =	vmul.f32 $2.000000030e-01, v2;
	_ =	sdelay $0x1  }
0xc3: {  	v2 =	vmax.f32 v2, v3  }
0xc4: {  	v2 =	vmul.f32 $1.442695020e+00, v2;
	_ =	sdelay $0x1  }
0xc5: {  	(erf) = vpow2.f32 v2;
	_ =	sdelay $0x8  }
0xc6: {  	s22 =	simm.s32 $0x10B00;
	v2 =	vpop (erf)  }
0xc7: {  	s4 =	simm.s32 $0x80;
	[tilespmem:s22+$0x0] =	vst v2  }
0xc8: {  	s8 =	simm.s32 $0x400;
	v2 =	vld [tilespmem:s4+$0xC310]  }
.LBB2_11:
0xc9: {  	p0 =	sne.s32 s8, $0xFE00;
	v3 =	vld [tilespmem:s4+$0x8300];
	_ =	sdelay $0x4  }
0xca: {  	v2 =	vadd.f32 v2, v3;
	_ =	sdelay $0x1  }
0xcb: {  	v3 =	vmul.f32 $2.000000030e-01, v2;
	_ =	sdelay $0x1  }
0xcc: {  	v2 =	vmax.f32 v2, v3  }
0xcd: {  	v2 =	vmul.f32 $1.442695020e+00, v2;
	_ =	sdelay $0x1  }
0xce: {  	(erf) = vpow2.f32 v2;
	_ =	sdelay $0x6  }
.Ltmp4:
0xcf: {  	(pc) =	sbr.rel @p0 .LBB2_11-.Ltmp4, $4  }
0xd0: {  	_ = 	snop  }
0xd1: {  	s22 =	sadd.s32 $0x10, s22;
	v2 =	vpop (erf)  }
0xd2: {  	s4 =	sshra.s32 s8, $0x2;
	[tilespmem:s22+$0x0] =	vst v2  }
0xd3: {  	s8 =	sadd.s32 $0x200, s8;
	v2 =	vld [tilespmem:s4+$0xC310]  }
0xd4: {  	v3 =	vld [tilespmem:s4+$0x8300];
	_ =	sdelay $0x4  }
0xd5: {  	v2 =	vadd.f32 v2, v3;
	_ =	sdelay $0x1  }
0xd6: {  	v3 =	vmul.f32 $2.000000030e-01, v2;
	_ =	sdelay $0x1  }
0xd7: {  	v2 =	vmax.f32 v2, v3  }
0xd8: {  	v2 =	vmul.f32 $1.442695020e+00, v2;
	_ =	sdelay $0x1  }
0xd9: {  	(erf) = vpow2.f32 v2;
	_ =	sdelay $0x8  }
0xda: {  	s22 =	sadd.s32 $0x10, s22;
	v2 =	vpop (erf)  }
0xdb: {  	[tilespmem:s22+$0x0] =	vst v2  }
0xdc: {  	_ =	swait.ge [sflag:s13], $0x800  }
0xdd: {  	[sflag:s13] =	ssyncset.done $0x0  }
0xde: {  	[sflag:s13] =	ssyncadd.s32 $0xFFFFF800  }
0xdf: {  	v2 =	vld [tilespmem:$0x180]  }
0xe0: {  	v3 =	vld [tilespmem:$0x190]  }
0xe1: {  	v4 =	vld [tilespmem:$0x1A0]  }
0xe2: {  	v5 =	vld [tilespmem:$0x1B0]  }
0xe3: {  	v6 =	vld [tilespmem:$0x1C0]  }
0xe4: {  	v63 =	vld [tilespmem:$0x1F0];
	[tilespmem:$0x280] =	vst v2  }
0xe5: {  	v2 =	vld [tilespmem:$0x1D0];
	[tilespmem:$0x290] =	vst v3  }
0xe6: {  	v3 =	vld [tilespmem:$0x1E0];
	[tilespmem:$0x2A0] =	vst v4  }
0xe7: {  	[tilespmem:$0x2B0] =	vst v5  }
0xe8: {  	[tilespmem:$0x2C0] =	vst v6  }
0xe9: {  	s8 =	sadd.s32 s21, s28;
	[tilespmem:$0x2F0] =	vst v63  }
0xea: {  	s4 =	sshll.u32 s8, $0x8;
	[tilespmem:$0x2D0] =	vst v2  }
0xeb: {  	s4 =	sand.u32 $0x1FFFFF00, s4;
	[tilespmem:$0x2E0] =	vst v3  }
0xec: {  	[spmem:s2] =	stream.indirect.scatter.add.f32 [tilespmem:s18], [sflag:$0x6], $0x10, s17, s0, $0xb8;
	[tilespmem:$0x14300] =	vst v63  }
0xed: {  	s30 =	sadd.s32 $0x1, s30;
	s4 =	sadd.s32 s7, s4;
	s22 =	smin.u32 s21, $0x4E  }
0xee: {  	[hbm4b:s4+s3] =	stream.linear.scatter [tilespmem:s18], [sflag:$0x8], $0x800, $0x38;
	[tilespmem:$0x14300] =	vst v63  }
0xef: {  	p0 =	sne.s32 s30, $0x29;
	s4 =	sadd.s32 s22, s29  }
.Ltmp5:
0xf0: {  	s4 =	sshll.u32 s4, $0x4;
	(pc) =	sbr.rel @p0 .LBB2_8-.Ltmp5, $4  }
0xf1: {  	s8 =	sadd.s32 s1, s4  }
0xf2: {  	[tilespmem:s15], [sflag:$0x4] =	stream.linear.gather [hbm4b:s8+s3], $0x80, $0x38;
	[tilespmem:$0x14300] =	vst v63  }
0xf3: {  	s4 =	sadd.s32 s5, s4  }
0xf4: {  	[tilespmem:s16], [sflag:$0x4] =	stream.linear.gather [hbm4b:s4+s3], $0x80, $0x38;
	[tilespmem:$0x14300] =	vst v63  }
0xf5: {  	_ =	swait.ge [sflag:s23], $0x4000  }
0xf6: {  	[sflag:s23] =	ssyncset.done $0x0  }
0xf7: {  	[sflag:s23] =	ssyncadd.s32 $0xFFFFC000  }
0xf8: {  	_ =	swait.ge [sflag:s23], $0x4000  }
0xf9: {  	[sflag:s23] =	ssyncset.done $0x0  }
0xfa: {  	[sflag:s23] =	ssyncadd.s32 $0xFFFFC000  }
0xfb: {  	_ =	swait.ge [sflag:s20], $0x80  }
0xfc: {  	[sflag:s20] =	ssyncset.done $0x0  }
0xfd: {  	[sflag:s20] =	ssyncadd.s32 $0xFFFFFF80  }
0xfe: {  	_ =	swait.ge [sflag:s20], $0x80  }
0xff: {  	[sflag:s20] =	ssyncset.done $0x0  }
0x100: {  	[sflag:s20] =	ssyncadd.s32 $0xFFFFFF80  }
0x101: {  	_ =	swait.ge [sflag:s25], $0x800  }
0x102: {  	[sflag:s25] =	ssyncset.done $0x0  }
0x103: {  	[sflag:s25] =	ssyncadd.s32 $0xFFFFF800  }
0x104: {  	_ =	swait.ge [sflag:s24], $0x800  }
0x105: {  	[sflag:s24] =	ssyncset.done $0x0  }
0x106: {  	[sflag:s24] =	ssyncadd.s32 $0xFFFFF800  }
0x107: {  	_ =	swait.ge [sflag:s12], $0x800  }
0x108: {  	[sflag:s12] =	ssyncset.done $0x0  }
0x109: {  	[sflag:s12] =	ssyncadd.s32 $0xFFFFF800  }
0x10a: {  	[bflag:$0x0] =	sbarrier.arrive $0xFFFF  }
0x10b: {  	s8 =	simm.s32 $0x11300;
	s21 =	rddreg [dreg:$0x4]  }
0x10c: {  	[tilespmem:s8], [sflag:$0x9] =	stream.linear.gather [spmem:s21], $0x800, $0x38;
	[tilespmem:$0x14300] =	vst v63  }
0x10d: {  	_ =	swait.ge [sflag:s31], $0x800  }
0x10e: {  	[sflag:s31] =	ssyncset.done $0x0  }
0x10f: {  	s4 =	rddreg [dreg:$0xb];
	[sflag:s31] =	ssyncadd.s32 $0xFFFFF800  }
0x110: {  	[hbm4b:s4+s3] =	stream.linear.scatter [tilespmem:s8], [sflag:$0x9], $0x800, $0x38;
	[tilespmem:$0x14300] =	vst v63  }
0x111: {  	_ =	swait.ge [sflag:s31], $0x800  }
0x112: {  	[sflag:s31] =	ssyncset.done $0x0  }
0x113: {  	s22 =	rddreg [dreg:$0x5];
	[sflag:s31] =	ssyncadd.s32 $0xFFFFF800  }
0x114: {  	[tilespmem:s8], [sflag:$0x9] =	stream.linear.gather [spmem:s22], $0x800, $0x38;
	[tilespmem:$0x14300] =	vst v63  }
0x115: {  	_ =	swait.ge [sflag:s31], $0x800  }
0x116: {  	[sflag:s31] =	ssyncset.done $0x0  }
0x117: {  	s4 =	rddreg [dreg:$0xc];
	[sflag:s31] =	ssyncadd.s32 $0xFFFFF800  }
0x118: {  	[hbm4b:s4+s3] =	stream.linear.scatter [tilespmem:s8], [sflag:$0x9], $0x800, $0x38;
	[tilespmem:$0x14300] =	vst v63  }
0x119: {  	_ =	swait.ge [sflag:s31], $0x800  }
0x11a: {  	[sflag:s31] =	ssyncset.done $0x0  }
0x11b: {  	s30 =	rddreg [dreg:$0x6];
	[sflag:s31] =	ssyncadd.s32 $0xFFFFF800  }
0x11c: {  	[tilespmem:s8], [sflag:$0x9] =	stream.linear.gather [spmem:s30], $0x800, $0x38;
	[tilespmem:$0x14300] =	vst v63  }
0x11d: {  	_ =	swait.ge [sflag:s31], $0x800  }
0x11e: {  	[sflag:s31] =	ssyncset.done $0x0  }
0x11f: {  	s4 =	rddreg [dreg:$0xd];
	[sflag:s31] =	ssyncadd.s32 $0xFFFFF800  }
0x120: {  	[hbm4b:s4+s3] =	stream.linear.scatter [tilespmem:s8], [sflag:$0x9], $0x800, $0x38;
	[tilespmem:$0x14300] =	vst v63  }
0x121: {  	_ =	swait.ge [sflag:s31], $0x800  }
0x122: {  	[sflag:s31] =	ssyncset.done $0x0  }
0x123: {  	s4 =	rddreg [dreg:$0x7];
	[sflag:s31] =	ssyncadd.s32 $0xFFFFF800  }
0x124: {  	[tilespmem:s8], [sflag:$0x9] =	stream.linear.gather [spmem:s4], $0x800, $0x38;
	[tilespmem:$0x14300] =	vst v63  }
0x125: {  	_ =	swait.ge [sflag:s31], $0x800  }
0x126: {  	[sflag:s31] =	ssyncset.done $0x0  }
0x127: {  	s4 =	rddreg [dreg:$0xe];
	[sflag:s31] =	ssyncadd.s32 $0xFFFFF800  }
0x128: {  	[hbm4b:s4+s3] =	stream.linear.scatter [tilespmem:s8], [sflag:$0x9], $0x800, $0x38;
	[tilespmem:$0x14300] =	vst v63  }
0x129: {  	_ =	swait.ge [sflag:s31], $0x800  }
0x12a: {  	[sflag:s31] =	ssyncset.done $0x0  }
0x12b: {  	s4 =	rddreg [dreg:$0x8];
	[sflag:s31] =	ssyncadd.s32 $0xFFFFF800  }
0x12c: {  	[tilespmem:s8], [sflag:$0x9] =	stream.linear.gather [spmem:s4], $0x800, $0x38;
	[tilespmem:$0x14300] =	vst v63  }
0x12d: {  	_ =	swait.ge [sflag:s31], $0x800  }
0x12e: {  	[sflag:s31] =	ssyncset.done $0x0  }
0x12f: {  	s4 =	rddreg [dreg:$0xf];
	[sflag:s31] =	ssyncadd.s32 $0xFFFFF800  }
0x130: {  	[hbm4b:s4+s3] =	stream.linear.scatter [tilespmem:s8], [sflag:$0x9], $0x800, $0x38;
	[tilespmem:$0x14300] =	vst v63  }
0x131: {  	_ =	swait.ge [sflag:s31], $0x800  }
0x132: {  	s4 =	rddreg [dreg:$0x15]  }
0x133: {  	s8 =	sadd.s32 $0x1, s4;
	s4 =	rddreg [dreg:$0x14]  }
0x134: {  	p0 =	sne.s32 s8, s4  }
.Ltmp6:
0x135: {  	_ = 	snop;
	(pc) =	sbr.rel @p0 .LBB2_1-.Ltmp6, $3  }
0x136: {  	_ =	sdelay $0x1  }
0x137: {  	[sflag:s31] =	ssyncset.done $0x0  }
0x138: {  	[sflag:s31] =	ssyncadd.s32 $0xFFFFF800  }
0x139: {  	_ =	sfence.sel $0x180000  }
0x13a: {  	[bflag:$0x0] =	sbarrier.arrive $0xFFFF  }
0x13b: {  	_ =	strace $0x90000047  }
0x13c: {  	s0 =	stileid.u32;
	[bflag:$0x2] =	sbarrier.arrive $0xFFFF  }
0x13d: {  	p0 =	sne.s32 s0, $0x0;
	s0 =	rddreg [dreg:$0x3]  }
0x13e: {  	s0 =	sadd.s32 @!p0 $0x100000, s0  }
0x13f: {  	[sflag:s0] =	ssyncadd.tile.s32 @!p0 $0x1;
	_ =	shalt  }
.Lfunc_end2:
_tile_overlayer_lowered:
.L_overlay_start_2:
0x140: {  	(tag) =	ssettag $0x2  }
0x141: {  	s0 =	rddreg [dreg:$0x0];
	s2 =	stileid.u32  }
0x142: {  	s1 =	rddreg [dreg:$0x1];
	p0 =	sne.s32 s2, $0x0  }
0x143: {  	s3 =	rddreg [dreg:$0x2];
	[bflag:$0x3] =	sbarrier.arrive $0xFFFF;
	s2 =	simm.s32 @!p0 $0x1C09  }
0x144: {  	[timem:s3], [sflag:s2] =	dma.local @!p0 [hbm:s0], s1  }
0x145: {  	s0 =	simm.s32 @!p0 $0x9  }
0x146: {  	_ =	swait.ge @!p0 [sflag:s0], s1  }
0x147: {  	s1 =	ssub.s32 @!p0 $0x0, s1;
	[sflag:s0] =	ssyncset.done @!p0 $0x0  }
0x148: {  	[sflag:s0] =	ssyncadd.s32 @!p0 s1  }
0x149: {  	[bflag:$0x3] =	sbarrier.arrive $0xFFFF  }
0x14a: {  	_ =	shalt  }

</sc_bundles>
